<compile_context>
chip_gen: v7x
topology: tpu7x:2x2x1
jax: 0.10.2.dev20260603
libtpu: 0.0.44.dev20260713+nightly
codegen_flags: <defaults>
</compile_context>

<pallas_src>
import functools

import jax
import jax.numpy as jnp
import numpy as np
from jax import lax
from jax.experimental import pallas as pl
from jax.experimental.pallas import tpu as pltpu
from jax.experimental.pallas import tpu_sc as plsc

NC, NS, L = 2, 16, 16
B = 16
NQ = 5000
NCLS = 91
NFLAT = NQ * NCLS
K = 300
KPAD = 304
BOXROW = KPAD * 4
NBINS = 1 << 14
BIN_SHIFT = 18
CH = 49152
NCHF = 9
TAILW = NFLAT - NCHF * CH
TAILFULL = 789
CAP = 4096
SENT_VAL = -1.0e30
SENT_IDX = 0x3FFFFF00
TOPBIT = np.uint32(0x80000000)
UNR = 4

_mesh = plsc.VectorSubcoreMesh(core_axis_name="c", subcore_axis_name="s",
                               num_cores=NC, num_subcores=NS)


def _skey(v):
    u = plsc.bitcast(v, jnp.uint32)
    return jnp.where(u >= TOPBIT, ~u, u | TOPBIT)


@functools.partial(
    pl.kernel,
    out_type=(
        jax.ShapeDtypeStruct((B * KPAD,), jnp.float32),
        jax.ShapeDtypeStruct((B * KPAD,), jnp.int32),
        jax.ShapeDtypeStruct((B * BOXROW,), jnp.float32),
    ),
    mesh=_mesh,
    compiler_params=pltpu.CompilerParams(needs_layout_passes=False),
    scratch_types=[
        pltpu.VMEM((CH,), jnp.float32),
        pltpu.VMEM((NBINS,), jnp.int32),
        pltpu.VMEM((CAP,), jnp.float32),
        pltpu.VMEM((CAP,), jnp.int32),
        pltpu.VMEM((CAP,), jnp.float32),
        pltpu.VMEM((NQ * 4,), jnp.float32),
        pltpu.VMEM((48,), jnp.float32),
        pltpu.VMEM((KPAD,), jnp.float32),
        pltpu.VMEM((KPAD,), jnp.int32),
        pltpu.VMEM((BOXROW,), jnp.float32),
        pltpu.VMEM((L,), jnp.int32),
    ],
)
def _postprocess_sc(lg, bxh, tsh, out_s, out_l, out_b,
                    buf, hist, cval, cidx, pown,
                    bx, tsb, sscore, slabel, sbox, cntv):
    c = lax.axis_index("c")
    s = lax.axis_index("s")
    img = c * 8 + (s & 7)

    base = img * NFLAT
    iota = lax.iota(jnp.int32, L)
    zero16i = jnp.zeros((L,), jnp.int32)
    zero16f = jnp.zeros((L,), jnp.float32)
    ones16 = jnp.ones((L,), jnp.int32)
    pmask8 = iota < 8

    def _zh(j, _):
        hist[pl.ds(j * L, L)] = zero16i
        return 0
    lax.fori_loop(0, NBINS // L, _zh, 0)

    sscore[pl.ds(288, L)] = zero16f
    slabel[pl.ds(288, L)] = zero16i
    sbox[pl.ds(1200, L)] = zero16f

    pltpu.sync_copy(tsh, tsb.at[pl.ds(0, 32)])
    pltpu.sync_copy(bxh.at[pl.ds(img * NQ * 4, NQ * 4)], bx)

    def _hist_vec(v, msk):
        bn = (_skey(v) >> np.uint32(BIN_SHIFT)).astype(jnp.int32)
        plsc.addupdate_scatter(hist, [bn], ones16, mask=msk)

    def _p1_chunk(k, _):
        pltpu.sync_copy(lg.at[pl.ds(base + k * CH, CH)], buf)

        def _ha(j, _):
            for u in range(UNR):
                _hist_vec(buf[pl.ds((j * UNR + u) * L, L)], None)
            return 0
        lax.fori_loop(0, CH // L // UNR, _ha, 0)
        return 0

    lax.fori_loop(0, NCHF, _p1_chunk, 0)

    tail0 = NCHF * CH
    pltpu.sync_copy(lg.at[pl.ds(base + tail0, TAILW)],
                    buf.at[pl.ds(0, TAILW)])

    def _ht(j, _):
        for u in range(UNR):
            _hist_vec(buf[pl.ds((j * UNR + u) * L, L)], None)
        return 0
    lax.fori_loop(0, TAILFULL // UNR, _ht, 0)
    for u in range(TAILFULL // UNR * UNR, TAILFULL):
        _hist_vec(buf[pl.ds(u * L, L)], None)
    _hist_vec(buf[pl.ds(TAILFULL * L, L)], pmask8)

    nvb = NBINS // L

    def _t_cond(stt):
        vbr, _, bstar = stt
        return jnp.logical_and(bstar < 0, vbr < nvb)

    def _t_body(stt):
        vbr, tot, bstar = stt
        vb = nvb - 1 - vbr
        cs = plsc.cumsum(lax.rev(hist[pl.ds(vb * L, L)], (0,)))
        cross = (tot + cs) >= K
        j = jnp.max(plsc.all_reduce_ffs(cross))
        bs = jnp.where(jnp.any(cross), vb * L + (L - 1) - j, bstar)
        return vbr + 1, tot + jnp.max(cs), bs

    _, _, bstar = lax.while_loop(
        _t_cond, _t_body, (jnp.int32(0), jnp.int32(0), jnp.int32(-1)))
    thr = (jnp.maximum(bstar - 1, 0).astype(jnp.uint32)
           << np.uint32(BIN_SHIFT))

    def _sel_vec(getv, getidx, ptr, msk):
        v = getv
        selm = _skey(v) >= thr
        if msk is not None:
            selm = jnp.logical_and(selm, msk)
        plsc.store_compressed(cval.at[pl.ds(ptr, L)], v, mask=selm)
        plsc.store_compressed(cidx.at[pl.ds(ptr, L)], getidx, mask=selm)
        cnt = plsc.all_reduce_population_count(selm)[0]
        return jnp.minimum(ptr + cnt, jnp.int32(CAP - L))

    def _p2_chunk(k, ptr):
        pltpu.sync_copy(lg.at[pl.ds(base + k * CH, CH)], buf)

        def _inner(j, ptr):
            for u in range(UNR):
                jj = j * UNR + u
                ptr = _sel_vec(buf[pl.ds(jj * L, L)],
                               k * CH + jj * L + iota, ptr, None)
            return ptr
        return lax.fori_loop(0, CH // L // UNR, _inner, ptr)

    ptr = lax.fori_loop(0, NCHF, _p2_chunk, jnp.int32(0))
    pltpu.sync_copy(lg.at[pl.ds(base + tail0, TAILW)],
                    buf.at[pl.ds(0, TAILW)])

    def _p2_tail(j, ptr):
        for u in range(UNR):
            jj = j * UNR + u
            ptr = _sel_vec(buf[pl.ds(jj * L, L)],
                           tail0 + jj * L + iota, ptr, None)
        return ptr
    ptr = lax.fori_loop(0, TAILFULL // UNR, _p2_tail, ptr)
    for u in range(TAILFULL // UNR * UNR, TAILFULL):
        ptr = _sel_vec(buf[pl.ds(u * L, L)], tail0 + u * L + iota, ptr, None)
    ptr = _sel_vec(buf[pl.ds(TAILFULL * L, L)],
                   tail0 + TAILFULL * L + iota, ptr, pmask8)


    cval[pl.ds(ptr, L)] = jnp.full((L,), SENT_VAL, jnp.float32)
    cidx[pl.ds(ptr, L)] = SENT_IDX + iota
    nv1 = (ptr + (L - 1)) // L

    def _pb(j, _):
        sl = pl.ds(j * L, L)
        pown[sl] = 1.0 / (1.0 + jnp.exp(-cval[sl]))
        return 0
    lax.fori_loop(0, nv1, _pb, 0)

    tsv = tsb[pl.ds(2 * img, L)]
    Hsc = tsv[0]
    Wsc = tsv[1]

    def _outer(jv, _):
        sl = pl.ds(jv * L, L)
        pj = pown[sl]
        ij = cidx[sl]

        def _iv(vi, r):
            pv = pown[pl.ds(vi * L, L)]
            nv_ = cidx[pl.ds(vi * L, L)]
            for t in range(L):
                pi = pv[t]
                ii = nv_[t]
                gt = (pi > pj).astype(jnp.int32)
                eq = jnp.logical_and(pi == pj, ii < ij).astype(jnp.int32)
                r = r + gt + eq
            return r
        r = lax.fori_loop(0, nv1, _iv, zero16i)

        ok = r < K
        plsc.store_scatter(sscore, [r], pj, mask=ok)
        plsc.store_scatter(slabel, [r], lax.rem(ij, NCLS), mask=ok)
        b4 = lax.div(ij, NCLS) * 4
        cx = plsc.load_gather(bx, [b4], mask=ok)
        cy = plsc.load_gather(bx, [b4 + 1], mask=ok)
        w_ = plsc.load_gather(bx, [b4 + 2], mask=ok)
        h_ = plsc.load_gather(bx, [b4 + 3], mask=ok)
        rb = r * 4
        plsc.store_scatter(sbox, [rb], (cx - 0.5 * w_) * Wsc, mask=ok)
        plsc.store_scatter(sbox, [rb + 1], (cy - 0.5 * h_) * Hsc, mask=ok)
        plsc.store_scatter(sbox, [rb + 2], (cx + 0.5 * w_) * Wsc, mask=ok)
        plsc.store_scatter(sbox, [rb + 3], (cy + 0.5 * h_) * Hsc, mask=ok)
        return 0
    lax.fori_loop(0, nv1, _outer, 0)

    pltpu.sync_copy(sscore, out_s.at[pl.ds(img * KPAD, KPAD)])
    pltpu.sync_copy(slabel, out_l.at[pl.ds(img * KPAD, KPAD)])
    pltpu.sync_copy(sbox, out_b.at[pl.ds(img * BOXROW, BOXROW)])


def kernel(pred_logits, pred_boxes, target_sizes):
    lg = pred_logits.reshape(B * NFLAT)
    bxf = pred_boxes.reshape(B * NQ * 4)
    tsf = target_sizes.reshape(B * 2)
    scores_f, labels_f, boxes_f = _postprocess_sc(lg, bxf, tsf)
    scores = scores_f.reshape(B, KPAD)[:, :K]
    labels = labels_f.reshape(B, KPAD)[:, :K]
    boxes = boxes_f.reshape(B, KPAD, 4)[:, :K, :]
    return scores, labels, boxes

# --- scband reference (transcript-rebuilt; emitter-appended) ---
"""Pipeline reference for scband-post-process-4011499455124 (READ-ONLY COPY).

The authoritative reference and input builder live on the scoring server;
editing this copy changes nothing except your own understanding.
"""

import jax, jax.numpy as jnp
import numpy as np

NUM_SELECT = 300


def box_cxcywh_to_xyxy(x):
    cx, cy, w, h = jnp.split(x, 4, axis=-1)
    return jnp.concatenate([cx - 0.5 * w, cy - 0.5 * h, cx + 0.5 * w, cy + 0.5 * h], axis=-1)


def setup_inputs(seed: int = 0) -> dict:
    key = jax.random.key(seed)
    k1, k2, k3 = jax.random.split(key, 3)
    pred_logits = jax.random.normal(k1, (16, 5000, 91), dtype=jnp.float32)
    pred_boxes = jax.random.uniform(k2, (16, 5000, 4), dtype=jnp.float32)
    target_sizes = jax.random.uniform(k3, (16, 2), dtype=jnp.float32)
    return {"pred_logits": pred_logits, "pred_boxes": pred_boxes, "target_sizes": target_sizes}


def reference(pred_logits, pred_boxes, target_sizes):
    B, N, C = pred_logits.shape
    prob = jax.nn.sigmoid(pred_logits)
    topk_values, topk_indexes = jax.lax.top_k(prob.reshape(B, N * C), NUM_SELECT)
    scores = topk_values
    topk_boxes = topk_indexes // C
    labels = topk_indexes % C
    boxes = box_cxcywh_to_xyxy(pred_boxes)
    gather_idx = jnp.repeat(topk_boxes[:, :, None], 4, axis=2)
    boxes = jnp.take_along_axis(boxes, gather_idx, axis=1)
    img_h = target_sizes[:, 0]
    img_w = target_sizes[:, 1]
    scale_fct = jnp.stack([img_w, img_h, img_w, img_h], axis=1)
    boxes = boxes * scale_fct[:, None, :]
    return scores, labels, boxes

if __name__ == "__main__":
    import jax
    _d = setup_inputs()
    print(jax.jit(kernel)(*tuple(_d.values())))

</pallas_src>

<mosaic_0001>
#map = affine_map<(d0, d1) -> (0)>
module attributes {stable_mosaic.version = 14 : i64} {
  func.func @_postprocess_sc(%arg0: i32, %arg1: i32, %arg2: memref<7280000xf32, #tpu.memory_space<hbm>>, %arg3: memref<320000xf32, #tpu.memory_space<hbm>>, %arg4: memref<32xf32, #tpu.memory_space<hbm>>, %arg5: memref<4864xf32, #tpu.memory_space<hbm>>, %arg6: memref<4864xi32, #tpu.memory_space<hbm>>, %arg7: memref<19456xf32, #tpu.memory_space<hbm>>, %arg8: memref<49152xf32, #tpu.memory_space<vmem>>, %arg9: memref<16384xi32, #tpu.memory_space<vmem>>, %arg10: memref<4096xf32, #tpu.memory_space<vmem>>, %arg11: memref<4096xi32, #tpu.memory_space<vmem>>, %arg12: memref<4096xf32, #tpu.memory_space<vmem>>, %arg13: memref<20000xf32, #tpu.memory_space<vmem>>, %arg14: memref<48xf32, #tpu.memory_space<vmem>>, %arg15: memref<304xf32, #tpu.memory_space<vmem>>, %arg16: memref<304xi32, #tpu.memory_space<vmem>>, %arg17: memref<1216xf32, #tpu.memory_space<vmem>>, %arg18: memref<16xi32, #tpu.memory_space<vmem>>) attributes {dimension_semantics = [#tpu.dimension_semantics<core_parallel>, #tpu.dimension_semantics<subcore_parallel>], iteration_bounds = array<i64: 2, 16>, scalar_prefetch = 0 : i64, scratch_operands = 11 : i64, tpu.core_type = #tpu.core_type<sc_vector_subcore>, window_params = [{transform_indices = #map}, {transform_indices = #map}, {transform_indices = #map}, {transform_indices = #map}, {transform_indices = #map}, {transform_indices = #map}]} {
    %mul3A = arith.constant 8 : i32
    %mul3A_0 = arith.muli %arg0, %mul3A : i32
    %and3A = arith.constant 7 : i32
    %and3A_1 = arith.andi %arg1, %and3A : i32
    %add3A = arith.addi %mul3A_0, %and3A_1 : i32
    %mul3A_2 = arith.constant 455000 : i32
    %mul3A_3 = arith.muli %add3A, %mul3A_2 : i32
    %iota3A = tpu.iota {dimensions = array<i32: 0>} : vector<16xi32>
    %broadcast_in_dim3A = arith.constant 0 : i32
    %broadcast_in_dim3A_4 = vector.broadcast %broadcast_in_dim3A : i32 to vector<16xi32>
    %broadcast_in_dim3A_5 = arith.constant 0.000000e+00 : f32
    %broadcast_in_dim3A_6 = vector.broadcast %broadcast_in_dim3A_5 : f32 to vector<16xf32>
    %broadcast_in_dim3A_7 = arith.constant 1 : i32
    %broadcast_in_dim3A_8 = vector.broadcast %broadcast_in_dim3A_7 : i32 to vector<16xi32>
    %lt3A = arith.constant 8 : i32
    %lt3A_9 = vector.broadcast %lt3A : i32 to vector<16xi32>
    %lt3A_10 = arith.cmpi slt, %iota3A, %lt3A_9 : vector<16xi32>
    %scan3A = arith.constant 0 : i32
    %scan3A_11 = arith.constant 0 : i32
    %scan3A_12 = arith.constant 1024 : i32
    %scan3A_13 = arith.addi %scan3A_11, %scan3A_12 : i32
    %scan3A_14 = arith.constant 1 : i32
    %scan3A_15 = scf.for %scan3A_205 = %scan3A_11 to %scan3A_13 step %scan3A_14 iter_args(%scan3A_206 = %scan3A) -> (i32)  : i32 {
      %mul3A_207 = arith.constant 16 : i32
      %mul3A_208 = arith.muli %scan3A_205, %mul3A_207 : i32
      %swap3A_209 = arith.index_cast %mul3A_208 : i32 to index
      %swap3A_210 = tpu.vector_load %arg9[%swap3A_209] {strides = array<i32>} : memref<16384xi32, #tpu.memory_space<vmem>>, vector<16xi32>,
      tpu.vector_store %arg9[%swap3A_209], %broadcast_in_dim3A_4 {strides = array<i32>} : memref<16384xi32, #tpu.memory_space<vmem>>, vector<16xi32>,
      %scan3A_211 = arith.constant 0 : i32
      scf.yield %scan3A_211 : i32
    }
    %scan3A_16 = arith.constant 1024 : i32
    %swap3A = arith.constant 288 : index
    %swap3A_17 = tpu.vector_load %arg15[%swap3A] {strides = array<i32>} : memref<304xf32, #tpu.memory_space<vmem>>, vector<16xf32>,
    tpu.vector_store %arg15[%swap3A], %broadcast_in_dim3A_6 {strides = array<i32>} : memref<304xf32, #tpu.memory_space<vmem>>, vector<16xf32>,
    %swap3A_18 = arith.constant 288 : index
    %swap3A_19 = tpu.vector_load %arg16[%swap3A_18] {strides = array<i32>} : memref<304xi32, #tpu.memory_space<vmem>>, vector<16xi32>,
    tpu.vector_store %arg16[%swap3A_18], %broadcast_in_dim3A_4 {strides = array<i32>} : memref<304xi32, #tpu.memory_space<vmem>>, vector<16xi32>,
    %swap3A_20 = arith.constant 1200 : index
    %swap3A_21 = tpu.vector_load %arg17[%swap3A_20] {strides = array<i32>} : memref<1216xf32, #tpu.memory_space<vmem>>, vector<16xf32>,
    tpu.vector_store %arg17[%swap3A_20], %broadcast_in_dim3A_6 {strides = array<i32>} : memref<1216xf32, #tpu.memory_space<vmem>>, vector<16xf32>,
    "tpu.region"() ({
      %run_scoped3A = tpu.sem_alloc : memref<!tpu.dma_semaphore, #tpu.memory_space<semaphore_mem>>
      %dma_start3A = arith.constant 0 : i32
      %dma_start3A_205 = tpu.memref_slice %arg14[%dma_start3A] : memref<48xf32, #tpu.memory_space<vmem>> -> memref<32xf32, #tpu.memory_space<vmem>>
      %dma_start3A_206 = arith.constant 0 : i32
      %dma_start3A_207 = tpu.memref_slice %arg14[%dma_start3A_206] : memref<48xf32, #tpu.memory_space<vmem>> -> memref<32xf32, #tpu.memory_space<vmem>>
      tpu.enqueue_dma source(%arg4 : memref<32xf32, #tpu.memory_space<hbm>>) target(%dma_start3A_207 : memref<32xf32, #tpu.memory_space<vmem>>) target_semaphore(%run_scoped3A : memref<!tpu.dma_semaphore, #tpu.memory_space<semaphore_mem>>)
      %dma_wait3A = arith.constant 0 : i32
      %dma_wait3A_208 = tpu.memref_slice %arg14[%dma_wait3A] : memref<48xf32, #tpu.memory_space<vmem>> -> memref<32xf32, #tpu.memory_space<vmem>>
      %dma_wait3A_209 = arith.constant 0 : i32
      %dma_wait3A_210 = tpu.memref_slice %arg14[%dma_wait3A_209] : memref<48xf32, #tpu.memory_space<vmem>> -> memref<32xf32, #tpu.memory_space<vmem>>
      tpu.wait_dma2 semaphore(%run_scoped3A : memref<!tpu.dma_semaphore, #tpu.memory_space<semaphore_mem>>) src(%arg4 : memref<32xf32, #tpu.memory_space<hbm>>) dst(%dma_wait3A_210 : memref<32xf32, #tpu.memory_space<vmem>>)
      tpu.yield
    }) : () -> ()
    %mul3A_22 = arith.constant 5000 : i32
    %mul3A_23 = arith.muli %add3A, %mul3A_22 : i32
    %mul3A_24 = arith.constant 4 : i32
    %mul3A_25 = arith.muli %mul3A_23, %mul3A_24 : i32
    "tpu.region"() ({
      %run_scoped3A = tpu.sem_alloc : memref<!tpu.dma_semaphore, #tpu.memory_space<semaphore_mem>>
      %dma_start3A = tpu.memref_slice %arg3[%mul3A_25] : memref<320000xf32, #tpu.memory_space<hbm>> -> memref<20000xf32, #tpu.memory_space<hbm>>
      %dma_start3A_205 = tpu.memref_slice %arg3[%mul3A_25] : memref<320000xf32, #tpu.memory_space<hbm>> -> memref<20000xf32, #tpu.memory_space<hbm>>
      tpu.enqueue_dma source(%dma_start3A_205 : memref<20000xf32, #tpu.memory_space<hbm>>) target(%arg13 : memref<20000xf32, #tpu.memory_space<vmem>>) target_semaphore(%run_scoped3A : memref<!tpu.dma_semaphore, #tpu.memory_space<semaphore_mem>>)
      %dma_wait3A = tpu.memref_slice %arg3[%mul3A_25] : memref<320000xf32, #tpu.memory_space<hbm>> -> memref<20000xf32, #tpu.memory_space<hbm>>
      %dma_wait3A_206 = tpu.memref_slice %arg3[%mul3A_25] : memref<320000xf32, #tpu.memory_space<hbm>> -> memref<20000xf32, #tpu.memory_space<hbm>>
      tpu.wait_dma2 semaphore(%run_scoped3A : memref<!tpu.dma_semaphore, #tpu.memory_space<semaphore_mem>>) src(%dma_wait3A_206 : memref<20000xf32, #tpu.memory_space<hbm>>) dst(%arg13 : memref<20000xf32, #tpu.memory_space<vmem>>)
      tpu.yield
    }) : () -> ()
    %scan3A_26 = arith.constant 0 : i32
    %scan3A_27 = arith.constant 0 : i32
    %scan3A_28 = arith.constant 9 : i32
    %scan3A_29 = arith.addi %scan3A_27, %scan3A_28 : i32
    %scan3A_30 = arith.constant 1 : i32
    %scan3A_31 = scf.for %scan3A_205 = %scan3A_27 to %scan3A_29 step %scan3A_30 iter_args(%scan3A_206 = %scan3A_26) -> (i32)  : i32 {
      %mul3A_207 = arith.constant 49152 : i32
      %mul3A_208 = arith.muli %scan3A_205, %mul3A_207 : i32
      %add3A_209 = arith.addi %mul3A_3, %mul3A_208 : i32
      "tpu.region"() ({
        %run_scoped3A = tpu.sem_alloc : memref<!tpu.dma_semaphore, #tpu.memory_space<semaphore_mem>>
        %dma_start3A = tpu.memref_slice %arg2[%add3A_209] : memref<7280000xf32, #tpu.memory_space<hbm>> -> memref<49152xf32, #tpu.memory_space<hbm>>
        %dma_start3A_218 = tpu.memref_slice %arg2[%add3A_209] : memref<7280000xf32, #tpu.memory_space<hbm>> -> memref<49152xf32, #tpu.memory_space<hbm>>
        tpu.enqueue_dma source(%dma_start3A_218 : memref<49152xf32, #tpu.memory_space<hbm>>) target(%arg8 : memref<49152xf32, #tpu.memory_space<vmem>>) target_semaphore(%run_scoped3A : memref<!tpu.dma_semaphore, #tpu.memory_space<semaphore_mem>>)
        %dma_wait3A = tpu.memref_slice %arg2[%add3A_209] : memref<7280000xf32, #tpu.memory_space<hbm>> -> memref<49152xf32, #tpu.memory_space<hbm>>
        %dma_wait3A_219 = tpu.memref_slice %arg2[%add3A_209] : memref<7280000xf32, #tpu.memory_space<hbm>> -> memref<49152xf32, #tpu.memory_space<hbm>>
        tpu.wait_dma2 semaphore(%run_scoped3A : memref<!tpu.dma_semaphore, #tpu.memory_space<semaphore_mem>>) src(%dma_wait3A_219 : memref<49152xf32, #tpu.memory_space<hbm>>) dst(%arg8 : memref<49152xf32, #tpu.memory_space<vmem>>)
        tpu.yield
      }) : () -> ()
      %scan3A_210 = arith.constant 0 : i32
      %scan3A_211 = arith.constant 0 : i32
      %scan3A_212 = arith.constant 768 : i32
      %scan3A_213 = arith.addi %scan3A_211, %scan3A_212 : i32
      %scan3A_214 = arith.constant 1 : i32
      %scan3A_215 = scf.for %scan3A_218 = %scan3A_211 to %scan3A_213 step %scan3A_214 iter_args(%scan3A_219 = %scan3A_210) -> (i32)  : i32 {
        %mul3A_220 = arith.constant 4 : i32
        %mul3A_221 = arith.muli %scan3A_218, %mul3A_220 : i32
        %add3A_222 = arith.constant 0 : i32
        %add3A_223 = arith.addi %mul3A_221, %add3A_222 : i32
        %mul3A_224 = arith.constant 16 : i32
        %mul3A_225 = arith.muli %add3A_223, %mul3A_224 : i32
        %get3A_226 = arith.index_cast %mul3A_225 : i32 to index
        %get3A_227 = tpu.vector_load %arg8[%get3A_226] {strides = array<i32>} : memref<49152xf32, #tpu.memory_space<vmem>>, vector<16xf32>,
        %bitcast3A_228 = vector.bitcast %get3A_227 : vector<16xf32> to vector<16xi32>
        %ge3A_229 = arith.constant -2147483648 : i32
        %ge3A_230 = vector.broadcast %ge3A_229 : i32 to vector<16xi32>
        %ge3A_231 = arith.cmpi uge, %bitcast3A_228, %ge3A_230 : vector<16xi32>
        %not3A_232 = arith.constant dense<-1> : vector<16xi32>
        %not3A_233 = arith.xori %bitcast3A_228, %not3A_232 : vector<16xi32>
        %or3A_234 = arith.constant -2147483648 : i32
        %or3A_235 = vector.broadcast %or3A_234 : i32 to vector<16xi32>
        %or3A_236 = arith.ori %bitcast3A_228, %or3A_235 : vector<16xi32>
        %select_n3A_237 = arith.select %ge3A_231, %not3A_233, %or3A_236 : vector<16xi1>, vector<16xi32>
        %shift_right_logical3A_238 = arith.constant 18 : i32
        %shift_right_logical3A_239 = vector.broadcast %shift_right_logical3A_238 : i32 to vector<16xi32>
        %shift_right_logical3A_240 = arith.shrui %select_n3A_237, %shift_right_logical3A_239 : vector<16xi32>
        tpu.vector_store_idx %arg9[%shift_right_logical3A_240], %broadcast_in_dim3A_8 {add = true} : memref<16384xi32, #tpu.memory_space<vmem>>[vector<16xi32>], vector<16xi32>,
        %mul3A_241 = arith.constant 4 : i32
        %mul3A_242 = arith.muli %scan3A_218, %mul3A_241 : i32
        %add3A_243 = arith.constant 1 : i32
        %add3A_244 = arith.addi %mul3A_242, %add3A_243 : i32
        %mul3A_245 = arith.constant 16 : i32
        %mul3A_246 = arith.muli %add3A_244, %mul3A_245 : i32
        %get3A_247 = arith.index_cast %mul3A_246 : i32 to index
        %get3A_248 = tpu.vector_load %arg8[%get3A_247] {strides = array<i32>} : memref<49152xf32, #tpu.memory_space<vmem>>, vector<16xf32>,
        %bitcast3A_249 = vector.bitcast %get3A_248 : vector<16xf32> to vector<16xi32>
        %ge3A_250 = arith.constant -2147483648 : i32
        %ge3A_251 = vector.broadcast %ge3A_250 : i32 to vector<16xi32>
        %ge3A_252 = arith.cmpi uge, %bitcast3A_249, %ge3A_251 : vector<16xi32>
        %not3A_253 = arith.constant dense<-1> : vector<16xi32>
        %not3A_254 = arith.xori %bitcast3A_249, %not3A_253 : vector<16xi32>
        %or3A_255 = arith.constant -2147483648 : i32
        %or3A_256 = vector.broadcast %or3A_255 : i32 to vector<16xi32>
        %or3A_257 = arith.ori %bitcast3A_249, %or3A_256 : vector<16xi32>
        %select_n3A_258 = arith.select %ge3A_252, %not3A_254, %or3A_257 : vector<16xi1>, vector<16xi32>
        %shift_right_logical3A_259 = arith.constant 18 : i32
        %shift_right_logical3A_260 = vector.broadcast %shift_right_logical3A_259 : i32 to vector<16xi32>
        %shift_right_logical3A_261 = arith.shrui %select_n3A_258, %shift_right_logical3A_260 : vector<16xi32>
        tpu.vector_store_idx %arg9[%shift_right_logical3A_261], %broadcast_in_dim3A_8 {add = true} : memref<16384xi32, #tpu.memory_space<vmem>>[vector<16xi32>], vector<16xi32>,
        %mul3A_262 = arith.constant 4 : i32
        %mul3A_263 = arith.muli %scan3A_218, %mul3A_262 : i32
        %add3A_264 = arith.constant 2 : i32
        %add3A_265 = arith.addi %mul3A_263, %add3A_264 : i32
        %mul3A_266 = arith.constant 16 : i32
        %mul3A_267 = arith.muli %add3A_265, %mul3A_266 : i32
        %get3A_268 = arith.index_cast %mul3A_267 : i32 to index
        %get3A_269 = tpu.vector_load %arg8[%get3A_268] {strides = array<i32>} : memref<49152xf32, #tpu.memory_space<vmem>>, vector<16xf32>,
        %bitcast3A_270 = vector.bitcast %get3A_269 : vector<16xf32> to vector<16xi32>
        %ge3A_271 = arith.constant -2147483648 : i32
        %ge3A_272 = vector.broadcast %ge3A_271 : i32 to vector<16xi32>
        %ge3A_273 = arith.cmpi uge, %bitcast3A_270, %ge3A_272 : vector<16xi32>
        %not3A_274 = arith.constant dense<-1> : vector<16xi32>
        %not3A_275 = arith.xori %bitcast3A_270, %not3A_274 : vector<16xi32>
        %or3A_276 = arith.constant -2147483648 : i32
        %or3A_277 = vector.broadcast %or3A_276 : i32 to vector<16xi32>
        %or3A_278 = arith.ori %bitcast3A_270, %or3A_277 : vector<16xi32>
        %select_n3A_279 = arith.select %ge3A_273, %not3A_275, %or3A_278 : vector<16xi1>, vector<16xi32>
        %shift_right_logical3A_280 = arith.constant 18 : i32
        %shift_right_logical3A_281 = vector.broadcast %shift_right_logical3A_280 : i32 to vector<16xi32>
        %shift_right_logical3A_282 = arith.shrui %select_n3A_279, %shift_right_logical3A_281 : vector<16xi32>
        tpu.vector_store_idx %arg9[%shift_right_logical3A_282], %broadcast_in_dim3A_8 {add = true} : memref<16384xi32, #tpu.memory_space<vmem>>[vector<16xi32>], vector<16xi32>,
        %mul3A_283 = arith.constant 4 : i32
        %mul3A_284 = arith.muli %scan3A_218, %mul3A_283 : i32
        %add3A_285 = arith.constant 3 : i32
        %add3A_286 = arith.addi %mul3A_284, %add3A_285 : i32
        %mul3A_287 = arith.constant 16 : i32
        %mul3A_288 = arith.muli %add3A_286, %mul3A_287 : i32
        %get3A_289 = arith.index_cast %mul3A_288 : i32 to index
        %get3A_290 = tpu.vector_load %arg8[%get3A_289] {strides = array<i32>} : memref<49152xf32, #tpu.memory_space<vmem>>, vector<16xf32>,
        %bitcast3A_291 = vector.bitcast %get3A_290 : vector<16xf32> to vector<16xi32>
        %ge3A_292 = arith.constant -2147483648 : i32
        %ge3A_293 = vector.broadcast %ge3A_292 : i32 to vector<16xi32>
        %ge3A_294 = arith.cmpi uge, %bitcast3A_291, %ge3A_293 : vector<16xi32>
        %not3A_295 = arith.constant dense<-1> : vector<16xi32>
        %not3A_296 = arith.xori %bitcast3A_291, %not3A_295 : vector<16xi32>
        %or3A_297 = arith.constant -2147483648 : i32
        %or3A_298 = vector.broadcast %or3A_297 : i32 to vector<16xi32>
        %or3A_299 = arith.ori %bitcast3A_291, %or3A_298 : vector<16xi32>
        %select_n3A_300 = arith.select %ge3A_294, %not3A_296, %or3A_299 : vector<16xi1>, vector<16xi32>
        %shift_right_logical3A_301 = arith.constant 18 : i32
        %shift_right_logical3A_302 = vector.broadcast %shift_right_logical3A_301 : i32 to vector<16xi32>
        %shift_right_logical3A_303 = arith.shrui %select_n3A_300, %shift_right_logical3A_302 : vector<16xi32>
        tpu.vector_store_idx %arg9[%shift_right_logical3A_303], %broadcast_in_dim3A_8 {add = true} : memref<16384xi32, #tpu.memory_space<vmem>>[vector<16xi32>], vector<16xi32>,
        %scan3A_304 = arith.constant 0 : i32
        scf.yield %scan3A_304 : i32
      }
      %scan3A_216 = arith.constant 768 : i32
      %scan3A_217 = arith.constant 0 : i32
      scf.yield %scan3A_217 : i32
    }
    %scan3A_32 = arith.constant 9 : i32
    %add3A_33 = arith.constant 442368 : i32
    %add3A_34 = arith.addi %mul3A_3, %add3A_33 : i32
    "tpu.region"() ({
      %run_scoped3A = tpu.sem_alloc : memref<!tpu.dma_semaphore, #tpu.memory_space<semaphore_mem>>
      %dma_start3A = arith.constant 0 : i32
      %dma_start3A_205 = tpu.memref_slice %arg8[%dma_start3A] : memref<49152xf32, #tpu.memory_space<vmem>> -> memref<12632xf32, #tpu.memory_space<vmem>>
      %dma_start3A_206 = tpu.memref_slice %arg2[%add3A_34] : memref<7280000xf32, #tpu.memory_space<hbm>> -> memref<12632xf32, #tpu.memory_space<hbm>>
      %dma_start3A_207 = arith.constant 0 : i32
      %dma_start3A_208 = tpu.memref_slice %arg8[%dma_start3A_207] : memref<49152xf32, #tpu.memory_space<vmem>> -> memref<12632xf32, #tpu.memory_space<vmem>>
      %dma_start3A_209 = tpu.memref_slice %arg2[%add3A_34] : memref<7280000xf32, #tpu.memory_space<hbm>> -> memref<12632xf32, #tpu.memory_space<hbm>>
      tpu.enqueue_dma source(%dma_start3A_209 : memref<12632xf32, #tpu.memory_space<hbm>>) target(%dma_start3A_208 : memref<12632xf32, #tpu.memory_space<vmem>>) target_semaphore(%run_scoped3A : memref<!tpu.dma_semaphore, #tpu.memory_space<semaphore_mem>>)
      %dma_wait3A = arith.constant 0 : i32
      %dma_wait3A_210 = tpu.memref_slice %arg8[%dma_wait3A] : memref<49152xf32, #tpu.memory_space<vmem>> -> memref<12632xf32, #tpu.memory_space<vmem>>
      %dma_wait3A_211 = tpu.memref_slice %arg2[%add3A_34] : memref<7280000xf32, #tpu.memory_space<hbm>> -> memref<12632xf32, #tpu.memory_space<hbm>>
      %dma_wait3A_212 = arith.constant 0 : i32
      %dma_wait3A_213 = tpu.memref_slice %arg8[%dma_wait3A_212] : memref<49152xf32, #tpu.memory_space<vmem>> -> memref<12632xf32, #tpu.memory_space<vmem>>
      %dma_wait3A_214 = tpu.memref_slice %arg2[%add3A_34] : memref<7280000xf32, #tpu.memory_space<hbm>> -> memref<12632xf32, #tpu.memory_space<hbm>>
      tpu.wait_dma2 semaphore(%run_scoped3A : memref<!tpu.dma_semaphore, #tpu.memory_space<semaphore_mem>>) src(%dma_wait3A_214 : memref<12632xf32, #tpu.memory_space<hbm>>) dst(%dma_wait3A_213 : memref<12632xf32, #tpu.memory_space<vmem>>)
      tpu.yield
    }) : () -> ()
    %scan3A_35 = arith.constant 0 : i32
    %scan3A_36 = arith.constant 0 : i32
    %scan3A_37 = arith.constant 197 : i32
    %scan3A_38 = arith.addi %scan3A_36, %scan3A_37 : i32
    %scan3A_39 = arith.constant 1 : i32
    %scan3A_40 = scf.for %scan3A_205 = %scan3A_36 to %scan3A_38 step %scan3A_39 iter_args(%scan3A_206 = %scan3A_35) -> (i32)  : i32 {
      %mul3A_207 = arith.constant 4 : i32
      %mul3A_208 = arith.muli %scan3A_205, %mul3A_207 : i32
      %add3A_209 = arith.constant 0 : i32
      %add3A_210 = arith.addi %mul3A_208, %add3A_209 : i32
      %mul3A_211 = arith.constant 16 : i32
      %mul3A_212 = arith.muli %add3A_210, %mul3A_211 : i32
      %get3A_213 = arith.index_cast %mul3A_212 : i32 to index
      %get3A_214 = tpu.vector_load %arg8[%get3A_213] {strides = array<i32>} : memref<49152xf32, #tpu.memory_space<vmem>>, vector<16xf32>,
      %bitcast3A_215 = vector.bitcast %get3A_214 : vector<16xf32> to vector<16xi32>
      %ge3A_216 = arith.constant -2147483648 : i32
      %ge3A_217 = vector.broadcast %ge3A_216 : i32 to vector<16xi32>
      %ge3A_218 = arith.cmpi uge, %bitcast3A_215, %ge3A_217 : vector<16xi32>
      %not3A_219 = arith.constant dense<-1> : vector<16xi32>
      %not3A_220 = arith.xori %bitcast3A_215, %not3A_219 : vector<16xi32>
      %or3A_221 = arith.constant -2147483648 : i32
      %or3A_222 = vector.broadcast %or3A_221 : i32 to vector<16xi32>
      %or3A_223 = arith.ori %bitcast3A_215, %or3A_222 : vector<16xi32>
      %select_n3A_224 = arith.select %ge3A_218, %not3A_220, %or3A_223 : vector<16xi1>, vector<16xi32>
      %shift_right_logical3A_225 = arith.constant 18 : i32
      %shift_right_logical3A_226 = vector.broadcast %shift_right_logical3A_225 : i32 to vector<16xi32>
      %shift_right_logical3A_227 = arith.shrui %select_n3A_224, %shift_right_logical3A_226 : vector<16xi32>
      tpu.vector_store_idx %arg9[%shift_right_logical3A_227], %broadcast_in_dim3A_8 {add = true} : memref<16384xi32, #tpu.memory_space<vmem>>[vector<16xi32>], vector<16xi32>,
      %mul3A_228 = arith.constant 4 : i32
      %mul3A_229 = arith.muli %scan3A_205, %mul3A_228 : i32
      %add3A_230 = arith.constant 1 : i32
      %add3A_231 = arith.addi %mul3A_229, %add3A_230 : i32
      %mul3A_232 = arith.constant 16 : i32
      %mul3A_233 = arith.muli %add3A_231, %mul3A_232 : i32
      %get3A_234 = arith.index_cast %mul3A_233 : i32 to index
      %get3A_235 = tpu.vector_load %arg8[%get3A_234] {strides = array<i32>} : memref<49152xf32, #tpu.memory_space<vmem>>, vector<16xf32>,
      %bitcast3A_236 = vector.bitcast %get3A_235 : vector<16xf32> to vector<16xi32>
      %ge3A_237 = arith.constant -2147483648 : i32
      %ge3A_238 = vector.broadcast %ge3A_237 : i32 to vector<16xi32>
      %ge3A_239 = arith.cmpi uge, %bitcast3A_236, %ge3A_238 : vector<16xi32>
      %not3A_240 = arith.constant dense<-1> : vector<16xi32>
      %not3A_241 = arith.xori %bitcast3A_236, %not3A_240 : vector<16xi32>
      %or3A_242 = arith.constant -2147483648 : i32
      %or3A_243 = vector.broadcast %or3A_242 : i32 to vector<16xi32>
      %or3A_244 = arith.ori %bitcast3A_236, %or3A_243 : vector<16xi32>
      %select_n3A_245 = arith.select %ge3A_239, %not3A_241, %or3A_244 : vector<16xi1>, vector<16xi32>
      %shift_right_logical3A_246 = arith.constant 18 : i32
      %shift_right_logical3A_247 = vector.broadcast %shift_right_logical3A_246 : i32 to vector<16xi32>
      %shift_right_logical3A_248 = arith.shrui %select_n3A_245, %shift_right_logical3A_247 : vector<16xi32>
      tpu.vector_store_idx %arg9[%shift_right_logical3A_248], %broadcast_in_dim3A_8 {add = true} : memref<16384xi32, #tpu.memory_space<vmem>>[vector<16xi32>], vector<16xi32>,
      %mul3A_249 = arith.constant 4 : i32
      %mul3A_250 = arith.muli %scan3A_205, %mul3A_249 : i32
      %add3A_251 = arith.constant 2 : i32
      %add3A_252 = arith.addi %mul3A_250, %add3A_251 : i32
      %mul3A_253 = arith.constant 16 : i32
      %mul3A_254 = arith.muli %add3A_252, %mul3A_253 : i32
      %get3A_255 = arith.index_cast %mul3A_254 : i32 to index
      %get3A_256 = tpu.vector_load %arg8[%get3A_255] {strides = array<i32>} : memref<49152xf32, #tpu.memory_space<vmem>>, vector<16xf32>,
      %bitcast3A_257 = vector.bitcast %get3A_256 : vector<16xf32> to vector<16xi32>
      %ge3A_258 = arith.constant -2147483648 : i32
      %ge3A_259 = vector.broadcast %ge3A_258 : i32 to vector<16xi32>
      %ge3A_260 = arith.cmpi uge, %bitcast3A_257, %ge3A_259 : vector<16xi32>
      %not3A_261 = arith.constant dense<-1> : vector<16xi32>
      %not3A_262 = arith.xori %bitcast3A_257, %not3A_261 : vector<16xi32>
      %or3A_263 = arith.constant -2147483648 : i32
      %or3A_264 = vector.broadcast %or3A_263 : i32 to vector<16xi32>
      %or3A_265 = arith.ori %bitcast3A_257, %or3A_264 : vector<16xi32>
      %select_n3A_266 = arith.select %ge3A_260, %not3A_262, %or3A_265 : vector<16xi1>, vector<16xi32>
      %shift_right_logical3A_267 = arith.constant 18 : i32
      %shift_right_logical3A_268 = vector.broadcast %shift_right_logical3A_267 : i32 to vector<16xi32>
      %shift_right_logical3A_269 = arith.shrui %select_n3A_266, %shift_right_logical3A_268 : vector<16xi32>
      tpu.vector_store_idx %arg9[%shift_right_logical3A_269], %broadcast_in_dim3A_8 {add = true} : memref<16384xi32, #tpu.memory_space<vmem>>[vector<16xi32>], vector<16xi32>,
      %mul3A_270 = arith.constant 4 : i32
      %mul3A_271 = arith.muli %scan3A_205, %mul3A_270 : i32
      %add3A_272 = arith.constant 3 : i32
      %add3A_273 = arith.addi %mul3A_271, %add3A_272 : i32
      %mul3A_274 = arith.constant 16 : i32
      %mul3A_275 = arith.muli %add3A_273, %mul3A_274 : i32
      %get3A_276 = arith.index_cast %mul3A_275 : i32 to index
      %get3A_277 = tpu.vector_load %arg8[%get3A_276] {strides = array<i32>} : memref<49152xf32, #tpu.memory_space<vmem>>, vector<16xf32>,
      %bitcast3A_278 = vector.bitcast %get3A_277 : vector<16xf32> to vector<16xi32>
      %ge3A_279 = arith.constant -2147483648 : i32
      %ge3A_280 = vector.broadcast %ge3A_279 : i32 to vector<16xi32>
      %ge3A_281 = arith.cmpi uge, %bitcast3A_278, %ge3A_280 : vector<16xi32>
      %not3A_282 = arith.constant dense<-1> : vector<16xi32>
      %not3A_283 = arith.xori %bitcast3A_278, %not3A_282 : vector<16xi32>
      %or3A_284 = arith.constant -2147483648 : i32
      %or3A_285 = vector.broadcast %or3A_284 : i32 to vector<16xi32>
      %or3A_286 = arith.ori %bitcast3A_278, %or3A_285 : vector<16xi32>
      %select_n3A_287 = arith.select %ge3A_281, %not3A_283, %or3A_286 : vector<16xi1>, vector<16xi32>
      %shift_right_logical3A_288 = arith.constant 18 : i32
      %shift_right_logical3A_289 = vector.broadcast %shift_right_logical3A_288 : i32 to vector<16xi32>
      %shift_right_logical3A_290 = arith.shrui %select_n3A_287, %shift_right_logical3A_289 : vector<16xi32>
      tpu.vector_store_idx %arg9[%shift_right_logical3A_290], %broadcast_in_dim3A_8 {add = true} : memref<16384xi32, #tpu.memory_space<vmem>>[vector<16xi32>], vector<16xi32>,
      %scan3A_291 = arith.constant 0 : i32
      scf.yield %scan3A_291 : i32
    }
    %scan3A_41 = arith.constant 197 : i32
    %get3A = arith.constant 12608 : index
    %get3A_42 = tpu.vector_load %arg8[%get3A] {strides = array<i32>} : memref<49152xf32, #tpu.memory_space<vmem>>, vector<16xf32>,
    %bitcast3A = vector.bitcast %get3A_42 : vector<16xf32> to vector<16xi32>
    %ge3A = arith.constant -2147483648 : i32
    %ge3A_43 = vector.broadcast %ge3A : i32 to vector<16xi32>
    %ge3A_44 = arith.cmpi uge, %bitcast3A, %ge3A_43 : vector<16xi32>
    %not3A = arith.constant dense<-1> : vector<16xi32>
    %not3A_45 = arith.xori %bitcast3A, %not3A : vector<16xi32>
    %or3A = arith.constant -2147483648 : i32
    %or3A_46 = vector.broadcast %or3A : i32 to vector<16xi32>
    %or3A_47 = arith.ori %bitcast3A, %or3A_46 : vector<16xi32>
    %select_n3A = arith.select %ge3A_44, %not3A_45, %or3A_47 : vector<16xi1>, vector<16xi32>
    %shift_right_logical3A = arith.constant 18 : i32
    %shift_right_logical3A_48 = vector.broadcast %shift_right_logical3A : i32 to vector<16xi32>
    %shift_right_logical3A_49 = arith.shrui %select_n3A, %shift_right_logical3A_48 : vector<16xi32>
    tpu.vector_store_idx %arg9[%shift_right_logical3A_49], %broadcast_in_dim3A_8 {add = true} : memref<16384xi32, #tpu.memory_space<vmem>>[vector<16xi32>], vector<16xi32>,
    %get3A_50 = arith.constant 12624 : index
    %get3A_51 = tpu.vector_load %arg8[%get3A_50] {strides = array<i32>} : memref<49152xf32, #tpu.memory_space<vmem>>, vector<16xf32>,
    %bitcast3A_52 = vector.bitcast %get3A_51 : vector<16xf32> to vector<16xi32>
    %ge3A_53 = arith.constant -2147483648 : i32
    %ge3A_54 = vector.broadcast %ge3A_53 : i32 to vector<16xi32>
    %ge3A_55 = arith.cmpi uge, %bitcast3A_52, %ge3A_54 : vector<16xi32>
    %not3A_56 = arith.constant dense<-1> : vector<16xi32>
    %not3A_57 = arith.xori %bitcast3A_52, %not3A_56 : vector<16xi32>
    %or3A_58 = arith.constant -2147483648 : i32
    %or3A_59 = vector.broadcast %or3A_58 : i32 to vector<16xi32>
    %or3A_60 = arith.ori %bitcast3A_52, %or3A_59 : vector<16xi32>
    %select_n3A_61 = arith.select %ge3A_55, %not3A_57, %or3A_60 : vector<16xi1>, vector<16xi32>
    %shift_right_logical3A_62 = arith.constant 18 : i32
    %shift_right_logical3A_63 = vector.broadcast %shift_right_logical3A_62 : i32 to vector<16xi32>
    %shift_right_logical3A_64 = arith.shrui %select_n3A_61, %shift_right_logical3A_63 : vector<16xi32>
    tpu.vector_store_idx %arg9[%shift_right_logical3A_64], %broadcast_in_dim3A_8 masked %lt3A_10 {add = true} : memref<16384xi32, #tpu.memory_space<vmem>>[vector<16xi32>], vector<16xi32>, vector<16xi1>
    %while3A = arith.constant 0 : i32
    %while3A_65 = arith.constant 0 : i32
    %while3A_66 = arith.constant -1 : i32
    %while3A_67:3 = scf.while (%while3A_205 = %while3A, %while3A_206 = %while3A_65, %while3A_207 = %while3A_66) : (i32, i32, i32) -> (i32, i32, i32) {
      %lt3A_208 = arith.constant 0 : i32
      %lt3A_209 = arith.cmpi slt, %while3A_207, %lt3A_208 : i32
      %lt3A_210 = arith.constant 1024 : i32
      %lt3A_211 = arith.cmpi slt, %while3A_205, %lt3A_210 : i32
      %and3A_212 = arith.andi %lt3A_209, %lt3A_211 : i1
      scf.condition(%and3A_212) %while3A_205, %while3A_206, %while3A_207 : i32, i32, i32
    } do {
    ^bb0(%while3A_205: i32, %while3A_206: i32, %while3A_207: i32):
      %sub3A_208 = arith.constant 1023 : i32
      %sub3A_209 = arith.subi %sub3A_208, %while3A_205 : i32
      %mul3A_210 = arith.constant 16 : i32
      %mul3A_211 = arith.muli %sub3A_209, %mul3A_210 : i32
      %get3A_212 = arith.index_cast %mul3A_211 : i32 to index
      %get3A_213 = tpu.vector_load %arg9[%get3A_212] {strides = array<i32>} : memref<16384xi32, #tpu.memory_space<vmem>>, vector<16xi32>,
      %rev3A = arith.constant 15 : i32
      %rev3A_214 = vector.broadcast %rev3A : i32 to vector<16xi32>
      %rev3A_215 = tpu.iota {dimensions = array<i32: 0>} : vector<16xi32>
      %rev3A_216 = arith.subi %rev3A_214, %rev3A_215 : vector<16xi32>
      %rev3A_217 = tpu.dynamic_gather %get3A_213[%rev3A_216] in [0] : vector<16xi32>, vector<16xi32> -> vector<16xi32>
      %broadcast_in_dim3A_218 = arith.constant true
      %broadcast_in_dim3A_219 = vector.broadcast %broadcast_in_dim3A_218 : i1 to vector<16xi1>
      %masked_cumsum3A = tpu.scan <sum>, %rev3A_217 masked %broadcast_in_dim3A_219 : vector<16xi32>, vector<16xi1> -> vector<16xi32>
      %add3A_220 = vector.broadcast %while3A_206 : i32 to vector<16xi32>
      %add3A_221 = arith.addi %add3A_220, %masked_cumsum3A : vector<16xi32>
      %ge3A_222 = arith.constant 300 : i32
      %ge3A_223 = vector.broadcast %ge3A_222 : i32 to vector<16xi32>
      %ge3A_224 = arith.cmpi sge, %add3A_221, %ge3A_223 : vector<16xi32>
      %all_reduce_ffs3A = tpu.all_reduce %ge3A_224 {dim = 0 : i64, kind = #tpu.reduction_kind<find_first_set>} : vector<16xi1> -> vector<16xi32>
      %reduce_max3A = arith.constant true
      %reduce_max3A_225 = vector.broadcast %reduce_max3A : i1 to vector<16xi1>
      %reduce_max3A_226 = arith.constant -2147483648 : i32
      %reduce_max3A_227 = vector.broadcast %reduce_max3A_226 : i32 to vector<16xi32>
      %reduce_max3A_228 = arith.xori %all_reduce_ffs3A, %reduce_max3A_227 : vector<16xi32>
      %reduce_max3A_229 = tpu.scan <max>, %reduce_max3A_228 masked %reduce_max3A_225 : vector<16xi32>, vector<16xi1> -> vector<16xi32>
      %reduce_max3A_230 = arith.xori %reduce_max3A_229, %reduce_max3A_227 : vector<16xi32>
      %reduce_max3A_231 = vector.extract %reduce_max3A_230[15] : i32 from vector<16xi32>
      %reduce_or3A = arith.constant 1.000000e+00 : f32
      %reduce_or3A_232 = arith.constant 0.000000e+00 : f32
      %reduce_or3A_233 = vector.broadcast %reduce_or3A : f32 to vector<16xf32>
      %reduce_or3A_234 = vector.broadcast %reduce_or3A_232 : f32 to vector<16xf32>
      %reduce_or3A_235 = arith.select %ge3A_224, %reduce_or3A_233, %reduce_or3A_234 : vector<16xi1>, vector<16xf32>
      %reduce_or3A_236 = arith.constant true
      %reduce_or3A_237 = vector.broadcast %reduce_or3A_236 : i1 to vector<16xi1>
      %reduce_or3A_238 = tpu.scan <max>, %reduce_or3A_235 masked %reduce_or3A_237 : vector<16xf32>, vector<16xi1> -> vector<16xf32>
      %reduce_or3A_239 = vector.extract %reduce_or3A_238[15] : f32 from vector<16xf32>
      %reduce_or3A_240 = arith.constant 0.000000e+00 : f32
      %reduce_or3A_241 = arith.cmpf ogt, %reduce_or3A_239, %reduce_or3A_240 : f32
      %mul3A_242 = arith.constant 16 : i32
      %mul3A_243 = arith.muli %sub3A_209, %mul3A_242 : i32
      %add3A_244 = arith.constant 15 : i32
      %add3A_245 = arith.addi %mul3A_243, %add3A_244 : i32
      %sub3A_246 = arith.subi %add3A_245, %reduce_max3A_231 : i32
      %select_n3A_247 = arith.select %reduce_or3A_241, %sub3A_246, %while3A_207 : i32
      %add3A_248 = arith.constant 1 : i32
      %add3A_249 = arith.addi %while3A_205, %add3A_248 : i32
      %reduce_max3A_250 = arith.constant true
      %reduce_max3A_251 = vector.broadcast %reduce_max3A_250 : i1 to vector<16xi1>
      %reduce_max3A_252 = arith.constant -2147483648 : i32
      %reduce_max3A_253 = vector.broadcast %reduce_max3A_252 : i32 to vector<16xi32>
      %reduce_max3A_254 = arith.xori %masked_cumsum3A, %reduce_max3A_253 : vector<16xi32>
      %reduce_max3A_255 = tpu.scan <max>, %reduce_max3A_254 masked %reduce_max3A_251 : vector<16xi32>, vector<16xi1> -> vector<16xi32>
      %reduce_max3A_256 = arith.xori %reduce_max3A_255, %reduce_max3A_253 : vector<16xi32>
      %reduce_max3A_257 = vector.extract %reduce_max3A_256[15] : i32 from vector<16xi32>
      %add3A_258 = arith.addi %while3A_206, %reduce_max3A_257 : i32
      scf.yield %add3A_249, %add3A_258, %select_n3A_247 : i32, i32, i32
    }
    %sub3A = arith.constant 1 : i32
    %sub3A_68 = arith.subi %while3A_67#2, %sub3A : i32
    %max3A = arith.constant 0 : i32
    %max3A_69 = arith.maxsi %sub3A_68, %max3A : i32
    %shift_left3A = arith.constant 18 : i32
    %shift_left3A_70 = arith.shli %max3A_69, %shift_left3A : i32
    %scan3A_71 = arith.constant 0 : i32
    %scan3A_72 = arith.constant 0 : i32
    %scan3A_73 = arith.constant 9 : i32
    %scan3A_74 = arith.addi %scan3A_72, %scan3A_73 : i32
    %scan3A_75 = arith.constant 1 : i32
    %scan3A_76 = scf.for %scan3A_205 = %scan3A_72 to %scan3A_74 step %scan3A_75 iter_args(%scan3A_206 = %scan3A_71) -> (i32)  : i32 {
      %mul3A_207 = arith.constant 49152 : i32
      %mul3A_208 = arith.muli %scan3A_205, %mul3A_207 : i32
      %add3A_209 = arith.addi %mul3A_3, %mul3A_208 : i32
      "tpu.region"() ({
        %run_scoped3A = tpu.sem_alloc : memref<!tpu.dma_semaphore, #tpu.memory_space<semaphore_mem>>
        %dma_start3A = tpu.memref_slice %arg2[%add3A_209] : memref<7280000xf32, #tpu.memory_space<hbm>> -> memref<49152xf32, #tpu.memory_space<hbm>>
        %dma_start3A_216 = tpu.memref_slice %arg2[%add3A_209] : memref<7280000xf32, #tpu.memory_space<hbm>> -> memref<49152xf32, #tpu.memory_space<hbm>>
        tpu.enqueue_dma source(%dma_start3A_216 : memref<49152xf32, #tpu.memory_space<hbm>>) target(%arg8 : memref<49152xf32, #tpu.memory_space<vmem>>) target_semaphore(%run_scoped3A : memref<!tpu.dma_semaphore, #tpu.memory_space<semaphore_mem>>)
        %dma_wait3A = tpu.memref_slice %arg2[%add3A_209] : memref<7280000xf32, #tpu.memory_space<hbm>> -> memref<49152xf32, #tpu.memory_space<hbm>>
        %dma_wait3A_217 = tpu.memref_slice %arg2[%add3A_209] : memref<7280000xf32, #tpu.memory_space<hbm>> -> memref<49152xf32, #tpu.memory_space<hbm>>
        tpu.wait_dma2 semaphore(%run_scoped3A : memref<!tpu.dma_semaphore, #tpu.memory_space<semaphore_mem>>) src(%dma_wait3A_217 : memref<49152xf32, #tpu.memory_space<hbm>>) dst(%arg8 : memref<49152xf32, #tpu.memory_space<vmem>>)
        tpu.yield
      }) : () -> ()
      %scan3A_210 = arith.constant 0 : i32
      %scan3A_211 = arith.constant 768 : i32
      %scan3A_212 = arith.addi %scan3A_210, %scan3A_211 : i32
      %scan3A_213 = arith.constant 1 : i32
      %scan3A_214 = scf.for %scan3A_216 = %scan3A_210 to %scan3A_212 step %scan3A_213 iter_args(%scan3A_217 = %scan3A_206) -> (i32)  : i32 {
        %mul3A_218 = arith.constant 4 : i32
        %mul3A_219 = arith.muli %scan3A_216, %mul3A_218 : i32
        %add3A_220 = arith.constant 0 : i32
        %add3A_221 = arith.addi %mul3A_219, %add3A_220 : i32
        %mul3A_222 = arith.constant 16 : i32
        %mul3A_223 = arith.muli %add3A_221, %mul3A_222 : i32
        %get3A_224 = arith.index_cast %mul3A_223 : i32 to index
        %get3A_225 = tpu.vector_load %arg8[%get3A_224] {strides = array<i32>} : memref<49152xf32, #tpu.memory_space<vmem>>, vector<16xf32>,
        %mul3A_226 = arith.constant 49152 : i32
        %mul3A_227 = arith.muli %scan3A_205, %mul3A_226 : i32
        %mul3A_228 = arith.constant 16 : i32
        %mul3A_229 = arith.muli %add3A_221, %mul3A_228 : i32
        %add3A_230 = arith.addi %mul3A_227, %mul3A_229 : i32
        %add3A_231 = vector.broadcast %add3A_230 : i32 to vector<16xi32>
        %add3A_232 = arith.addi %add3A_231, %iota3A : vector<16xi32>
        %bitcast3A_233 = vector.bitcast %get3A_225 : vector<16xf32> to vector<16xi32>
        %ge3A_234 = arith.constant -2147483648 : i32
        %ge3A_235 = vector.broadcast %ge3A_234 : i32 to vector<16xi32>
        %ge3A_236 = arith.cmpi uge, %bitcast3A_233, %ge3A_235 : vector<16xi32>
        %not3A_237 = arith.constant dense<-1> : vector<16xi32>
        %not3A_238 = arith.xori %bitcast3A_233, %not3A_237 : vector<16xi32>
        %or3A_239 = arith.constant -2147483648 : i32
        %or3A_240 = vector.broadcast %or3A_239 : i32 to vector<16xi32>
        %or3A_241 = arith.ori %bitcast3A_233, %or3A_240 : vector<16xi32>
        %select_n3A_242 = arith.select %ge3A_236, %not3A_238, %or3A_241 : vector<16xi1>, vector<16xi32>
        %ge3A_243 = vector.broadcast %shift_left3A_70 : i32 to vector<16xi32>
        %ge3A_244 = arith.cmpi uge, %select_n3A_242, %ge3A_243 : vector<16xi32>
        %swap3A_245 = arith.index_cast %scan3A_217 : i32 to index
        %swap3A_246 = tpu.vector_load %arg10[%swap3A_245] masked %ge3A_244 {strides = array<i32>} : memref<4096xf32, #tpu.memory_space<vmem>>, vector<16xf32>, vector<16xi1>
        tpu.vector_store %arg10[%swap3A_245], %get3A_225 masked %ge3A_244 {strides = array<i32>} : memref<4096xf32, #tpu.memory_space<vmem>>, vector<16xf32>, vector<16xi1>
        %swap3A_247 = arith.index_cast %scan3A_217 : i32 to index
        %swap3A_248 = tpu.vector_load %arg11[%swap3A_247] masked %ge3A_244 {strides = array<i32>} : memref<4096xi32, #tpu.memory_space<vmem>>, vector<16xi32>, vector<16xi1>
        tpu.vector_store %arg11[%swap3A_247], %add3A_232 masked %ge3A_244 {strides = array<i32>} : memref<4096xi32, #tpu.memory_space<vmem>>, vector<16xi32>, vector<16xi1>
        %all_reduce_population_count3A_249 = tpu.all_reduce %ge3A_244 {dim = 0 : i64, kind = #tpu.reduction_kind<sum>} : vector<16xi1> -> vector<16xi32>
        %slice3A_250 = vector.extract_strided_slice %all_reduce_population_count3A_249 {offsets = [0], sizes = [1], strides = [1]} : vector<16xi32> to vector<1xi32>
        %squeeze3A_251 = vector.extract %slice3A_250[0] : i32 from vector<1xi32>
        %add3A_252 = arith.addi %scan3A_217, %squeeze3A_251 : i32
        %min3A_253 = arith.constant 4080 : i32
        %min3A_254 = arith.minsi %add3A_252, %min3A_253 : i32
        %mul3A_255 = arith.constant 4 : i32
        %mul3A_256 = arith.muli %scan3A_216, %mul3A_255 : i32
        %add3A_257 = arith.constant 1 : i32
        %add3A_258 = arith.addi %mul3A_256, %add3A_257 : i32
        %mul3A_259 = arith.constant 16 : i32
        %mul3A_260 = arith.muli %add3A_258, %mul3A_259 : i32
        %get3A_261 = arith.index_cast %mul3A_260 : i32 to index
        %get3A_262 = tpu.vector_load %arg8[%get3A_261] {strides = array<i32>} : memref<49152xf32, #tpu.memory_space<vmem>>, vector<16xf32>,
        %mul3A_263 = arith.constant 49152 : i32
        %mul3A_264 = arith.muli %scan3A_205, %mul3A_263 : i32
        %mul3A_265 = arith.constant 16 : i32
        %mul3A_266 = arith.muli %add3A_258, %mul3A_265 : i32
        %add3A_267 = arith.addi %mul3A_264, %mul3A_266 : i32
        %add3A_268 = vector.broadcast %add3A_267 : i32 to vector<16xi32>
        %add3A_269 = arith.addi %add3A_268, %iota3A : vector<16xi32>
        %bitcast3A_270 = vector.bitcast %get3A_262 : vector<16xf32> to vector<16xi32>
        %ge3A_271 = arith.constant -2147483648 : i32
        %ge3A_272 = vector.broadcast %ge3A_271 : i32 to vector<16xi32>
        %ge3A_273 = arith.cmpi uge, %bitcast3A_270, %ge3A_272 : vector<16xi32>
        %not3A_274 = arith.constant dense<-1> : vector<16xi32>
        %not3A_275 = arith.xori %bitcast3A_270, %not3A_274 : vector<16xi32>
        %or3A_276 = arith.constant -2147483648 : i32
        %or3A_277 = vector.broadcast %or3A_276 : i32 to vector<16xi32>
        %or3A_278 = arith.ori %bitcast3A_270, %or3A_277 : vector<16xi32>
        %select_n3A_279 = arith.select %ge3A_273, %not3A_275, %or3A_278 : vector<16xi1>, vector<16xi32>
        %ge3A_280 = vector.broadcast %shift_left3A_70 : i32 to vector<16xi32>
        %ge3A_281 = arith.cmpi uge, %select_n3A_279, %ge3A_280 : vector<16xi32>
        %swap3A_282 = arith.index_cast %min3A_254 : i32 to index
        %swap3A_283 = tpu.vector_load %arg10[%swap3A_282] masked %ge3A_281 {strides = array<i32>} : memref<4096xf32, #tpu.memory_space<vmem>>, vector<16xf32>, vector<16xi1>
        tpu.vector_store %arg10[%swap3A_282], %get3A_262 masked %ge3A_281 {strides = array<i32>} : memref<4096xf32, #tpu.memory_space<vmem>>, vector<16xf32>, vector<16xi1>
        %swap3A_284 = arith.index_cast %min3A_254 : i32 to index
        %swap3A_285 = tpu.vector_load %arg11[%swap3A_284] masked %ge3A_281 {strides = array<i32>} : memref<4096xi32, #tpu.memory_space<vmem>>, vector<16xi32>, vector<16xi1>
        tpu.vector_store %arg11[%swap3A_284], %add3A_269 masked %ge3A_281 {strides = array<i32>} : memref<4096xi32, #tpu.memory_space<vmem>>, vector<16xi32>, vector<16xi1>
        %all_reduce_population_count3A_286 = tpu.all_reduce %ge3A_281 {dim = 0 : i64, kind = #tpu.reduction_kind<sum>} : vector<16xi1> -> vector<16xi32>
        %slice3A_287 = vector.extract_strided_slice %all_reduce_population_count3A_286 {offsets = [0], sizes = [1], strides = [1]} : vector<16xi32> to vector<1xi32>
        %squeeze3A_288 = vector.extract %slice3A_287[0] : i32 from vector<1xi32>
        %add3A_289 = arith.addi %min3A_254, %squeeze3A_288 : i32
        %min3A_290 = arith.constant 4080 : i32
        %min3A_291 = arith.minsi %add3A_289, %min3A_290 : i32
        %mul3A_292 = arith.constant 4 : i32
        %mul3A_293 = arith.muli %scan3A_216, %mul3A_292 : i32
        %add3A_294 = arith.constant 2 : i32
        %add3A_295 = arith.addi %mul3A_293, %add3A_294 : i32
        %mul3A_296 = arith.constant 16 : i32
        %mul3A_297 = arith.muli %add3A_295, %mul3A_296 : i32
        %get3A_298 = arith.index_cast %mul3A_297 : i32 to index
        %get3A_299 = tpu.vector_load %arg8[%get3A_298] {strides = array<i32>} : memref<49152xf32, #tpu.memory_space<vmem>>, vector<16xf32>,
        %mul3A_300 = arith.constant 49152 : i32
        %mul3A_301 = arith.muli %scan3A_205, %mul3A_300 : i32
        %mul3A_302 = arith.constant 16 : i32
        %mul3A_303 = arith.muli %add3A_295, %mul3A_302 : i32
        %add3A_304 = arith.addi %mul3A_301, %mul3A_303 : i32
        %add3A_305 = vector.broadcast %add3A_304 : i32 to vector<16xi32>
        %add3A_306 = arith.addi %add3A_305, %iota3A : vector<16xi32>
        %bitcast3A_307 = vector.bitcast %get3A_299 : vector<16xf32> to vector<16xi32>
        %ge3A_308 = arith.constant -2147483648 : i32
        %ge3A_309 = vector.broadcast %ge3A_308 : i32 to vector<16xi32>
        %ge3A_310 = arith.cmpi uge, %bitcast3A_307, %ge3A_309 : vector<16xi32>
        %not3A_311 = arith.constant dense<-1> : vector<16xi32>
        %not3A_312 = arith.xori %bitcast3A_307, %not3A_311 : vector<16xi32>
        %or3A_313 = arith.constant -2147483648 : i32
        %or3A_314 = vector.broadcast %or3A_313 : i32 to vector<16xi32>
        %or3A_315 = arith.ori %bitcast3A_307, %or3A_314 : vector<16xi32>
        %select_n3A_316 = arith.select %ge3A_310, %not3A_312, %or3A_315 : vector<16xi1>, vector<16xi32>
        %ge3A_317 = vector.broadcast %shift_left3A_70 : i32 to vector<16xi32>
        %ge3A_318 = arith.cmpi uge, %select_n3A_316, %ge3A_317 : vector<16xi32>
        %swap3A_319 = arith.index_cast %min3A_291 : i32 to index
        %swap3A_320 = tpu.vector_load %arg10[%swap3A_319] masked %ge3A_318 {strides = array<i32>} : memref<4096xf32, #tpu.memory_space<vmem>>, vector<16xf32>, vector<16xi1>
        tpu.vector_store %arg10[%swap3A_319], %get3A_299 masked %ge3A_318 {strides = array<i32>} : memref<4096xf32, #tpu.memory_space<vmem>>, vector<16xf32>, vector<16xi1>
        %swap3A_321 = arith.index_cast %min3A_291 : i32 to index
        %swap3A_322 = tpu.vector_load %arg11[%swap3A_321] masked %ge3A_318 {strides = array<i32>} : memref<4096xi32, #tpu.memory_space<vmem>>, vector<16xi32>, vector<16xi1>
        tpu.vector_store %arg11[%swap3A_321], %add3A_306 masked %ge3A_318 {strides = array<i32>} : memref<4096xi32, #tpu.memory_space<vmem>>, vector<16xi32>, vector<16xi1>
        %all_reduce_population_count3A_323 = tpu.all_reduce %ge3A_318 {dim = 0 : i64, kind = #tpu.reduction_kind<sum>} : vector<16xi1> -> vector<16xi32>
        %slice3A_324 = vector.extract_strided_slice %all_reduce_population_count3A_323 {offsets = [0], sizes = [1], strides = [1]} : vector<16xi32> to vector<1xi32>
        %squeeze3A_325 = vector.extract %slice3A_324[0] : i32 from vector<1xi32>
        %add3A_326 = arith.addi %min3A_291, %squeeze3A_325 : i32
        %min3A_327 = arith.constant 4080 : i32
        %min3A_328 = arith.minsi %add3A_326, %min3A_327 : i32
        %mul3A_329 = arith.constant 4 : i32
        %mul3A_330 = arith.muli %scan3A_216, %mul3A_329 : i32
        %add3A_331 = arith.constant 3 : i32
        %add3A_332 = arith.addi %mul3A_330, %add3A_331 : i32
        %mul3A_333 = arith.constant 16 : i32
        %mul3A_334 = arith.muli %add3A_332, %mul3A_333 : i32
        %get3A_335 = arith.index_cast %mul3A_334 : i32 to index
        %get3A_336 = tpu.vector_load %arg8[%get3A_335] {strides = array<i32>} : memref<49152xf32, #tpu.memory_space<vmem>>, vector<16xf32>,
        %mul3A_337 = arith.constant 49152 : i32
        %mul3A_338 = arith.muli %scan3A_205, %mul3A_337 : i32
        %mul3A_339 = arith.constant 16 : i32
        %mul3A_340 = arith.muli %add3A_332, %mul3A_339 : i32
        %add3A_341 = arith.addi %mul3A_338, %mul3A_340 : i32
        %add3A_342 = vector.broadcast %add3A_341 : i32 to vector<16xi32>
        %add3A_343 = arith.addi %add3A_342, %iota3A : vector<16xi32>
        %bitcast3A_344 = vector.bitcast %get3A_336 : vector<16xf32> to vector<16xi32>
        %ge3A_345 = arith.constant -2147483648 : i32
        %ge3A_346 = vector.broadcast %ge3A_345 : i32 to vector<16xi32>
        %ge3A_347 = arith.cmpi uge, %bitcast3A_344, %ge3A_346 : vector<16xi32>
        %not3A_348 = arith.constant dense<-1> : vector<16xi32>
        %not3A_349 = arith.xori %bitcast3A_344, %not3A_348 : vector<16xi32>
        %or3A_350 = arith.constant -2147483648 : i32
        %or3A_351 = vector.broadcast %or3A_350 : i32 to vector<16xi32>
        %or3A_352 = arith.ori %bitcast3A_344, %or3A_351 : vector<16xi32>
        %select_n3A_353 = arith.select %ge3A_347, %not3A_349, %or3A_352 : vector<16xi1>, vector<16xi32>
        %ge3A_354 = vector.broadcast %shift_left3A_70 : i32 to vector<16xi32>
        %ge3A_355 = arith.cmpi uge, %select_n3A_353, %ge3A_354 : vector<16xi32>
        %swap3A_356 = arith.index_cast %min3A_328 : i32 to index
        %swap3A_357 = tpu.vector_load %arg10[%swap3A_356] masked %ge3A_355 {strides = array<i32>} : memref<4096xf32, #tpu.memory_space<vmem>>, vector<16xf32>, vector<16xi1>
        tpu.vector_store %arg10[%swap3A_356], %get3A_336 masked %ge3A_355 {strides = array<i32>} : memref<4096xf32, #tpu.memory_space<vmem>>, vector<16xf32>, vector<16xi1>
        %swap3A_358 = arith.index_cast %min3A_328 : i32 to index
        %swap3A_359 = tpu.vector_load %arg11[%swap3A_358] masked %ge3A_355 {strides = array<i32>} : memref<4096xi32, #tpu.memory_space<vmem>>, vector<16xi32>, vector<16xi1>
        tpu.vector_store %arg11[%swap3A_358], %add3A_343 masked %ge3A_355 {strides = array<i32>} : memref<4096xi32, #tpu.memory_space<vmem>>, vector<16xi32>, vector<16xi1>
        %all_reduce_population_count3A_360 = tpu.all_reduce %ge3A_355 {dim = 0 : i64, kind = #tpu.reduction_kind<sum>} : vector<16xi1> -> vector<16xi32>
        %slice3A_361 = vector.extract_strided_slice %all_reduce_population_count3A_360 {offsets = [0], sizes = [1], strides = [1]} : vector<16xi32> to vector<1xi32>
        %squeeze3A_362 = vector.extract %slice3A_361[0] : i32 from vector<1xi32>
        %add3A_363 = arith.addi %min3A_328, %squeeze3A_362 : i32
        %min3A_364 = arith.constant 4080 : i32
        %min3A_365 = arith.minsi %add3A_363, %min3A_364 : i32
        scf.yield %min3A_365 : i32
      }
      %scan3A_215 = arith.constant 768 : i32
      scf.yield %scan3A_214 : i32
    }
    %scan3A_77 = arith.constant 9 : i32
    %add3A_78 = arith.constant 442368 : i32
    %add3A_79 = arith.addi %mul3A_3, %add3A_78 : i32
    "tpu.region"() ({
      %run_scoped3A = tpu.sem_alloc : memref<!tpu.dma_semaphore, #tpu.memory_space<semaphore_mem>>
      %dma_start3A = arith.constant 0 : i32
      %dma_start3A_205 = tpu.memref_slice %arg8[%dma_start3A] : memref<49152xf32, #tpu.memory_space<vmem>> -> memref<12632xf32, #tpu.memory_space<vmem>>
      %dma_start3A_206 = tpu.memref_slice %arg2[%add3A_79] : memref<7280000xf32, #tpu.memory_space<hbm>> -> memref<12632xf32, #tpu.memory_space<hbm>>
      %dma_start3A_207 = arith.constant 0 : i32
      %dma_start3A_208 = tpu.memref_slice %arg8[%dma_start3A_207] : memref<49152xf32, #tpu.memory_space<vmem>> -> memref<12632xf32, #tpu.memory_space<vmem>>
      %dma_start3A_209 = tpu.memref_slice %arg2[%add3A_79] : memref<7280000xf32, #tpu.memory_space<hbm>> -> memref<12632xf32, #tpu.memory_space<hbm>>
      tpu.enqueue_dma source(%dma_start3A_209 : memref<12632xf32, #tpu.memory_space<hbm>>) target(%dma_start3A_208 : memref<12632xf32, #tpu.memory_space<vmem>>) target_semaphore(%run_scoped3A : memref<!tpu.dma_semaphore, #tpu.memory_space<semaphore_mem>>)
      %dma_wait3A = arith.constant 0 : i32
      %dma_wait3A_210 = tpu.memref_slice %arg8[%dma_wait3A] : memref<49152xf32, #tpu.memory_space<vmem>> -> memref<12632xf32, #tpu.memory_space<vmem>>
      %dma_wait3A_211 = tpu.memref_slice %arg2[%add3A_79] : memref<7280000xf32, #tpu.memory_space<hbm>> -> memref<12632xf32, #tpu.memory_space<hbm>>
      %dma_wait3A_212 = arith.constant 0 : i32
      %dma_wait3A_213 = tpu.memref_slice %arg8[%dma_wait3A_212] : memref<49152xf32, #tpu.memory_space<vmem>> -> memref<12632xf32, #tpu.memory_space<vmem>>
      %dma_wait3A_214 = tpu.memref_slice %arg2[%add3A_79] : memref<7280000xf32, #tpu.memory_space<hbm>> -> memref<12632xf32, #tpu.memory_space<hbm>>
      tpu.wait_dma2 semaphore(%run_scoped3A : memref<!tpu.dma_semaphore, #tpu.memory_space<semaphore_mem>>) src(%dma_wait3A_214 : memref<12632xf32, #tpu.memory_space<hbm>>) dst(%dma_wait3A_213 : memref<12632xf32, #tpu.memory_space<vmem>>)
      tpu.yield
    }) : () -> ()
    %scan3A_80 = arith.constant 0 : i32
    %scan3A_81 = arith.constant 197 : i32
    %scan3A_82 = arith.addi %scan3A_80, %scan3A_81 : i32
    %scan3A_83 = arith.constant 1 : i32
    %scan3A_84 = scf.for %scan3A_205 = %scan3A_80 to %scan3A_82 step %scan3A_83 iter_args(%scan3A_206 = %scan3A_76) -> (i32)  : i32 {
      %mul3A_207 = arith.constant 4 : i32
      %mul3A_208 = arith.muli %scan3A_205, %mul3A_207 : i32
      %add3A_209 = arith.constant 0 : i32
      %add3A_210 = arith.addi %mul3A_208, %add3A_209 : i32
      %mul3A_211 = arith.constant 16 : i32
      %mul3A_212 = arith.muli %add3A_210, %mul3A_211 : i32
      %get3A_213 = arith.index_cast %mul3A_212 : i32 to index
      %get3A_214 = tpu.vector_load %arg8[%get3A_213] {strides = array<i32>} : memref<49152xf32, #tpu.memory_space<vmem>>, vector<16xf32>,
      %mul3A_215 = arith.constant 16 : i32
      %mul3A_216 = arith.muli %add3A_210, %mul3A_215 : i32
      %add3A_217 = arith.constant 442368 : i32
      %add3A_218 = arith.addi %add3A_217, %mul3A_216 : i32
      %add3A_219 = vector.broadcast %add3A_218 : i32 to vector<16xi32>
      %add3A_220 = arith.addi %add3A_219, %iota3A : vector<16xi32>
      %bitcast3A_221 = vector.bitcast %get3A_214 : vector<16xf32> to vector<16xi32>
      %ge3A_222 = arith.constant -2147483648 : i32
      %ge3A_223 = vector.broadcast %ge3A_222 : i32 to vector<16xi32>
      %ge3A_224 = arith.cmpi uge, %bitcast3A_221, %ge3A_223 : vector<16xi32>
      %not3A_225 = arith.constant dense<-1> : vector<16xi32>
      %not3A_226 = arith.xori %bitcast3A_221, %not3A_225 : vector<16xi32>
      %or3A_227 = arith.constant -2147483648 : i32
      %or3A_228 = vector.broadcast %or3A_227 : i32 to vector<16xi32>
      %or3A_229 = arith.ori %bitcast3A_221, %or3A_228 : vector<16xi32>
      %select_n3A_230 = arith.select %ge3A_224, %not3A_226, %or3A_229 : vector<16xi1>, vector<16xi32>
      %ge3A_231 = vector.broadcast %shift_left3A_70 : i32 to vector<16xi32>
      %ge3A_232 = arith.cmpi uge, %select_n3A_230, %ge3A_231 : vector<16xi32>
      %swap3A_233 = arith.index_cast %scan3A_206 : i32 to index
      %swap3A_234 = tpu.vector_load %arg10[%swap3A_233] masked %ge3A_232 {strides = array<i32>} : memref<4096xf32, #tpu.memory_space<vmem>>, vector<16xf32>, vector<16xi1>
      tpu.vector_store %arg10[%swap3A_233], %get3A_214 masked %ge3A_232 {strides = array<i32>} : memref<4096xf32, #tpu.memory_space<vmem>>, vector<16xf32>, vector<16xi1>
      %swap3A_235 = arith.index_cast %scan3A_206 : i32 to index
      %swap3A_236 = tpu.vector_load %arg11[%swap3A_235] masked %ge3A_232 {strides = array<i32>} : memref<4096xi32, #tpu.memory_space<vmem>>, vector<16xi32>, vector<16xi1>
      tpu.vector_store %arg11[%swap3A_235], %add3A_220 masked %ge3A_232 {strides = array<i32>} : memref<4096xi32, #tpu.memory_space<vmem>>, vector<16xi32>, vector<16xi1>
      %all_reduce_population_count3A_237 = tpu.all_reduce %ge3A_232 {dim = 0 : i64, kind = #tpu.reduction_kind<sum>} : vector<16xi1> -> vector<16xi32>
      %slice3A_238 = vector.extract_strided_slice %all_reduce_population_count3A_237 {offsets = [0], sizes = [1], strides = [1]} : vector<16xi32> to vector<1xi32>
      %squeeze3A_239 = vector.extract %slice3A_238[0] : i32 from vector<1xi32>
      %add3A_240 = arith.addi %scan3A_206, %squeeze3A_239 : i32
      %min3A_241 = arith.constant 4080 : i32
      %min3A_242 = arith.minsi %add3A_240, %min3A_241 : i32
      %mul3A_243 = arith.constant 4 : i32
      %mul3A_244 = arith.muli %scan3A_205, %mul3A_243 : i32
      %add3A_245 = arith.constant 1 : i32
      %add3A_246 = arith.addi %mul3A_244, %add3A_245 : i32
      %mul3A_247 = arith.constant 16 : i32
      %mul3A_248 = arith.muli %add3A_246, %mul3A_247 : i32
      %get3A_249 = arith.index_cast %mul3A_248 : i32 to index
      %get3A_250 = tpu.vector_load %arg8[%get3A_249] {strides = array<i32>} : memref<49152xf32, #tpu.memory_space<vmem>>, vector<16xf32>,
      %mul3A_251 = arith.constant 16 : i32
      %mul3A_252 = arith.muli %add3A_246, %mul3A_251 : i32
      %add3A_253 = arith.constant 442368 : i32
      %add3A_254 = arith.addi %add3A_253, %mul3A_252 : i32
      %add3A_255 = vector.broadcast %add3A_254 : i32 to vector<16xi32>
      %add3A_256 = arith.addi %add3A_255, %iota3A : vector<16xi32>
      %bitcast3A_257 = vector.bitcast %get3A_250 : vector<16xf32> to vector<16xi32>
      %ge3A_258 = arith.constant -2147483648 : i32
      %ge3A_259 = vector.broadcast %ge3A_258 : i32 to vector<16xi32>
      %ge3A_260 = arith.cmpi uge, %bitcast3A_257, %ge3A_259 : vector<16xi32>
      %not3A_261 = arith.constant dense<-1> : vector<16xi32>
      %not3A_262 = arith.xori %bitcast3A_257, %not3A_261 : vector<16xi32>
      %or3A_263 = arith.constant -2147483648 : i32
      %or3A_264 = vector.broadcast %or3A_263 : i32 to vector<16xi32>
      %or3A_265 = arith.ori %bitcast3A_257, %or3A_264 : vector<16xi32>
      %select_n3A_266 = arith.select %ge3A_260, %not3A_262, %or3A_265 : vector<16xi1>, vector<16xi32>
      %ge3A_267 = vector.broadcast %shift_left3A_70 : i32 to vector<16xi32>
      %ge3A_268 = arith.cmpi uge, %select_n3A_266, %ge3A_267 : vector<16xi32>
      %swap3A_269 = arith.index_cast %min3A_242 : i32 to index
      %swap3A_270 = tpu.vector_load %arg10[%swap3A_269] masked %ge3A_268 {strides = array<i32>} : memref<4096xf32, #tpu.memory_space<vmem>>, vector<16xf32>, vector<16xi1>
      tpu.vector_store %arg10[%swap3A_269], %get3A_250 masked %ge3A_268 {strides = array<i32>} : memref<4096xf32, #tpu.memory_space<vmem>>, vector<16xf32>, vector<16xi1>
      %swap3A_271 = arith.index_cast %min3A_242 : i32 to index
      %swap3A_272 = tpu.vector_load %arg11[%swap3A_271] masked %ge3A_268 {strides = array<i32>} : memref<4096xi32, #tpu.memory_space<vmem>>, vector<16xi32>, vector<16xi1>
      tpu.vector_store %arg11[%swap3A_271], %add3A_256 masked %ge3A_268 {strides = array<i32>} : memref<4096xi32, #tpu.memory_space<vmem>>, vector<16xi32>, vector<16xi1>
      %all_reduce_population_count3A_273 = tpu.all_reduce %ge3A_268 {dim = 0 : i64, kind = #tpu.reduction_kind<sum>} : vector<16xi1> -> vector<16xi32>
      %slice3A_274 = vector.extract_strided_slice %all_reduce_population_count3A_273 {offsets = [0], sizes = [1], strides = [1]} : vector<16xi32> to vector<1xi32>
      %squeeze3A_275 = vector.extract %slice3A_274[0] : i32 from vector<1xi32>
      %add3A_276 = arith.addi %min3A_242, %squeeze3A_275 : i32
      %min3A_277 = arith.constant 4080 : i32
      %min3A_278 = arith.minsi %add3A_276, %min3A_277 : i32
      %mul3A_279 = arith.constant 4 : i32
      %mul3A_280 = arith.muli %scan3A_205, %mul3A_279 : i32
      %add3A_281 = arith.constant 2 : i32
      %add3A_282 = arith.addi %mul3A_280, %add3A_281 : i32
      %mul3A_283 = arith.constant 16 : i32
      %mul3A_284 = arith.muli %add3A_282, %mul3A_283 : i32
      %get3A_285 = arith.index_cast %mul3A_284 : i32 to index
      %get3A_286 = tpu.vector_load %arg8[%get3A_285] {strides = array<i32>} : memref<49152xf32, #tpu.memory_space<vmem>>, vector<16xf32>,
      %mul3A_287 = arith.constant 16 : i32
      %mul3A_288 = arith.muli %add3A_282, %mul3A_287 : i32
      %add3A_289 = arith.constant 442368 : i32
      %add3A_290 = arith.addi %add3A_289, %mul3A_288 : i32
      %add3A_291 = vector.broadcast %add3A_290 : i32 to vector<16xi32>
      %add3A_292 = arith.addi %add3A_291, %iota3A : vector<16xi32>
      %bitcast3A_293 = vector.bitcast %get3A_286 : vector<16xf32> to vector<16xi32>
      %ge3A_294 = arith.constant -2147483648 : i32
      %ge3A_295 = vector.broadcast %ge3A_294 : i32 to vector<16xi32>
      %ge3A_296 = arith.cmpi uge, %bitcast3A_293, %ge3A_295 : vector<16xi32>
      %not3A_297 = arith.constant dense<-1> : vector<16xi32>
      %not3A_298 = arith.xori %bitcast3A_293, %not3A_297 : vector<16xi32>
      %or3A_299 = arith.constant -2147483648 : i32
      %or3A_300 = vector.broadcast %or3A_299 : i32 to vector<16xi32>
      %or3A_301 = arith.ori %bitcast3A_293, %or3A_300 : vector<16xi32>
      %select_n3A_302 = arith.select %ge3A_296, %not3A_298, %or3A_301 : vector<16xi1>, vector<16xi32>
      %ge3A_303 = vector.broadcast %shift_left3A_70 : i32 to vector<16xi32>
      %ge3A_304 = arith.cmpi uge, %select_n3A_302, %ge3A_303 : vector<16xi32>
      %swap3A_305 = arith.index_cast %min3A_278 : i32 to index
      %swap3A_306 = tpu.vector_load %arg10[%swap3A_305] masked %ge3A_304 {strides = array<i32>} : memref<4096xf32, #tpu.memory_space<vmem>>, vector<16xf32>, vector<16xi1>
      tpu.vector_store %arg10[%swap3A_305], %get3A_286 masked %ge3A_304 {strides = array<i32>} : memref<4096xf32, #tpu.memory_space<vmem>>, vector<16xf32>, vector<16xi1>
      %swap3A_307 = arith.index_cast %min3A_278 : i32 to index
      %swap3A_308 = tpu.vector_load %arg11[%swap3A_307] masked %ge3A_304 {strides = array<i32>} : memref<4096xi32, #tpu.memory_space<vmem>>, vector<16xi32>, vector<16xi1>
      tpu.vector_store %arg11[%swap3A_307], %add3A_292 masked %ge3A_304 {strides = array<i32>} : memref<4096xi32, #tpu.memory_space<vmem>>, vector<16xi32>, vector<16xi1>
      %all_reduce_population_count3A_309 = tpu.all_reduce %ge3A_304 {dim = 0 : i64, kind = #tpu.reduction_kind<sum>} : vector<16xi1> -> vector<16xi32>
      %slice3A_310 = vector.extract_strided_slice %all_reduce_population_count3A_309 {offsets = [0], sizes = [1], strides = [1]} : vector<16xi32> to vector<1xi32>
      %squeeze3A_311 = vector.extract %slice3A_310[0] : i32 from vector<1xi32>
      %add3A_312 = arith.addi %min3A_278, %squeeze3A_311 : i32
      %min3A_313 = arith.constant 4080 : i32
      %min3A_314 = arith.minsi %add3A_312, %min3A_313 : i32
      %mul3A_315 = arith.constant 4 : i32
      %mul3A_316 = arith.muli %scan3A_205, %mul3A_315 : i32
      %add3A_317 = arith.constant 3 : i32
      %add3A_318 = arith.addi %mul3A_316, %add3A_317 : i32
      %mul3A_319 = arith.constant 16 : i32
      %mul3A_320 = arith.muli %add3A_318, %mul3A_319 : i32
      %get3A_321 = arith.index_cast %mul3A_320 : i32 to index
      %get3A_322 = tpu.vector_load %arg8[%get3A_321] {strides = array<i32>} : memref<49152xf32, #tpu.memory_space<vmem>>, vector<16xf32>,
      %mul3A_323 = arith.constant 16 : i32
      %mul3A_324 = arith.muli %add3A_318, %mul3A_323 : i32
      %add3A_325 = arith.constant 442368 : i32
      %add3A_326 = arith.addi %add3A_325, %mul3A_324 : i32
      %add3A_327 = vector.broadcast %add3A_326 : i32 to vector<16xi32>
      %add3A_328 = arith.addi %add3A_327, %iota3A : vector<16xi32>
      %bitcast3A_329 = vector.bitcast %get3A_322 : vector<16xf32> to vector<16xi32>
      %ge3A_330 = arith.constant -2147483648 : i32
      %ge3A_331 = vector.broadcast %ge3A_330 : i32 to vector<16xi32>
      %ge3A_332 = arith.cmpi uge, %bitcast3A_329, %ge3A_331 : vector<16xi32>
      %not3A_333 = arith.constant dense<-1> : vector<16xi32>
      %not3A_334 = arith.xori %bitcast3A_329, %not3A_333 : vector<16xi32>
      %or3A_335 = arith.constant -2147483648 : i32
      %or3A_336 = vector.broadcast %or3A_335 : i32 to vector<16xi32>
      %or3A_337 = arith.ori %bitcast3A_329, %or3A_336 : vector<16xi32>
      %select_n3A_338 = arith.select %ge3A_332, %not3A_334, %or3A_337 : vector<16xi1>, vector<16xi32>
      %ge3A_339 = vector.broadcast %shift_left3A_70 : i32 to vector<16xi32>
      %ge3A_340 = arith.cmpi uge, %select_n3A_338, %ge3A_339 : vector<16xi32>
      %swap3A_341 = arith.index_cast %min3A_314 : i32 to index
      %swap3A_342 = tpu.vector_load %arg10[%swap3A_341] masked %ge3A_340 {strides = array<i32>} : memref<4096xf32, #tpu.memory_space<vmem>>, vector<16xf32>, vector<16xi1>
      tpu.vector_store %arg10[%swap3A_341], %get3A_322 masked %ge3A_340 {strides = array<i32>} : memref<4096xf32, #tpu.memory_space<vmem>>, vector<16xf32>, vector<16xi1>
      %swap3A_343 = arith.index_cast %min3A_314 : i32 to index
      %swap3A_344 = tpu.vector_load %arg11[%swap3A_343] masked %ge3A_340 {strides = array<i32>} : memref<4096xi32, #tpu.memory_space<vmem>>, vector<16xi32>, vector<16xi1>
      tpu.vector_store %arg11[%swap3A_343], %add3A_328 masked %ge3A_340 {strides = array<i32>} : memref<4096xi32, #tpu.memory_space<vmem>>, vector<16xi32>, vector<16xi1>
      %all_reduce_population_count3A_345 = tpu.all_reduce %ge3A_340 {dim = 0 : i64, kind = #tpu.reduction_kind<sum>} : vector<16xi1> -> vector<16xi32>
      %slice3A_346 = vector.extract_strided_slice %all_reduce_population_count3A_345 {offsets = [0], sizes = [1], strides = [1]} : vector<16xi32> to vector<1xi32>
      %squeeze3A_347 = vector.extract %slice3A_346[0] : i32 from vector<1xi32>
      %add3A_348 = arith.addi %min3A_314, %squeeze3A_347 : i32
      %min3A_349 = arith.constant 4080 : i32
      %min3A_350 = arith.minsi %add3A_348, %min3A_349 : i32
      scf.yield %min3A_350 : i32
    }
    %scan3A_85 = arith.constant 197 : i32
    %get3A_86 = arith.constant 12608 : index
    %get3A_87 = tpu.vector_load %arg8[%get3A_86] {strides = array<i32>} : memref<49152xf32, #tpu.memory_space<vmem>>, vector<16xf32>,
    %add3A_88 = arith.constant 454976 : i32
    %add3A_89 = vector.broadcast %add3A_88 : i32 to vector<16xi32>
    %add3A_90 = arith.addi %add3A_89, %iota3A : vector<16xi32>
    %bitcast3A_91 = vector.bitcast %get3A_87 : vector<16xf32> to vector<16xi32>
    %ge3A_92 = arith.constant -2147483648 : i32
    %ge3A_93 = vector.broadcast %ge3A_92 : i32 to vector<16xi32>
    %ge3A_94 = arith.cmpi uge, %bitcast3A_91, %ge3A_93 : vector<16xi32>
    %not3A_95 = arith.constant dense<-1> : vector<16xi32>
    %not3A_96 = arith.xori %bitcast3A_91, %not3A_95 : vector<16xi32>
    %or3A_97 = arith.constant -2147483648 : i32
    %or3A_98 = vector.broadcast %or3A_97 : i32 to vector<16xi32>
    %or3A_99 = arith.ori %bitcast3A_91, %or3A_98 : vector<16xi32>
    %select_n3A_100 = arith.select %ge3A_94, %not3A_96, %or3A_99 : vector<16xi1>, vector<16xi32>
    %ge3A_101 = vector.broadcast %shift_left3A_70 : i32 to vector<16xi32>
    %ge3A_102 = arith.cmpi uge, %select_n3A_100, %ge3A_101 : vector<16xi32>
    %swap3A_103 = arith.index_cast %scan3A_84 : i32 to index
    %swap3A_104 = tpu.vector_load %arg10[%swap3A_103] masked %ge3A_102 {strides = array<i32>} : memref<4096xf32, #tpu.memory_space<vmem>>, vector<16xf32>, vector<16xi1>
    tpu.vector_store %arg10[%swap3A_103], %get3A_87 masked %ge3A_102 {strides = array<i32>} : memref<4096xf32, #tpu.memory_space<vmem>>, vector<16xf32>, vector<16xi1>
    %swap3A_105 = arith.index_cast %scan3A_84 : i32 to index
    %swap3A_106 = tpu.vector_load %arg11[%swap3A_105] masked %ge3A_102 {strides = array<i32>} : memref<4096xi32, #tpu.memory_space<vmem>>, vector<16xi32>, vector<16xi1>
    tpu.vector_store %arg11[%swap3A_105], %add3A_90 masked %ge3A_102 {strides = array<i32>} : memref<4096xi32, #tpu.memory_space<vmem>>, vector<16xi32>, vector<16xi1>
    %all_reduce_population_count3A = tpu.all_reduce %ge3A_102 {dim = 0 : i64, kind = #tpu.reduction_kind<sum>} : vector<16xi1> -> vector<16xi32>
    %slice3A = vector.extract_strided_slice %all_reduce_population_count3A {offsets = [0], sizes = [1], strides = [1]} : vector<16xi32> to vector<1xi32>
    %squeeze3A = vector.extract %slice3A[0] : i32 from vector<1xi32>
    %add3A_107 = arith.addi %scan3A_84, %squeeze3A : i32
    %min3A = arith.constant 4080 : i32
    %min3A_108 = arith.minsi %add3A_107, %min3A : i32
    %get3A_109 = arith.constant 12624 : index
    %get3A_110 = tpu.vector_load %arg8[%get3A_109] {strides = array<i32>} : memref<49152xf32, #tpu.memory_space<vmem>>, vector<16xf32>,
    %add3A_111 = arith.constant 454992 : i32
    %add3A_112 = vector.broadcast %add3A_111 : i32 to vector<16xi32>
    %add3A_113 = arith.addi %add3A_112, %iota3A : vector<16xi32>
    %bitcast3A_114 = vector.bitcast %get3A_110 : vector<16xf32> to vector<16xi32>
    %ge3A_115 = arith.constant -2147483648 : i32
    %ge3A_116 = vector.broadcast %ge3A_115 : i32 to vector<16xi32>
    %ge3A_117 = arith.cmpi uge, %bitcast3A_114, %ge3A_116 : vector<16xi32>
    %not3A_118 = arith.constant dense<-1> : vector<16xi32>
    %not3A_119 = arith.xori %bitcast3A_114, %not3A_118 : vector<16xi32>
    %or3A_120 = arith.constant -2147483648 : i32
    %or3A_121 = vector.broadcast %or3A_120 : i32 to vector<16xi32>
    %or3A_122 = arith.ori %bitcast3A_114, %or3A_121 : vector<16xi32>
    %select_n3A_123 = arith.select %ge3A_117, %not3A_119, %or3A_122 : vector<16xi1>, vector<16xi32>
    %ge3A_124 = vector.broadcast %shift_left3A_70 : i32 to vector<16xi32>
    %ge3A_125 = arith.cmpi uge, %select_n3A_123, %ge3A_124 : vector<16xi32>
    %and3A_126 = arith.andi %ge3A_125, %lt3A_10 : vector<16xi1>
    %swap3A_127 = arith.index_cast %min3A_108 : i32 to index
    %swap3A_128 = tpu.vector_load %arg10[%swap3A_127] masked %and3A_126 {strides = array<i32>} : memref<4096xf32, #tpu.memory_space<vmem>>, vector<16xf32>, vector<16xi1>
    tpu.vector_store %arg10[%swap3A_127], %get3A_110 masked %and3A_126 {strides = array<i32>} : memref<4096xf32, #tpu.memory_space<vmem>>, vector<16xf32>, vector<16xi1>
    %swap3A_129 = arith.index_cast %min3A_108 : i32 to index
    %swap3A_130 = tpu.vector_load %arg11[%swap3A_129] masked %and3A_126 {strides = array<i32>} : memref<4096xi32, #tpu.memory_space<vmem>>, vector<16xi32>, vector<16xi1>
    tpu.vector_store %arg11[%swap3A_129], %add3A_113 masked %and3A_126 {strides = array<i32>} : memref<4096xi32, #tpu.memory_space<vmem>>, vector<16xi32>, vector<16xi1>
    %all_reduce_population_count3A_131 = tpu.all_reduce %and3A_126 {dim = 0 : i64, kind = #tpu.reduction_kind<sum>} : vector<16xi1> -> vector<16xi32>
    %slice3A_132 = vector.extract_strided_slice %all_reduce_population_count3A_131 {offsets = [0], sizes = [1], strides = [1]} : vector<16xi32> to vector<1xi32>
    %squeeze3A_133 = vector.extract %slice3A_132[0] : i32 from vector<1xi32>
    %add3A_134 = arith.addi %min3A_108, %squeeze3A_133 : i32
    %min3A_135 = arith.constant 4080 : i32
    %min3A_136 = arith.minsi %add3A_134, %min3A_135 : i32
    %broadcast_in_dim3A_137 = arith.constant -1.000000e+30 : f32
    %broadcast_in_dim3A_138 = vector.broadcast %broadcast_in_dim3A_137 : f32 to vector<16xf32>
    %swap3A_139 = arith.index_cast %min3A_136 : i32 to index
    %swap3A_140 = tpu.vector_load %arg10[%swap3A_139] {strides = array<i32>} : memref<4096xf32, #tpu.memory_space<vmem>>, vector<16xf32>,
    tpu.vector_store %arg10[%swap3A_139], %broadcast_in_dim3A_138 {strides = array<i32>} : memref<4096xf32, #tpu.memory_space<vmem>>, vector<16xf32>,
    %add3A_141 = arith.constant 1073741568 : i32
    %add3A_142 = vector.broadcast %add3A_141 : i32 to vector<16xi32>
    %add3A_143 = arith.addi %add3A_142, %iota3A : vector<16xi32>
    %swap3A_144 = arith.index_cast %min3A_136 : i32 to index
    %swap3A_145 = tpu.vector_load %arg11[%swap3A_144] {strides = array<i32>} : memref<4096xi32, #tpu.memory_space<vmem>>, vector<16xi32>,
    tpu.vector_store %arg11[%swap3A_144], %add3A_143 {strides = array<i32>} : memref<4096xi32, #tpu.memory_space<vmem>>, vector<16xi32>,
    %add3A_146 = arith.constant 15 : i32
    %add3A_147 = arith.addi %min3A_136, %add3A_146 : i32
    %jit3A = arith.constant 16 : i32
    %div3A = arith.divsi %add3A_147, %jit3A : i32
    %sign3A = arith.constant 0 : i32
    %sign3A_148 = arith.cmpi sgt, %add3A_147, %sign3A : i32
    %sign3A_149 = arith.extui %sign3A_148 : i1 to i32
    %sign3A_150 = arith.constant 0 : i32
    %sign3A_151 = arith.cmpi slt, %add3A_147, %sign3A_150 : i32
    %sign3A_152 = arith.extui %sign3A_151 : i1 to i32
    %sign3A_153 = arith.subi %sign3A_149, %sign3A_152 : i32
    %sign3A_154 = arith.constant 0 : i32
    %sign3A_155 = arith.cmpi sgt, %jit3A, %sign3A_154 : i32
    %sign3A_156 = arith.extui %sign3A_155 : i1 to i32
    %sign3A_157 = arith.constant 0 : i32
    %sign3A_158 = arith.cmpi slt, %jit3A, %sign3A_157 : i32
    %sign3A_159 = arith.extui %sign3A_158 : i1 to i32
    %sign3A_160 = arith.subi %sign3A_156, %sign3A_159 : i32
    %ne3A = arith.cmpi ne, %sign3A_153, %sign3A_160 : i32
    %rem3A = arith.remsi %add3A_147, %jit3A : i32
    %ne3A_161 = arith.constant 0 : i32
    %ne3A_162 = arith.cmpi ne, %rem3A, %ne3A_161 : i32
    %and3A_163 = arith.andi %ne3A, %ne3A_162 : i1
    %sub3A_164 = arith.constant 1 : i32
    %sub3A_165 = arith.subi %div3A, %sub3A_164 : i32
    %select_n3A_166 = arith.select %and3A_163, %sub3A_165, %div3A : i32
    %while3A_167 = arith.constant 0 : i32
    %while3A_168 = arith.constant 0 : i32
    %while3A_169 = arith.subi %select_n3A_166, %while3A_167 : i32
    %while3A_170 = arith.addi %while3A_167, %while3A_169 : i32
    %while3A_171 = arith.constant 1 : i32
    %while3A_172 = arith.divsi %while3A_169, %while3A_171 : i32
    %while3A_173 = arith.muli %while3A_172, %while3A_171 : i32
    %while3A_174 = arith.addi %while3A_167, %while3A_173 : i32
    %while3A_175 = arith.constant 1 : i32
    %while3A_176 = scf.for %while3A_205 = %while3A_167 to %while3A_174 step %while3A_175 iter_args(%while3A_206 = %while3A_168) -> (i32)  : i32 {
      %mul3A_207 = arith.constant 16 : i32
      %mul3A_208 = arith.muli %while3A_205, %mul3A_207 : i32
      %get3A_209 = arith.index_cast %mul3A_208 : i32 to index
      %get3A_210 = tpu.vector_load %arg10[%get3A_209] {strides = array<i32>} : memref<4096xf32, #tpu.memory_space<vmem>>, vector<16xf32>,
      %neg3A = arith.constant 0.000000e+00 : f32
      %neg3A_211 = vector.broadcast %neg3A : f32 to vector<16xf32>
      %neg3A_212 = arith.subf %neg3A_211, %get3A_210 : vector<16xf32>
      %exp3A = math.exp %neg3A_212 : vector<16xf32>
      %add3A_213 = arith.constant 1.000000e+00 : f32
      %add3A_214 = vector.broadcast %add3A_213 : f32 to vector<16xf32>
      %add3A_215 = arith.addf %add3A_214, %exp3A : vector<16xf32>
      %div3A_216 = arith.constant 1.000000e+00 : f32
      %div3A_217 = vector.broadcast %div3A_216 : f32 to vector<16xf32>
      %div3A_218 = arith.divf %div3A_217, %add3A_215 : vector<16xf32>
      %swap3A_219 = arith.index_cast %mul3A_208 : i32 to index
      %swap3A_220 = tpu.vector_load %arg12[%swap3A_219] {strides = array<i32>} : memref<4096xf32, #tpu.memory_space<vmem>>, vector<16xf32>,
      tpu.vector_store %arg12[%swap3A_219], %div3A_218 {strides = array<i32>} : memref<4096xf32, #tpu.memory_space<vmem>>, vector<16xf32>,
      %while3A_221 = arith.constant 0 : i32
      scf.yield %while3A_221 : i32
    }
    %while3A_177 = arith.constant 1 : i32
    %while3A_178 = scf.for %while3A_205 = %while3A_174 to %while3A_170 step %while3A_177 iter_args(%while3A_206 = %while3A_176) -> (i32)  : i32 {
      %mul3A_207 = arith.constant 16 : i32
      %mul3A_208 = arith.muli %while3A_205, %mul3A_207 : i32
      %get3A_209 = arith.index_cast %mul3A_208 : i32 to index
      %get3A_210 = tpu.vector_load %arg10[%get3A_209] {strides = array<i32>} : memref<4096xf32, #tpu.memory_space<vmem>>, vector<16xf32>,
      %neg3A = arith.constant 0.000000e+00 : f32
      %neg3A_211 = vector.broadcast %neg3A : f32 to vector<16xf32>
      %neg3A_212 = arith.subf %neg3A_211, %get3A_210 : vector<16xf32>
      %exp3A = math.exp %neg3A_212 : vector<16xf32>
      %add3A_213 = arith.constant 1.000000e+00 : f32
      %add3A_214 = vector.broadcast %add3A_213 : f32 to vector<16xf32>
      %add3A_215 = arith.addf %add3A_214, %exp3A : vector<16xf32>
      %div3A_216 = arith.constant 1.000000e+00 : f32
      %div3A_217 = vector.broadcast %div3A_216 : f32 to vector<16xf32>
      %div3A_218 = arith.divf %div3A_217, %add3A_215 : vector<16xf32>
      %swap3A_219 = arith.index_cast %mul3A_208 : i32 to index
      %swap3A_220 = tpu.vector_load %arg12[%swap3A_219] {strides = array<i32>} : memref<4096xf32, #tpu.memory_space<vmem>>, vector<16xf32>,
      tpu.vector_store %arg12[%swap3A_219], %div3A_218 {strides = array<i32>} : memref<4096xf32, #tpu.memory_space<vmem>>, vector<16xf32>,
      %while3A_221 = arith.constant 0 : i32
      scf.yield %while3A_221 : i32
    }
    %mul3A_179 = arith.constant 2 : i32
    %mul3A_180 = arith.muli %mul3A_179, %add3A : i32
    %get3A_181 = arith.index_cast %mul3A_180 : i32 to index
    %get3A_182 = tpu.vector_load %arg14[%get3A_181] {strides = array<i32>} : memref<48xf32, #tpu.memory_space<vmem>>, vector<16xf32>,
    %slice3A_183 = vector.extract_strided_slice %get3A_182 {offsets = [0], sizes = [1], strides = [1]} : vector<16xf32> to vector<1xf32>
    %squeeze3A_184 = vector.extract %slice3A_183[0] : f32 from vector<1xf32>
    %slice3A_185 = vector.extract_strided_slice %get3A_182 {offsets = [1], sizes = [1], strides = [1]} : vector<16xf32> to vector<1xf32>
    %squeeze3A_186 = vector.extract %slice3A_185[0] : f32 from vector<1xf32>
    %while3A_187 = arith.constant 0 : i32
    %while3A_188 = arith.constant 0 : i32
    %while3A_189 = arith.subi %select_n3A_166, %while3A_187 : i32
    %while3A_190 = arith.addi %while3A_187, %while3A_189 : i32
    %while3A_191 = arith.constant 1 : i32
    %while3A_192 = arith.divsi %while3A_189, %while3A_191 : i32
    %while3A_193 = arith.muli %while3A_192, %while3A_191 : i32
    %while3A_194 = arith.addi %while3A_187, %while3A_193 : i32
    %while3A_195 = arith.constant 1 : i32
    %while3A_196 = scf.for %while3A_205 = %while3A_187 to %while3A_194 step %while3A_195 iter_args(%while3A_206 = %while3A_188) -> (i32)  : i32 {
      %mul3A_207 = arith.constant 16 : i32
      %mul3A_208 = arith.muli %while3A_205, %mul3A_207 : i32
      %get3A_209 = arith.index_cast %mul3A_208 : i32 to index
      %get3A_210 = tpu.vector_load %arg12[%get3A_209] {strides = array<i32>} : memref<4096xf32, #tpu.memory_space<vmem>>, vector<16xf32>,
      %get3A_211 = arith.index_cast %mul3A_208 : i32 to index
      %get3A_212 = tpu.vector_load %arg11[%get3A_211] {strides = array<i32>} : memref<4096xi32, #tpu.memory_space<vmem>>, vector<16xi32>,
      %while3A_213 = arith.constant 0 : i32
      %while3A_214 = arith.subi %select_n3A_166, %while3A_213 : i32
      %while3A_215 = arith.addi %while3A_213, %while3A_214 : i32
      %while3A_216 = arith.constant 1 : i32
      %while3A_217 = arith.divsi %while3A_214, %while3A_216 : i32
      %while3A_218 = arith.muli %while3A_217, %while3A_216 : i32
      %while3A_219 = arith.addi %while3A_213, %while3A_218 : i32
      %while3A_220 = arith.constant 1 : i32
      %while3A_221 = scf.for %while3A_285 = %while3A_213 to %while3A_219 step %while3A_220 iter_args(%while3A_286 = %broadcast_in_dim3A_4) -> (vector<16xi32>)  : i32 {
        %mul3A_287 = arith.constant 16 : i32
        %mul3A_288 = arith.muli %while3A_285, %mul3A_287 : i32
        %get3A_289 = arith.index_cast %mul3A_288 : i32 to index
        %get3A_290 = tpu.vector_load %arg12[%get3A_289] {strides = array<i32>} : memref<4096xf32, #tpu.memory_space<vmem>>, vector<16xf32>,
        %mul3A_291 = arith.constant 16 : i32
        %mul3A_292 = arith.muli %while3A_285, %mul3A_291 : i32
        %get3A_293 = arith.index_cast %mul3A_292 : i32 to index
        %get3A_294 = tpu.vector_load %arg11[%get3A_293] {strides = array<i32>} : memref<4096xi32, #tpu.memory_space<vmem>>, vector<16xi32>,
        %slice3A_295 = vector.extract_strided_slice %get3A_290 {offsets = [0], sizes = [1], strides = [1]} : vector<16xf32> to vector<1xf32>
        %squeeze3A_296 = vector.extract %slice3A_295[0] : f32 from vector<1xf32>
        %slice3A_297 = vector.extract_strided_slice %get3A_294 {offsets = [0], sizes = [1], strides = [1]} : vector<16xi32> to vector<1xi32>
        %squeeze3A_298 = vector.extract %slice3A_297[0] : i32 from vector<1xi32>
        %gt3A = vector.broadcast %squeeze3A_296 : f32 to vector<16xf32>
        %gt3A_299 = arith.cmpf ogt, %gt3A, %get3A_210 : vector<16xf32>
        %convert_element_type3A = arith.extui %gt3A_299 : vector<16xi1> to vector<16xi32>
        %eq3A = vector.broadcast %squeeze3A_296 : f32 to vector<16xf32>
        %eq3A_300 = arith.cmpf oeq, %eq3A, %get3A_210 : vector<16xf32>
        %lt3A_301 = vector.broadcast %squeeze3A_298 : i32 to vector<16xi32>
        %lt3A_302 = arith.cmpi slt, %lt3A_301, %get3A_212 : vector<16xi32>
        %and3A_303 = arith.andi %eq3A_300, %lt3A_302 : vector<16xi1>
        %convert_element_type3A_304 = arith.extui %and3A_303 : vector<16xi1> to vector<16xi32>
        %add3A_305 = arith.addi %while3A_286, %convert_element_type3A : vector<16xi32>
        %add3A_306 = arith.addi %add3A_305, %convert_element_type3A_304 : vector<16xi32>
        %slice3A_307 = vector.extract_strided_slice %get3A_290 {offsets = [1], sizes = [1], strides = [1]} : vector<16xf32> to vector<1xf32>
        %squeeze3A_308 = vector.extract %slice3A_307[0] : f32 from vector<1xf32>
        %slice3A_309 = vector.extract_strided_slice %get3A_294 {offsets = [1], sizes = [1], strides = [1]} : vector<16xi32> to vector<1xi32>
        %squeeze3A_310 = vector.extract %slice3A_309[0] : i32 from vector<1xi32>
        %gt3A_311 = vector.broadcast %squeeze3A_308 : f32 to vector<16xf32>
        %gt3A_312 = arith.cmpf ogt, %gt3A_311, %get3A_210 : vector<16xf32>
        %convert_element_type3A_313 = arith.extui %gt3A_312 : vector<16xi1> to vector<16xi32>
        %eq3A_314 = vector.broadcast %squeeze3A_308 : f32 to vector<16xf32>
        %eq3A_315 = arith.cmpf oeq, %eq3A_314, %get3A_210 : vector<16xf32>
        %lt3A_316 = vector.broadcast %squeeze3A_310 : i32 to vector<16xi32>
        %lt3A_317 = arith.cmpi slt, %lt3A_316, %get3A_212 : vector<16xi32>
        %and3A_318 = arith.andi %eq3A_315, %lt3A_317 : vector<16xi1>
        %convert_element_type3A_319 = arith.extui %and3A_318 : vector<16xi1> to vector<16xi32>
        %add3A_320 = arith.addi %add3A_306, %convert_element_type3A_313 : vector<16xi32>
        %add3A_321 = arith.addi %add3A_320, %convert_element_type3A_319 : vector<16xi32>
        %slice3A_322 = vector.extract_strided_slice %get3A_290 {offsets = [2], sizes = [1], strides = [1]} : vector<16xf32> to vector<1xf32>
        %squeeze3A_323 = vector.extract %slice3A_322[0] : f32 from vector<1xf32>
        %slice3A_324 = vector.extract_strided_slice %get3A_294 {offsets = [2], sizes = [1], strides = [1]} : vector<16xi32> to vector<1xi32>
        %squeeze3A_325 = vector.extract %slice3A_324[0] : i32 from vector<1xi32>
        %gt3A_326 = vector.broadcast %squeeze3A_323 : f32 to vector<16xf32>
        %gt3A_327 = arith.cmpf ogt, %gt3A_326, %get3A_210 : vector<16xf32>
        %convert_element_type3A_328 = arith.extui %gt3A_327 : vector<16xi1> to vector<16xi32>
        %eq3A_329 = vector.broadcast %squeeze3A_323 : f32 to vector<16xf32>
        %eq3A_330 = arith.cmpf oeq, %eq3A_329, %get3A_210 : vector<16xf32>
        %lt3A_331 = vector.broadcast %squeeze3A_325 : i32 to vector<16xi32>
        %lt3A_332 = arith.cmpi slt, %lt3A_331, %get3A_212 : vector<16xi32>
        %and3A_333 = arith.andi %eq3A_330, %lt3A_332 : vector<16xi1>
        %convert_element_type3A_334 = arith.extui %and3A_333 : vector<16xi1> to vector<16xi32>
        %add3A_335 = arith.addi %add3A_321, %convert_element_type3A_328 : vector<16xi32>
        %add3A_336 = arith.addi %add3A_335, %convert_element_type3A_334 : vector<16xi32>
        %slice3A_337 = vector.extract_strided_slice %get3A_290 {offsets = [3], sizes = [1], strides = [1]} : vector<16xf32> to vector<1xf32>
        %squeeze3A_338 = vector.extract %slice3A_337[0] : f32 from vector<1xf32>
        %slice3A_339 = vector.extract_strided_slice %get3A_294 {offsets = [3], sizes = [1], strides = [1]} : vector<16xi32> to vector<1xi32>
        %squeeze3A_340 = vector.extract %slice3A_339[0] : i32 from vector<1xi32>
        %gt3A_341 = vector.broadcast %squeeze3A_338 : f32 to vector<16xf32>
        %gt3A_342 = arith.cmpf ogt, %gt3A_341, %get3A_210 : vector<16xf32>
        %convert_element_type3A_343 = arith.extui %gt3A_342 : vector<16xi1> to vector<16xi32>
        %eq3A_344 = vector.broadcast %squeeze3A_338 : f32 to vector<16xf32>
        %eq3A_345 = arith.cmpf oeq, %eq3A_344, %get3A_210 : vector<16xf32>
        %lt3A_346 = vector.broadcast %squeeze3A_340 : i32 to vector<16xi32>
        %lt3A_347 = arith.cmpi slt, %lt3A_346, %get3A_212 : vector<16xi32>
        %and3A_348 = arith.andi %eq3A_345, %lt3A_347 : vector<16xi1>
        %convert_element_type3A_349 = arith.extui %and3A_348 : vector<16xi1> to vector<16xi32>
        %add3A_350 = arith.addi %add3A_336, %convert_element_type3A_343 : vector<16xi32>
        %add3A_351 = arith.addi %add3A_350, %convert_element_type3A_349 : vector<16xi32>
        %slice3A_352 = vector.extract_strided_slice %get3A_290 {offsets = [4], sizes = [1], strides = [1]} : vector<16xf32> to vector<1xf32>
        %squeeze3A_353 = vector.extract %slice3A_352[0] : f32 from vector<1xf32>
        %slice3A_354 = vector.extract_strided_slice %get3A_294 {offsets = [4], sizes = [1], strides = [1]} : vector<16xi32> to vector<1xi32>
        %squeeze3A_355 = vector.extract %slice3A_354[0] : i32 from vector<1xi32>
        %gt3A_356 = vector.broadcast %squeeze3A_353 : f32 to vector<16xf32>
        %gt3A_357 = arith.cmpf ogt, %gt3A_356, %get3A_210 : vector<16xf32>
        %convert_element_type3A_358 = arith.extui %gt3A_357 : vector<16xi1> to vector<16xi32>
        %eq3A_359 = vector.broadcast %squeeze3A_353 : f32 to vector<16xf32>
        %eq3A_360 = arith.cmpf oeq, %eq3A_359, %get3A_210 : vector<16xf32>
        %lt3A_361 = vector.broadcast %squeeze3A_355 : i32 to vector<16xi32>
        %lt3A_362 = arith.cmpi slt, %lt3A_361, %get3A_212 : vector<16xi32>
        %and3A_363 = arith.andi %eq3A_360, %lt3A_362 : vector<16xi1>
        %convert_element_type3A_364 = arith.extui %and3A_363 : vector<16xi1> to vector<16xi32>
        %add3A_365 = arith.addi %add3A_351, %convert_element_type3A_358 : vector<16xi32>
        %add3A_366 = arith.addi %add3A_365, %convert_element_type3A_364 : vector<16xi32>
        %slice3A_367 = vector.extract_strided_slice %get3A_290 {offsets = [5], sizes = [1], strides = [1]} : vector<16xf32> to vector<1xf32>
        %squeeze3A_368 = vector.extract %slice3A_367[0] : f32 from vector<1xf32>
        %slice3A_369 = vector.extract_strided_slice %get3A_294 {offsets = [5], sizes = [1], strides = [1]} : vector<16xi32> to vector<1xi32>
        %squeeze3A_370 = vector.extract %slice3A_369[0] : i32 from vector<1xi32>
        %gt3A_371 = vector.broadcast %squeeze3A_368 : f32 to vector<16xf32>
        %gt3A_372 = arith.cmpf ogt, %gt3A_371, %get3A_210 : vector<16xf32>
        %convert_element_type3A_373 = arith.extui %gt3A_372 : vector<16xi1> to vector<16xi32>
        %eq3A_374 = vector.broadcast %squeeze3A_368 : f32 to vector<16xf32>
        %eq3A_375 = arith.cmpf oeq, %eq3A_374, %get3A_210 : vector<16xf32>
        %lt3A_376 = vector.broadcast %squeeze3A_370 : i32 to vector<16xi32>
        %lt3A_377 = arith.cmpi slt, %lt3A_376, %get3A_212 : vector<16xi32>
        %and3A_378 = arith.andi %eq3A_375, %lt3A_377 : vector<16xi1>
        %convert_element_type3A_379 = arith.extui %and3A_378 : vector<16xi1> to vector<16xi32>
        %add3A_380 = arith.addi %add3A_366, %convert_element_type3A_373 : vector<16xi32>
        %add3A_381 = arith.addi %add3A_380, %convert_element_type3A_379 : vector<16xi32>
        %slice3A_382 = vector.extract_strided_slice %get3A_290 {offsets = [6], sizes = [1], strides = [1]} : vector<16xf32> to vector<1xf32>
        %squeeze3A_383 = vector.extract %slice3A_382[0] : f32 from vector<1xf32>
        %slice3A_384 = vector.extract_strided_slice %get3A_294 {offsets = [6], sizes = [1], strides = [1]} : vector<16xi32> to vector<1xi32>
        %squeeze3A_385 = vector.extract %slice3A_384[0] : i32 from vector<1xi32>
        %gt3A_386 = vector.broadcast %squeeze3A_383 : f32 to vector<16xf32>
        %gt3A_387 = arith.cmpf ogt, %gt3A_386, %get3A_210 : vector<16xf32>
        %convert_element_type3A_388 = arith.extui %gt3A_387 : vector<16xi1> to vector<16xi32>
        %eq3A_389 = vector.broadcast %squeeze3A_383 : f32 to vector<16xf32>
        %eq3A_390 = arith.cmpf oeq, %eq3A_389, %get3A_210 : vector<16xf32>
        %lt3A_391 = vector.broadcast %squeeze3A_385 : i32 to vector<16xi32>
        %lt3A_392 = arith.cmpi slt, %lt3A_391, %get3A_212 : vector<16xi32>
        %and3A_393 = arith.andi %eq3A_390, %lt3A_392 : vector<16xi1>
        %convert_element_type3A_394 = arith.extui %and3A_393 : vector<16xi1> to vector<16xi32>
        %add3A_395 = arith.addi %add3A_381, %convert_element_type3A_388 : vector<16xi32>
        %add3A_396 = arith.addi %add3A_395, %convert_element_type3A_394 : vector<16xi32>
        %slice3A_397 = vector.extract_strided_slice %get3A_290 {offsets = [7], sizes = [1], strides = [1]} : vector<16xf32> to vector<1xf32>
        %squeeze3A_398 = vector.extract %slice3A_397[0] : f32 from vector<1xf32>
        %slice3A_399 = vector.extract_strided_slice %get3A_294 {offsets = [7], sizes = [1], strides = [1]} : vector<16xi32> to vector<1xi32>
        %squeeze3A_400 = vector.extract %slice3A_399[0] : i32 from vector<1xi32>
        %gt3A_401 = vector.broadcast %squeeze3A_398 : f32 to vector<16xf32>
        %gt3A_402 = arith.cmpf ogt, %gt3A_401, %get3A_210 : vector<16xf32>
        %convert_element_type3A_403 = arith.extui %gt3A_402 : vector<16xi1> to vector<16xi32>
        %eq3A_404 = vector.broadcast %squeeze3A_398 : f32 to vector<16xf32>
        %eq3A_405 = arith.cmpf oeq, %eq3A_404, %get3A_210 : vector<16xf32>
        %lt3A_406 = vector.broadcast %squeeze3A_400 : i32 to vector<16xi32>
        %lt3A_407 = arith.cmpi slt, %lt3A_406, %get3A_212 : vector<16xi32>
        %and3A_408 = arith.andi %eq3A_405, %lt3A_407 : vector<16xi1>
        %convert_element_type3A_409 = arith.extui %and3A_408 : vector<16xi1> to vector<16xi32>
        %add3A_410 = arith.addi %add3A_396, %convert_element_type3A_403 : vector<16xi32>
        %add3A_411 = arith.addi %add3A_410, %convert_element_type3A_409 : vector<16xi32>
        %slice3A_412 = vector.extract_strided_slice %get3A_290 {offsets = [8], sizes = [1], strides = [1]} : vector<16xf32> to vector<1xf32>
        %squeeze3A_413 = vector.extract %slice3A_412[0] : f32 from vector<1xf32>
        %slice3A_414 = vector.extract_strided_slice %get3A_294 {offsets = [8], sizes = [1], strides = [1]} : vector<16xi32> to vector<1xi32>
        %squeeze3A_415 = vector.extract %slice3A_414[0] : i32 from vector<1xi32>
        %gt3A_416 = vector.broadcast %squeeze3A_413 : f32 to vector<16xf32>
        %gt3A_417 = arith.cmpf ogt, %gt3A_416, %get3A_210 : vector<16xf32>
        %convert_element_type3A_418 = arith.extui %gt3A_417 : vector<16xi1> to vector<16xi32>
        %eq3A_419 = vector.broadcast %squeeze3A_413 : f32 to vector<16xf32>
        %eq3A_420 = arith.cmpf oeq, %eq3A_419, %get3A_210 : vector<16xf32>
        %lt3A_421 = vector.broadcast %squeeze3A_415 : i32 to vector<16xi32>
        %lt3A_422 = arith.cmpi slt, %lt3A_421, %get3A_212 : vector<16xi32>
        %and3A_423 = arith.andi %eq3A_420, %lt3A_422 : vector<16xi1>
        %convert_element_type3A_424 = arith.extui %and3A_423 : vector<16xi1> to vector<16xi32>
        %add3A_425 = arith.addi %add3A_411, %convert_element_type3A_418 : vector<16xi32>
        %add3A_426 = arith.addi %add3A_425, %convert_element_type3A_424 : vector<16xi32>
        %slice3A_427 = vector.extract_strided_slice %get3A_290 {offsets = [9], sizes = [1], strides = [1]} : vector<16xf32> to vector<1xf32>
        %squeeze3A_428 = vector.extract %slice3A_427[0] : f32 from vector<1xf32>
        %slice3A_429 = vector.extract_strided_slice %get3A_294 {offsets = [9], sizes = [1], strides = [1]} : vector<16xi32> to vector<1xi32>
        %squeeze3A_430 = vector.extract %slice3A_429[0] : i32 from vector<1xi32>
        %gt3A_431 = vector.broadcast %squeeze3A_428 : f32 to vector<16xf32>
        %gt3A_432 = arith.cmpf ogt, %gt3A_431, %get3A_210 : vector<16xf32>
        %convert_element_type3A_433 = arith.extui %gt3A_432 : vector<16xi1> to vector<16xi32>
        %eq3A_434 = vector.broadcast %squeeze3A_428 : f32 to vector<16xf32>
        %eq3A_435 = arith.cmpf oeq, %eq3A_434, %get3A_210 : vector<16xf32>
        %lt3A_436 = vector.broadcast %squeeze3A_430 : i32 to vector<16xi32>
        %lt3A_437 = arith.cmpi slt, %lt3A_436, %get3A_212 : vector<16xi32>
        %and3A_438 = arith.andi %eq3A_435, %lt3A_437 : vector<16xi1>
        %convert_element_type3A_439 = arith.extui %and3A_438 : vector<16xi1> to vector<16xi32>
        %add3A_440 = arith.addi %add3A_426, %convert_element_type3A_433 : vector<16xi32>
        %add3A_441 = arith.addi %add3A_440, %convert_element_type3A_439 : vector<16xi32>
        %slice3A_442 = vector.extract_strided_slice %get3A_290 {offsets = [10], sizes = [1], strides = [1]} : vector<16xf32> to vector<1xf32>
        %squeeze3A_443 = vector.extract %slice3A_442[0] : f32 from vector<1xf32>
        %slice3A_444 = vector.extract_strided_slice %get3A_294 {offsets = [10], sizes = [1], strides = [1]} : vector<16xi32> to vector<1xi32>
        %squeeze3A_445 = vector.extract %slice3A_444[0] : i32 from vector<1xi32>
        %gt3A_446 = vector.broadcast %squeeze3A_443 : f32 to vector<16xf32>
        %gt3A_447 = arith.cmpf ogt, %gt3A_446, %get3A_210 : vector<16xf32>
        %convert_element_type3A_448 = arith.extui %gt3A_447 : vector<16xi1> to vector<16xi32>
        %eq3A_449 = vector.broadcast %squeeze3A_443 : f32 to vector<16xf32>
        %eq3A_450 = arith.cmpf oeq, %eq3A_449, %get3A_210 : vector<16xf32>
        %lt3A_451 = vector.broadcast %squeeze3A_445 : i32 to vector<16xi32>
        %lt3A_452 = arith.cmpi slt, %lt3A_451, %get3A_212 : vector<16xi32>
        %and3A_453 = arith.andi %eq3A_450, %lt3A_452 : vector<16xi1>
        %convert_element_type3A_454 = arith.extui %and3A_453 : vector<16xi1> to vector<16xi32>
        %add3A_455 = arith.addi %add3A_441, %convert_element_type3A_448 : vector<16xi32>
        %add3A_456 = arith.addi %add3A_455, %convert_element_type3A_454 : vector<16xi32>
        %slice3A_457 = vector.extract_strided_slice %get3A_290 {offsets = [11], sizes = [1], strides = [1]} : vector<16xf32> to vector<1xf32>
        %squeeze3A_458 = vector.extract %slice3A_457[0] : f32 from vector<1xf32>
        %slice3A_459 = vector.extract_strided_slice %get3A_294 {offsets = [11], sizes = [1], strides = [1]} : vector<16xi32> to vector<1xi32>
        %squeeze3A_460 = vector.extract %slice3A_459[0] : i32 from vector<1xi32>
        %gt3A_461 = vector.broadcast %squeeze3A_458 : f32 to vector<16xf32>
        %gt3A_462 = arith.cmpf ogt, %gt3A_461, %get3A_210 : vector<16xf32>
        %convert_element_type3A_463 = arith.extui %gt3A_462 : vector<16xi1> to vector<16xi32>
        %eq3A_464 = vector.broadcast %squeeze3A_458 : f32 to vector<16xf32>
        %eq3A_465 = arith.cmpf oeq, %eq3A_464, %get3A_210 : vector<16xf32>
        %lt3A_466 = vector.broadcast %squeeze3A_460 : i32 to vector<16xi32>
        %lt3A_467 = arith.cmpi slt, %lt3A_466, %get3A_212 : vector<16xi32>
        %and3A_468 = arith.andi %eq3A_465, %lt3A_467 : vector<16xi1>
        %convert_element_type3A_469 = arith.extui %and3A_468 : vector<16xi1> to vector<16xi32>
        %add3A_470 = arith.addi %add3A_456, %convert_element_type3A_463 : vector<16xi32>
        %add3A_471 = arith.addi %add3A_470, %convert_element_type3A_469 : vector<16xi32>
        %slice3A_472 = vector.extract_strided_slice %get3A_290 {offsets = [12], sizes = [1], strides = [1]} : vector<16xf32> to vector<1xf32>
        %squeeze3A_473 = vector.extract %slice3A_472[0] : f32 from vector<1xf32>
        %slice3A_474 = vector.extract_strided_slice %get3A_294 {offsets = [12], sizes = [1], strides = [1]} : vector<16xi32> to vector<1xi32>
        %squeeze3A_475 = vector.extract %slice3A_474[0] : i32 from vector<1xi32>
        %gt3A_476 = vector.broadcast %squeeze3A_473 : f32 to vector<16xf32>
        %gt3A_477 = arith.cmpf ogt, %gt3A_476, %get3A_210 : vector<16xf32>
        %convert_element_type3A_478 = arith.extui %gt3A_477 : vector<16xi1> to vector<16xi32>
        %eq3A_479 = vector.broadcast %squeeze3A_473 : f32 to vector<16xf32>
        %eq3A_480 = arith.cmpf oeq, %eq3A_479, %get3A_210 : vector<16xf32>
        %lt3A_481 = vector.broadcast %squeeze3A_475 : i32 to vector<16xi32>
        %lt3A_482 = arith.cmpi slt, %lt3A_481, %get3A_212 : vector<16xi32>
        %and3A_483 = arith.andi %eq3A_480, %lt3A_482 : vector<16xi1>
        %convert_element_type3A_484 = arith.extui %and3A_483 : vector<16xi1> to vector<16xi32>
        %add3A_485 = arith.addi %add3A_471, %convert_element_type3A_478 : vector<16xi32>
        %add3A_486 = arith.addi %add3A_485, %convert_element_type3A_484 : vector<16xi32>
        %slice3A_487 = vector.extract_strided_slice %get3A_290 {offsets = [13], sizes = [1], strides = [1]} : vector<16xf32> to vector<1xf32>
        %squeeze3A_488 = vector.extract %slice3A_487[0] : f32 from vector<1xf32>
        %slice3A_489 = vector.extract_strided_slice %get3A_294 {offsets = [13], sizes = [1], strides = [1]} : vector<16xi32> to vector<1xi32>
        %squeeze3A_490 = vector.extract %slice3A_489[0] : i32 from vector<1xi32>
        %gt3A_491 = vector.broadcast %squeeze3A_488 : f32 to vector<16xf32>
        %gt3A_492 = arith.cmpf ogt, %gt3A_491, %get3A_210 : vector<16xf32>
        %convert_element_type3A_493 = arith.extui %gt3A_492 : vector<16xi1> to vector<16xi32>
        %eq3A_494 = vector.broadcast %squeeze3A_488 : f32 to vector<16xf32>
        %eq3A_495 = arith.cmpf oeq, %eq3A_494, %get3A_210 : vector<16xf32>
        %lt3A_496 = vector.broadcast %squeeze3A_490 : i32 to vector<16xi32>
        %lt3A_497 = arith.cmpi slt, %lt3A_496, %get3A_212 : vector<16xi32>
        %and3A_498 = arith.andi %eq3A_495, %lt3A_497 : vector<16xi1>
        %convert_element_type3A_499 = arith.extui %and3A_498 : vector<16xi1> to vector<16xi32>
        %add3A_500 = arith.addi %add3A_486, %convert_element_type3A_493 : vector<16xi32>
        %add3A_501 = arith.addi %add3A_500, %convert_element_type3A_499 : vector<16xi32>
        %slice3A_502 = vector.extract_strided_slice %get3A_290 {offsets = [14], sizes = [1], strides = [1]} : vector<16xf32> to vector<1xf32>
        %squeeze3A_503 = vector.extract %slice3A_502[0] : f32 from vector<1xf32>
        %slice3A_504 = vector.extract_strided_slice %get3A_294 {offsets = [14], sizes = [1], strides = [1]} : vector<16xi32> to vector<1xi32>
        %squeeze3A_505 = vector.extract %slice3A_504[0] : i32 from vector<1xi32>
        %gt3A_506 = vector.broadcast %squeeze3A_503 : f32 to vector<16xf32>
        %gt3A_507 = arith.cmpf ogt, %gt3A_506, %get3A_210 : vector<16xf32>
        %convert_element_type3A_508 = arith.extui %gt3A_507 : vector<16xi1> to vector<16xi32>
        %eq3A_509 = vector.broadcast %squeeze3A_503 : f32 to vector<16xf32>
        %eq3A_510 = arith.cmpf oeq, %eq3A_509, %get3A_210 : vector<16xf32>
        %lt3A_511 = vector.broadcast %squeeze3A_505 : i32 to vector<16xi32>
        %lt3A_512 = arith.cmpi slt, %lt3A_511, %get3A_212 : vector<16xi32>
        %and3A_513 = arith.andi %eq3A_510, %lt3A_512 : vector<16xi1>
        %convert_element_type3A_514 = arith.extui %and3A_513 : vector<16xi1> to vector<16xi32>
        %add3A_515 = arith.addi %add3A_501, %convert_element_type3A_508 : vector<16xi32>
        %add3A_516 = arith.addi %add3A_515, %convert_element_type3A_514 : vector<16xi32>
        %slice3A_517 = vector.extract_strided_slice %get3A_290 {offsets = [15], sizes = [1], strides = [1]} : vector<16xf32> to vector<1xf32>
        %squeeze3A_518 = vector.extract %slice3A_517[0] : f32 from vector<1xf32>
        %slice3A_519 = vector.extract_strided_slice %get3A_294 {offsets = [15], sizes = [1], strides = [1]} : vector<16xi32> to vector<1xi32>
        %squeeze3A_520 = vector.extract %slice3A_519[0] : i32 from vector<1xi32>
        %gt3A_521 = vector.broadcast %squeeze3A_518 : f32 to vector<16xf32>
        %gt3A_522 = arith.cmpf ogt, %gt3A_521, %get3A_210 : vector<16xf32>
        %convert_element_type3A_523 = arith.extui %gt3A_522 : vector<16xi1> to vector<16xi32>
        %eq3A_524 = vector.broadcast %squeeze3A_518 : f32 to vector<16xf32>
        %eq3A_525 = arith.cmpf oeq, %eq3A_524, %get3A_210 : vector<16xf32>
        %lt3A_526 = vector.broadcast %squeeze3A_520 : i32 to vector<16xi32>
        %lt3A_527 = arith.cmpi slt, %lt3A_526, %get3A_212 : vector<16xi32>
        %and3A_528 = arith.andi %eq3A_525, %lt3A_527 : vector<16xi1>
        %convert_element_type3A_529 = arith.extui %and3A_528 : vector<16xi1> to vector<16xi32>
        %add3A_530 = arith.addi %add3A_516, %convert_element_type3A_523 : vector<16xi32>
        %add3A_531 = arith.addi %add3A_530, %convert_element_type3A_529 : vector<16xi32>
        scf.yield %add3A_531 : vector<16xi32>
      }
      %while3A_222 = arith.constant 1 : i32
      %while3A_223 = scf.for %while3A_285 = %while3A_219 to %while3A_215 step %while3A_222 iter_args(%while3A_286 = %while3A_221) -> (vector<16xi32>)  : i32 {
        %mul3A_287 = arith.constant 16 : i32
        %mul3A_288 = arith.muli %while3A_285, %mul3A_287 : i32
        %get3A_289 = arith.index_cast %mul3A_288 : i32 to index
        %get3A_290 = tpu.vector_load %arg12[%get3A_289] {strides = array<i32>} : memref<4096xf32, #tpu.memory_space<vmem>>, vector<16xf32>,
        %mul3A_291 = arith.constant 16 : i32
        %mul3A_292 = arith.muli %while3A_285, %mul3A_291 : i32
        %get3A_293 = arith.index_cast %mul3A_292 : i32 to index
        %get3A_294 = tpu.vector_load %arg11[%get3A_293] {strides = array<i32>} : memref<4096xi32, #tpu.memory_space<vmem>>, vector<16xi32>,
        %slice3A_295 = vector.extract_strided_slice %get3A_290 {offsets = [0], sizes = [1], strides = [1]} : vector<16xf32> to vector<1xf32>
        %squeeze3A_296 = vector.extract %slice3A_295[0] : f32 from vector<1xf32>
        %slice3A_297 = vector.extract_strided_slice %get3A_294 {offsets = [0], sizes = [1], strides = [1]} : vector<16xi32> to vector<1xi32>
        %squeeze3A_298 = vector.extract %slice3A_297[0] : i32 from vector<1xi32>
        %gt3A = vector.broadcast %squeeze3A_296 : f32 to vector<16xf32>
        %gt3A_299 = arith.cmpf ogt, %gt3A, %get3A_210 : vector<16xf32>
        %convert_element_type3A = arith.extui %gt3A_299 : vector<16xi1> to vector<16xi32>
        %eq3A = vector.broadcast %squeeze3A_296 : f32 to vector<16xf32>
        %eq3A_300 = arith.cmpf oeq, %eq3A, %get3A_210 : vector<16xf32>
        %lt3A_301 = vector.broadcast %squeeze3A_298 : i32 to vector<16xi32>
        %lt3A_302 = arith.cmpi slt, %lt3A_301, %get3A_212 : vector<16xi32>
        %and3A_303 = arith.andi %eq3A_300, %lt3A_302 : vector<16xi1>
        %convert_element_type3A_304 = arith.extui %and3A_303 : vector<16xi1> to vector<16xi32>
        %add3A_305 = arith.addi %while3A_286, %convert_element_type3A : vector<16xi32>
        %add3A_306 = arith.addi %add3A_305, %convert_element_type3A_304 : vector<16xi32>
        %slice3A_307 = vector.extract_strided_slice %get3A_290 {offsets = [1], sizes = [1], strides = [1]} : vector<16xf32> to vector<1xf32>
        %squeeze3A_308 = vector.extract %slice3A_307[0] : f32 from vector<1xf32>
        %slice3A_309 = vector.extract_strided_slice %get3A_294 {offsets = [1], sizes = [1], strides = [1]} : vector<16xi32> to vector<1xi32>
        %squeeze3A_310 = vector.extract %slice3A_309[0] : i32 from vector<1xi32>
        %gt3A_311 = vector.broadcast %squeeze3A_308 : f32 to vector<16xf32>
        %gt3A_312 = arith.cmpf ogt, %gt3A_311, %get3A_210 : vector<16xf32>
        %convert_element_type3A_313 = arith.extui %gt3A_312 : vector<16xi1> to vector<16xi32>
        %eq3A_314 = vector.broadcast %squeeze3A_308 : f32 to vector<16xf32>
        %eq3A_315 = arith.cmpf oeq, %eq3A_314, %get3A_210 : vector<16xf32>
        %lt3A_316 = vector.broadcast %squeeze3A_310 : i32 to vector<16xi32>
        %lt3A_317 = arith.cmpi slt, %lt3A_316, %get3A_212 : vector<16xi32>
        %and3A_318 = arith.andi %eq3A_315, %lt3A_317 : vector<16xi1>
        %convert_element_type3A_319 = arith.extui %and3A_318 : vector<16xi1> to vector<16xi32>
        %add3A_320 = arith.addi %add3A_306, %convert_element_type3A_313 : vector<16xi32>
        %add3A_321 = arith.addi %add3A_320, %convert_element_type3A_319 : vector<16xi32>
        %slice3A_322 = vector.extract_strided_slice %get3A_290 {offsets = [2], sizes = [1], strides = [1]} : vector<16xf32> to vector<1xf32>
        %squeeze3A_323 = vector.extract %slice3A_322[0] : f32 from vector<1xf32>
        %slice3A_324 = vector.extract_strided_slice %get3A_294 {offsets = [2], sizes = [1], strides = [1]} : vector<16xi32> to vector<1xi32>
        %squeeze3A_325 = vector.extract %slice3A_324[0] : i32 from vector<1xi32>
        %gt3A_326 = vector.broadcast %squeeze3A_323 : f32 to vector<16xf32>
        %gt3A_327 = arith.cmpf ogt, %gt3A_326, %get3A_210 : vector<16xf32>
        %convert_element_type3A_328 = arith.extui %gt3A_327 : vector<16xi1> to vector<16xi32>
        %eq3A_329 = vector.broadcast %squeeze3A_323 : f32 to vector<16xf32>
        %eq3A_330 = arith.cmpf oeq, %eq3A_329, %get3A_210 : vector<16xf32>
        %lt3A_331 = vector.broadcast %squeeze3A_325 : i32 to vector<16xi32>
        %lt3A_332 = arith.cmpi slt, %lt3A_331, %get3A_212 : vector<16xi32>
        %and3A_333 = arith.andi %eq3A_330, %lt3A_332 : vector<16xi1>
        %convert_element_type3A_334 = arith.extui %and3A_333 : vector<16xi1> to vector<16xi32>
        %add3A_335 = arith.addi %add3A_321, %convert_element_type3A_328 : vector<16xi32>
        %add3A_336 = arith.addi %add3A_335, %convert_element_type3A_334 : vector<16xi32>
        %slice3A_337 = vector.extract_strided_slice %get3A_290 {offsets = [3], sizes = [1], strides = [1]} : vector<16xf32> to vector<1xf32>
        %squeeze3A_338 = vector.extract %slice3A_337[0] : f32 from vector<1xf32>
        %slice3A_339 = vector.extract_strided_slice %get3A_294 {offsets = [3], sizes = [1], strides = [1]} : vector<16xi32> to vector<1xi32>
        %squeeze3A_340 = vector.extract %slice3A_339[0] : i32 from vector<1xi32>
        %gt3A_341 = vector.broadcast %squeeze3A_338 : f32 to vector<16xf32>
        %gt3A_342 = arith.cmpf ogt, %gt3A_341, %get3A_210 : vector<16xf32>
        %convert_element_type3A_343 = arith.extui %gt3A_342 : vector<16xi1> to vector<16xi32>
        %eq3A_344 = vector.broadcast %squeeze3A_338 : f32 to vector<16xf32>
        %eq3A_345 = arith.cmpf oeq, %eq3A_344, %get3A_210 : vector<16xf32>
        %lt3A_346 = vector.broadcast %squeeze3A_340 : i32 to vector<16xi32>
        %lt3A_347 = arith.cmpi slt, %lt3A_346, %get3A_212 : vector<16xi32>
        %and3A_348 = arith.andi %eq3A_345, %lt3A_347 : vector<16xi1>
        %convert_element_type3A_349 = arith.extui %and3A_348 : vector<16xi1> to vector<16xi32>
        %add3A_350 = arith.addi %add3A_336, %convert_element_type3A_343 : vector<16xi32>
        %add3A_351 = arith.addi %add3A_350, %convert_element_type3A_349 : vector<16xi32>
        %slice3A_352 = vector.extract_strided_slice %get3A_290 {offsets = [4], sizes = [1], strides = [1]} : vector<16xf32> to vector<1xf32>
        %squeeze3A_353 = vector.extract %slice3A_352[0] : f32 from vector<1xf32>
        %slice3A_354 = vector.extract_strided_slice %get3A_294 {offsets = [4], sizes = [1], strides = [1]} : vector<16xi32> to vector<1xi32>
        %squeeze3A_355 = vector.extract %slice3A_354[0] : i32 from vector<1xi32>
        %gt3A_356 = vector.broadcast %squeeze3A_353 : f32 to vector<16xf32>
        %gt3A_357 = arith.cmpf ogt, %gt3A_356, %get3A_210 : vector<16xf32>
        %convert_element_type3A_358 = arith.extui %gt3A_357 : vector<16xi1> to vector<16xi32>
        %eq3A_359 = vector.broadcast %squeeze3A_353 : f32 to vector<16xf32>
        %eq3A_360 = arith.cmpf oeq, %eq3A_359, %get3A_210 : vector<16xf32>
        %lt3A_361 = vector.broadcast %squeeze3A_355 : i32 to vector<16xi32>
        %lt3A_362 = arith.cmpi slt, %lt3A_361, %get3A_212 : vector<16xi32>
        %and3A_363 = arith.andi %eq3A_360, %lt3A_362 : vector<16xi1>
        %convert_element_type3A_364 = arith.extui %and3A_363 : vector<16xi1> to vector<16xi32>
        %add3A_365 = arith.addi %add3A_351, %convert_element_type3A_358 : vector<16xi32>
        %add3A_366 = arith.addi %add3A_365, %convert_element_type3A_364 : vector<16xi32>
        %slice3A_367 = vector.extract_strided_slice %get3A_290 {offsets = [5], sizes = [1], strides = [1]} : vector<16xf32> to vector<1xf32>
        %squeeze3A_368 = vector.extract %slice3A_367[0] : f32 from vector<1xf32>
        %slice3A_369 = vector.extract_strided_slice %get3A_294 {offsets = [5], sizes = [1], strides = [1]} : vector<16xi32> to vector<1xi32>
        %squeeze3A_370 = vector.extract %slice3A_369[0] : i32 from vector<1xi32>
        %gt3A_371 = vector.broadcast %squeeze3A_368 : f32 to vector<16xf32>
        %gt3A_372 = arith.cmpf ogt, %gt3A_371, %get3A_210 : vector<16xf32>
        %convert_element_type3A_373 = arith.extui %gt3A_372 : vector<16xi1> to vector<16xi32>
        %eq3A_374 = vector.broadcast %squeeze3A_368 : f32 to vector<16xf32>
        %eq3A_375 = arith.cmpf oeq, %eq3A_374, %get3A_210 : vector<16xf32>
        %lt3A_376 = vector.broadcast %squeeze3A_370 : i32 to vector<16xi32>
        %lt3A_377 = arith.cmpi slt, %lt3A_376, %get3A_212 : vector<16xi32>
        %and3A_378 = arith.andi %eq3A_375, %lt3A_377 : vector<16xi1>
        %convert_element_type3A_379 = arith.extui %and3A_378 : vector<16xi1> to vector<16xi32>
        %add3A_380 = arith.addi %add3A_366, %convert_element_type3A_373 : vector<16xi32>
        %add3A_381 = arith.addi %add3A_380, %convert_element_type3A_379 : vector<16xi32>
        %slice3A_382 = vector.extract_strided_slice %get3A_290 {offsets = [6], sizes = [1], strides = [1]} : vector<16xf32> to vector<1xf32>
        %squeeze3A_383 = vector.extract %slice3A_382[0] : f32 from vector<1xf32>
        %slice3A_384 = vector.extract_strided_slice %get3A_294 {offsets = [6], sizes = [1], strides = [1]} : vector<16xi32> to vector<1xi32>
        %squeeze3A_385 = vector.extract %slice3A_384[0] : i32 from vector<1xi32>
        %gt3A_386 = vector.broadcast %squeeze3A_383 : f32 to vector<16xf32>
        %gt3A_387 = arith.cmpf ogt, %gt3A_386, %get3A_210 : vector<16xf32>
        %convert_element_type3A_388 = arith.extui %gt3A_387 : vector<16xi1> to vector<16xi32>
        %eq3A_389 = vector.broadcast %squeeze3A_383 : f32 to vector<16xf32>
        %eq3A_390 = arith.cmpf oeq, %eq3A_389, %get3A_210 : vector<16xf32>
        %lt3A_391 = vector.broadcast %squeeze3A_385 : i32 to vector<16xi32>
        %lt3A_392 = arith.cmpi slt, %lt3A_391, %get3A_212 : vector<16xi32>
        %and3A_393 = arith.andi %eq3A_390, %lt3A_392 : vector<16xi1>
        %convert_element_type3A_394 = arith.extui %and3A_393 : vector<16xi1> to vector<16xi32>
        %add3A_395 = arith.addi %add3A_381, %convert_element_type3A_388 : vector<16xi32>
        %add3A_396 = arith.addi %add3A_395, %convert_element_type3A_394 : vector<16xi32>
        %slice3A_397 = vector.extract_strided_slice %get3A_290 {offsets = [7], sizes = [1], strides = [1]} : vector<16xf32> to vector<1xf32>
        %squeeze3A_398 = vector.extract %slice3A_397[0] : f32 from vector<1xf32>
        %slice3A_399 = vector.extract_strided_slice %get3A_294 {offsets = [7], sizes = [1], strides = [1]} : vector<16xi32> to vector<1xi32>
        %squeeze3A_400 = vector.extract %slice3A_399[0] : i32 from vector<1xi32>
        %gt3A_401 = vector.broadcast %squeeze3A_398 : f32 to vector<16xf32>
        %gt3A_402 = arith.cmpf ogt, %gt3A_401, %get3A_210 : vector<16xf32>
        %convert_element_type3A_403 = arith.extui %gt3A_402 : vector<16xi1> to vector<16xi32>
        %eq3A_404 = vector.broadcast %squeeze3A_398 : f32 to vector<16xf32>
        %eq3A_405 = arith.cmpf oeq, %eq3A_404, %get3A_210 : vector<16xf32>
        %lt3A_406 = vector.broadcast %squeeze3A_400 : i32 to vector<16xi32>
        %lt3A_407 = arith.cmpi slt, %lt3A_406, %get3A_212 : vector<16xi32>
        %and3A_408 = arith.andi %eq3A_405, %lt3A_407 : vector<16xi1>
        %convert_element_type3A_409 = arith.extui %and3A_408 : vector<16xi1> to vector<16xi32>
        %add3A_410 = arith.addi %add3A_396, %convert_element_type3A_403 : vector<16xi32>
        %add3A_411 = arith.addi %add3A_410, %convert_element_type3A_409 : vector<16xi32>
        %slice3A_412 = vector.extract_strided_slice %get3A_290 {offsets = [8], sizes = [1], strides = [1]} : vector<16xf32> to vector<1xf32>
        %squeeze3A_413 = vector.extract %slice3A_412[0] : f32 from vector<1xf32>
        %slice3A_414 = vector.extract_strided_slice %get3A_294 {offsets = [8], sizes = [1], strides = [1]} : vector<16xi32> to vector<1xi32>
        %squeeze3A_415 = vector.extract %slice3A_414[0] : i32 from vector<1xi32>
        %gt3A_416 = vector.broadcast %squeeze3A_413 : f32 to vector<16xf32>
        %gt3A_417 = arith.cmpf ogt, %gt3A_416, %get3A_210 : vector<16xf32>
        %convert_element_type3A_418 = arith.extui %gt3A_417 : vector<16xi1> to vector<16xi32>
        %eq3A_419 = vector.broadcast %squeeze3A_413 : f32 to vector<16xf32>
        %eq3A_420 = arith.cmpf oeq, %eq3A_419, %get3A_210 : vector<16xf32>
        %lt3A_421 = vector.broadcast %squeeze3A_415 : i32 to vector<16xi32>
        %lt3A_422 = arith.cmpi slt, %lt3A_421, %get3A_212 : vector<16xi32>
        %and3A_423 = arith.andi %eq3A_420, %lt3A_422 : vector<16xi1>
        %convert_element_type3A_424 = arith.extui %and3A_423 : vector<16xi1> to vector<16xi32>
        %add3A_425 = arith.addi %add3A_411, %convert_element_type3A_418 : vector<16xi32>
        %add3A_426 = arith.addi %add3A_425, %convert_element_type3A_424 : vector<16xi32>
        %slice3A_427 = vector.extract_strided_slice %get3A_290 {offsets = [9], sizes = [1], strides = [1]} : vector<16xf32> to vector<1xf32>
        %squeeze3A_428 = vector.extract %slice3A_427[0] : f32 from vector<1xf32>
        %slice3A_429 = vector.extract_strided_slice %get3A_294 {offsets = [9], sizes = [1], strides = [1]} : vector<16xi32> to vector<1xi32>
        %squeeze3A_430 = vector.extract %slice3A_429[0] : i32 from vector<1xi32>
        %gt3A_431 = vector.broadcast %squeeze3A_428 : f32 to vector<16xf32>
        %gt3A_432 = arith.cmpf ogt, %gt3A_431, %get3A_210 : vector<16xf32>
        %convert_element_type3A_433 = arith.extui %gt3A_432 : vector<16xi1> to vector<16xi32>
        %eq3A_434 = vector.broadcast %squeeze3A_428 : f32 to vector<16xf32>
        %eq3A_435 = arith.cmpf oeq, %eq3A_434, %get3A_210 : vector<16xf32>
        %lt3A_436 = vector.broadcast %squeeze3A_430 : i32 to vector<16xi32>
        %lt3A_437 = arith.cmpi slt, %lt3A_436, %get3A_212 : vector<16xi32>
        %and3A_438 = arith.andi %eq3A_435, %lt3A_437 : vector<16xi1>
        %convert_element_type3A_439 = arith.extui %and3A_438 : vector<16xi1> to vector<16xi32>
        %add3A_440 = arith.addi %add3A_426, %convert_element_type3A_433 : vector<16xi32>
        %add3A_441 = arith.addi %add3A_440, %convert_element_type3A_439 : vector<16xi32>
        %slice3A_442 = vector.extract_strided_slice %get3A_290 {offsets = [10], sizes = [1], strides = [1]} : vector<16xf32> to vector<1xf32>
        %squeeze3A_443 = vector.extract %slice3A_442[0] : f32 from vector<1xf32>
        %slice3A_444 = vector.extract_strided_slice %get3A_294 {offsets = [10], sizes = [1], strides = [1]} : vector<16xi32> to vector<1xi32>
        %squeeze3A_445 = vector.extract %slice3A_444[0] : i32 from vector<1xi32>
        %gt3A_446 = vector.broadcast %squeeze3A_443 : f32 to vector<16xf32>
        %gt3A_447 = arith.cmpf ogt, %gt3A_446, %get3A_210 : vector<16xf32>
        %convert_element_type3A_448 = arith.extui %gt3A_447 : vector<16xi1> to vector<16xi32>
        %eq3A_449 = vector.broadcast %squeeze3A_443 : f32 to vector<16xf32>
        %eq3A_450 = arith.cmpf oeq, %eq3A_449, %get3A_210 : vector<16xf32>
        %lt3A_451 = vector.broadcast %squeeze3A_445 : i32 to vector<16xi32>
        %lt3A_452 = arith.cmpi slt, %lt3A_451, %get3A_212 : vector<16xi32>
        %and3A_453 = arith.andi %eq3A_450, %lt3A_452 : vector<16xi1>
        %convert_element_type3A_454 = arith.extui %and3A_453 : vector<16xi1> to vector<16xi32>
        %add3A_455 = arith.addi %add3A_441, %convert_element_type3A_448 : vector<16xi32>
        %add3A_456 = arith.addi %add3A_455, %convert_element_type3A_454 : vector<16xi32>
        %slice3A_457 = vector.extract_strided_slice %get3A_290 {offsets = [11], sizes = [1], strides = [1]} : vector<16xf32> to vector<1xf32>
        %squeeze3A_458 = vector.extract %slice3A_457[0] : f32 from vector<1xf32>
        %slice3A_459 = vector.extract_strided_slice %get3A_294 {offsets = [11], sizes = [1], strides = [1]} : vector<16xi32> to vector<1xi32>
        %squeeze3A_460 = vector.extract %slice3A_459[0] : i32 from vector<1xi32>
        %gt3A_461 = vector.broadcast %squeeze3A_458 : f32 to vector<16xf32>
        %gt3A_462 = arith.cmpf ogt, %gt3A_461, %get3A_210 : vector<16xf32>
        %convert_element_type3A_463 = arith.extui %gt3A_462 : vector<16xi1> to vector<16xi32>
        %eq3A_464 = vector.broadcast %squeeze3A_458 : f32 to vector<16xf32>
        %eq3A_465 = arith.cmpf oeq, %eq3A_464, %get3A_210 : vector<16xf32>
        %lt3A_466 = vector.broadcast %squeeze3A_460 : i32 to vector<16xi32>
        %lt3A_467 = arith.cmpi slt, %lt3A_466, %get3A_212 : vector<16xi32>
        %and3A_468 = arith.andi %eq3A_465, %lt3A_467 : vector<16xi1>
        %convert_element_type3A_469 = arith.extui %and3A_468 : vector<16xi1> to vector<16xi32>
        %add3A_470 = arith.addi %add3A_456, %convert_element_type3A_463 : vector<16xi32>
        %add3A_471 = arith.addi %add3A_470, %convert_element_type3A_469 : vector<16xi32>
        %slice3A_472 = vector.extract_strided_slice %get3A_290 {offsets = [12], sizes = [1], strides = [1]} : vector<16xf32> to vector<1xf32>
        %squeeze3A_473 = vector.extract %slice3A_472[0] : f32 from vector<1xf32>
        %slice3A_474 = vector.extract_strided_slice %get3A_294 {offsets = [12], sizes = [1], strides = [1]} : vector<16xi32> to vector<1xi32>
        %squeeze3A_475 = vector.extract %slice3A_474[0] : i32 from vector<1xi32>
        %gt3A_476 = vector.broadcast %squeeze3A_473 : f32 to vector<16xf32>
        %gt3A_477 = arith.cmpf ogt, %gt3A_476, %get3A_210 : vector<16xf32>
        %convert_element_type3A_478 = arith.extui %gt3A_477 : vector<16xi1> to vector<16xi32>
        %eq3A_479 = vector.broadcast %squeeze3A_473 : f32 to vector<16xf32>
        %eq3A_480 = arith.cmpf oeq, %eq3A_479, %get3A_210 : vector<16xf32>
        %lt3A_481 = vector.broadcast %squeeze3A_475 : i32 to vector<16xi32>
        %lt3A_482 = arith.cmpi slt, %lt3A_481, %get3A_212 : vector<16xi32>
        %and3A_483 = arith.andi %eq3A_480, %lt3A_482 : vector<16xi1>
        %convert_element_type3A_484 = arith.extui %and3A_483 : vector<16xi1> to vector<16xi32>
        %add3A_485 = arith.addi %add3A_471, %convert_element_type3A_478 : vector<16xi32>
        %add3A_486 = arith.addi %add3A_485, %convert_element_type3A_484 : vector<16xi32>
        %slice3A_487 = vector.extract_strided_slice %get3A_290 {offsets = [13], sizes = [1], strides = [1]} : vector<16xf32> to vector<1xf32>
        %squeeze3A_488 = vector.extract %slice3A_487[0] : f32 from vector<1xf32>
        %slice3A_489 = vector.extract_strided_slice %get3A_294 {offsets = [13], sizes = [1], strides = [1]} : vector<16xi32> to vector<1xi32>
        %squeeze3A_490 = vector.extract %slice3A_489[0] : i32 from vector<1xi32>
        %gt3A_491 = vector.broadcast %squeeze3A_488 : f32 to vector<16xf32>
        %gt3A_492 = arith.cmpf ogt, %gt3A_491, %get3A_210 : vector<16xf32>
        %convert_element_type3A_493 = arith.extui %gt3A_492 : vector<16xi1> to vector<16xi32>
        %eq3A_494 = vector.broadcast %squeeze3A_488 : f32 to vector<16xf32>
        %eq3A_495 = arith.cmpf oeq, %eq3A_494, %get3A_210 : vector<16xf32>
        %lt3A_496 = vector.broadcast %squeeze3A_490 : i32 to vector<16xi32>
        %lt3A_497 = arith.cmpi slt, %lt3A_496, %get3A_212 : vector<16xi32>
        %and3A_498 = arith.andi %eq3A_495, %lt3A_497 : vector<16xi1>
        %convert_element_type3A_499 = arith.extui %and3A_498 : vector<16xi1> to vector<16xi32>
        %add3A_500 = arith.addi %add3A_486, %convert_element_type3A_493 : vector<16xi32>
        %add3A_501 = arith.addi %add3A_500, %convert_element_type3A_499 : vector<16xi32>
        %slice3A_502 = vector.extract_strided_slice %get3A_290 {offsets = [14], sizes = [1], strides = [1]} : vector<16xf32> to vector<1xf32>
        %squeeze3A_503 = vector.extract %slice3A_502[0] : f32 from vector<1xf32>
        %slice3A_504 = vector.extract_strided_slice %get3A_294 {offsets = [14], sizes = [1], strides = [1]} : vector<16xi32> to vector<1xi32>
        %squeeze3A_505 = vector.extract %slice3A_504[0] : i32 from vector<1xi32>
        %gt3A_506 = vector.broadcast %squeeze3A_503 : f32 to vector<16xf32>
        %gt3A_507 = arith.cmpf ogt, %gt3A_506, %get3A_210 : vector<16xf32>
        %convert_element_type3A_508 = arith.extui %gt3A_507 : vector<16xi1> to vector<16xi32>
        %eq3A_509 = vector.broadcast %squeeze3A_503 : f32 to vector<16xf32>
        %eq3A_510 = arith.cmpf oeq, %eq3A_509, %get3A_210 : vector<16xf32>
        %lt3A_511 = vector.broadcast %squeeze3A_505 : i32 to vector<16xi32>
        %lt3A_512 = arith.cmpi slt, %lt3A_511, %get3A_212 : vector<16xi32>
        %and3A_513 = arith.andi %eq3A_510, %lt3A_512 : vector<16xi1>
        %convert_element_type3A_514 = arith.extui %and3A_513 : vector<16xi1> to vector<16xi32>
        %add3A_515 = arith.addi %add3A_501, %convert_element_type3A_508 : vector<16xi32>
        %add3A_516 = arith.addi %add3A_515, %convert_element_type3A_514 : vector<16xi32>
        %slice3A_517 = vector.extract_strided_slice %get3A_290 {offsets = [15], sizes = [1], strides = [1]} : vector<16xf32> to vector<1xf32>
        %squeeze3A_518 = vector.extract %slice3A_517[0] : f32 from vector<1xf32>
        %slice3A_519 = vector.extract_strided_slice %get3A_294 {offsets = [15], sizes = [1], strides = [1]} : vector<16xi32> to vector<1xi32>
        %squeeze3A_520 = vector.extract %slice3A_519[0] : i32 from vector<1xi32>
        %gt3A_521 = vector.broadcast %squeeze3A_518 : f32 to vector<16xf32>
        %gt3A_522 = arith.cmpf ogt, %gt3A_521, %get3A_210 : vector<16xf32>
        %convert_element_type3A_523 = arith.extui %gt3A_522 : vector<16xi1> to vector<16xi32>
        %eq3A_524 = vector.broadcast %squeeze3A_518 : f32 to vector<16xf32>
        %eq3A_525 = arith.cmpf oeq, %eq3A_524, %get3A_210 : vector<16xf32>
        %lt3A_526 = vector.broadcast %squeeze3A_520 : i32 to vector<16xi32>
        %lt3A_527 = arith.cmpi slt, %lt3A_526, %get3A_212 : vector<16xi32>
        %and3A_528 = arith.andi %eq3A_525, %lt3A_527 : vector<16xi1>
        %convert_element_type3A_529 = arith.extui %and3A_528 : vector<16xi1> to vector<16xi32>
        %add3A_530 = arith.addi %add3A_516, %convert_element_type3A_523 : vector<16xi32>
        %add3A_531 = arith.addi %add3A_530, %convert_element_type3A_529 : vector<16xi32>
        scf.yield %add3A_531 : vector<16xi32>
      }
      %lt3A_224 = arith.constant 300 : i32
      %lt3A_225 = vector.broadcast %lt3A_224 : i32 to vector<16xi32>
      %lt3A_226 = arith.cmpi slt, %while3A_223, %lt3A_225 : vector<16xi32>
      tpu.vector_store_idx %arg15[%while3A_223], %get3A_210 masked %lt3A_226 : memref<304xf32, #tpu.memory_space<vmem>>[vector<16xi32>], vector<16xf32>, vector<16xi1>
      %rem3A_227 = arith.constant 91 : i32
      %rem3A_228 = vector.broadcast %rem3A_227 : i32 to vector<16xi32>
      %rem3A_229 = arith.remsi %get3A_212, %rem3A_228 : vector<16xi32>
      tpu.vector_store_idx %arg16[%while3A_223], %rem3A_229 masked %lt3A_226 : memref<304xi32, #tpu.memory_space<vmem>>[vector<16xi32>], vector<16xi32>, vector<16xi1>
      %div3A_230 = arith.constant 91 : i32
      %div3A_231 = vector.broadcast %div3A_230 : i32 to vector<16xi32>
      %div3A_232 = arith.divsi %get3A_212, %div3A_231 : vector<16xi32>
      %mul3A_233 = arith.constant 4 : i32
      %mul3A_234 = vector.broadcast %mul3A_233 : i32 to vector<16xi32>
      %mul3A_235 = arith.muli %div3A_232, %mul3A_234 : vector<16xi32>
      %gather3A = tpu.vector_load_idx %arg13[%mul3A_235] masked %lt3A_226 : memref<20000xf32, #tpu.memory_space<vmem>>[vector<16xi32>], vector<16xf32>, vector<16xi1>
      %add3A_236 = arith.constant 1 : i32
      %add3A_237 = vector.broadcast %add3A_236 : i32 to vector<16xi32>
      %add3A_238 = arith.addi %mul3A_235, %add3A_237 : vector<16xi32>
      %gather3A_239 = tpu.vector_load_idx %arg13[%add3A_238] masked %lt3A_226 : memref<20000xf32, #tpu.memory_space<vmem>>[vector<16xi32>], vector<16xf32>, vector<16xi1>
      %add3A_240 = arith.constant 2 : i32
      %add3A_241 = vector.broadcast %add3A_240 : i32 to vector<16xi32>
      %add3A_242 = arith.addi %mul3A_235, %add3A_241 : vector<16xi32>
      %gather3A_243 = tpu.vector_load_idx %arg13[%add3A_242] masked %lt3A_226 : memref<20000xf32, #tpu.memory_space<vmem>>[vector<16xi32>], vector<16xf32>, vector<16xi1>
      %add3A_244 = arith.constant 3 : i32
      %add3A_245 = vector.broadcast %add3A_244 : i32 to vector<16xi32>
      %add3A_246 = arith.addi %mul3A_235, %add3A_245 : vector<16xi32>
      %gather3A_247 = tpu.vector_load_idx %arg13[%add3A_246] masked %lt3A_226 : memref<20000xf32, #tpu.memory_space<vmem>>[vector<16xi32>], vector<16xf32>, vector<16xi1>
      %mul3A_248 = arith.constant 4 : i32
      %mul3A_249 = vector.broadcast %mul3A_248 : i32 to vector<16xi32>
      %mul3A_250 = arith.muli %while3A_223, %mul3A_249 : vector<16xi32>
      %mul3A_251 = arith.constant 5.000000e-01 : f32
      %mul3A_252 = vector.broadcast %mul3A_251 : f32 to vector<16xf32>
      %mul3A_253 = arith.mulf %mul3A_252, %gather3A_243 : vector<16xf32>
      %sub3A_254 = arith.subf %gather3A, %mul3A_253 : vector<16xf32>
      %mul3A_255 = vector.broadcast %squeeze3A_186 : f32 to vector<16xf32>
      %mul3A_256 = arith.mulf %sub3A_254, %mul3A_255 : vector<16xf32>
      tpu.vector_store_idx %arg17[%mul3A_250], %mul3A_256 masked %lt3A_226 : memref<1216xf32, #tpu.memory_space<vmem>>[vector<16xi32>], vector<16xf32>, vector<16xi1>
      %add3A_257 = arith.constant 1 : i32
      %add3A_258 = vector.broadcast %add3A_257 : i32 to vector<16xi32>
      %add3A_259 = arith.addi %mul3A_250, %add3A_258 : vector<16xi32>
      %mul3A_260 = arith.constant 5.000000e-01 : f32
      %mul3A_261 = vector.broadcast %mul3A_260 : f32 to vector<16xf32>
      %mul3A_262 = arith.mulf %mul3A_261, %gather3A_247 : vector<16xf32>
      %sub3A_263 = arith.subf %gather3A_239, %mul3A_262 : vector<16xf32>
      %mul3A_264 = vector.broadcast %squeeze3A_184 : f32 to vector<16xf32>
      %mul3A_265 = arith.mulf %sub3A_263, %mul3A_264 : vector<16xf32>
      tpu.vector_store_idx %arg17[%add3A_259], %mul3A_265 masked %lt3A_226 : memref<1216xf32, #tpu.memory_space<vmem>>[vector<16xi32>], vector<16xf32>, vector<16xi1>
      %add3A_266 = arith.constant 2 : i32
      %add3A_267 = vector.broadcast %add3A_266 : i32 to vector<16xi32>
      %add3A_268 = arith.addi %mul3A_250, %add3A_267 : vector<16xi32>
      %mul3A_269 = arith.constant 5.000000e-01 : f32
      %mul3A_270 = vector.broadcast %mul3A_269 : f32 to vector<16xf32>
      %mul3A_271 = arith.mulf %mul3A_270, %gather3A_243 : vector<16xf32>
      %add3A_272 = arith.addf %gather3A, %mul3A_271 : vector<16xf32>
      %mul3A_273 = vector.broadcast %squeeze3A_186 : f32 to vector<16xf32>
      %mul3A_274 = arith.mulf %add3A_272, %mul3A_273 : vector<16xf32>
      tpu.vector_store_idx %arg17[%add3A_268], %mul3A_274 masked %lt3A_226 : memref<1216xf32, #tpu.memory_space<vmem>>[vector<16xi32>], vector<16xf32>, vector<16xi1>
      %add3A_275 = arith.constant 3 : i32
      %add3A_276 = vector.broadcast %add3A_275 : i32 to vector<16xi32>
      %add3A_277 = arith.addi %mul3A_250, %add3A_276 : vector<16xi32>
      %mul3A_278 = arith.constant 5.000000e-01 : f32
      %mul3A_279 = vector.broadcast %mul3A_278 : f32 to vector<16xf32>
      %mul3A_280 = arith.mulf %mul3A_279, %gather3A_247 : vector<16xf32>
      %add3A_281 = arith.addf %gather3A_239, %mul3A_280 : vector<16xf32>
      %mul3A_282 = vector.broadcast %squeeze3A_184 : f32 to vector<16xf32>
      %mul3A_283 = arith.mulf %add3A_281, %mul3A_282 : vector<16xf32>
      tpu.vector_store_idx %arg17[%add3A_277], %mul3A_283 masked %lt3A_226 : memref<1216xf32, #tpu.memory_space<vmem>>[vector<16xi32>], vector<16xf32>, vector<16xi1>
      %while3A_284 = arith.constant 0 : i32
      scf.yield %while3A_284 : i32
    }
    %while3A_197 = arith.constant 1 : i32
    %while3A_198 = scf.for %while3A_205 = %while3A_194 to %while3A_190 step %while3A_197 iter_args(%while3A_206 = %while3A_196) -> (i32)  : i32 {
      %mul3A_207 = arith.constant 16 : i32
      %mul3A_208 = arith.muli %while3A_205, %mul3A_207 : i32
      %get3A_209 = arith.index_cast %mul3A_208 : i32 to index
      %get3A_210 = tpu.vector_load %arg12[%get3A_209] {strides = array<i32>} : memref<4096xf32, #tpu.memory_space<vmem>>, vector<16xf32>,
      %get3A_211 = arith.index_cast %mul3A_208 : i32 to index
      %get3A_212 = tpu.vector_load %arg11[%get3A_211] {strides = array<i32>} : memref<4096xi32, #tpu.memory_space<vmem>>, vector<16xi32>,
      %while3A_213 = arith.constant 0 : i32
      %while3A_214 = arith.subi %select_n3A_166, %while3A_213 : i32
      %while3A_215 = arith.addi %while3A_213, %while3A_214 : i32
      %while3A_216 = arith.constant 1 : i32
      %while3A_217 = arith.divsi %while3A_214, %while3A_216 : i32
      %while3A_218 = arith.muli %while3A_217, %while3A_216 : i32
      %while3A_219 = arith.addi %while3A_213, %while3A_218 : i32
      %while3A_220 = arith.constant 1 : i32
      %while3A_221 = scf.for %while3A_285 = %while3A_213 to %while3A_219 step %while3A_220 iter_args(%while3A_286 = %broadcast_in_dim3A_4) -> (vector<16xi32>)  : i32 {
        %mul3A_287 = arith.constant 16 : i32
        %mul3A_288 = arith.muli %while3A_285, %mul3A_287 : i32
        %get3A_289 = arith.index_cast %mul3A_288 : i32 to index
        %get3A_290 = tpu.vector_load %arg12[%get3A_289] {strides = array<i32>} : memref<4096xf32, #tpu.memory_space<vmem>>, vector<16xf32>,
        %mul3A_291 = arith.constant 16 : i32
        %mul3A_292 = arith.muli %while3A_285, %mul3A_291 : i32
        %get3A_293 = arith.index_cast %mul3A_292 : i32 to index
        %get3A_294 = tpu.vector_load %arg11[%get3A_293] {strides = array<i32>} : memref<4096xi32, #tpu.memory_space<vmem>>, vector<16xi32>,
        %slice3A_295 = vector.extract_strided_slice %get3A_290 {offsets = [0], sizes = [1], strides = [1]} : vector<16xf32> to vector<1xf32>
        %squeeze3A_296 = vector.extract %slice3A_295[0] : f32 from vector<1xf32>
        %slice3A_297 = vector.extract_strided_slice %get3A_294 {offsets = [0], sizes = [1], strides = [1]} : vector<16xi32> to vector<1xi32>
        %squeeze3A_298 = vector.extract %slice3A_297[0] : i32 from vector<1xi32>
        %gt3A = vector.broadcast %squeeze3A_296 : f32 to vector<16xf32>
        %gt3A_299 = arith.cmpf ogt, %gt3A, %get3A_210 : vector<16xf32>
        %convert_element_type3A = arith.extui %gt3A_299 : vector<16xi1> to vector<16xi32>
        %eq3A = vector.broadcast %squeeze3A_296 : f32 to vector<16xf32>
        %eq3A_300 = arith.cmpf oeq, %eq3A, %get3A_210 : vector<16xf32>
        %lt3A_301 = vector.broadcast %squeeze3A_298 : i32 to vector<16xi32>
        %lt3A_302 = arith.cmpi slt, %lt3A_301, %get3A_212 : vector<16xi32>
        %and3A_303 = arith.andi %eq3A_300, %lt3A_302 : vector<16xi1>
        %convert_element_type3A_304 = arith.extui %and3A_303 : vector<16xi1> to vector<16xi32>
        %add3A_305 = arith.addi %while3A_286, %convert_element_type3A : vector<16xi32>
        %add3A_306 = arith.addi %add3A_305, %convert_element_type3A_304 : vector<16xi32>
        %slice3A_307 = vector.extract_strided_slice %get3A_290 {offsets = [1], sizes = [1], strides = [1]} : vector<16xf32> to vector<1xf32>
        %squeeze3A_308 = vector.extract %slice3A_307[0] : f32 from vector<1xf32>
        %slice3A_309 = vector.extract_strided_slice %get3A_294 {offsets = [1], sizes = [1], strides = [1]} : vector<16xi32> to vector<1xi32>
        %squeeze3A_310 = vector.extract %slice3A_309[0] : i32 from vector<1xi32>
        %gt3A_311 = vector.broadcast %squeeze3A_308 : f32 to vector<16xf32>
        %gt3A_312 = arith.cmpf ogt, %gt3A_311, %get3A_210 : vector<16xf32>
        %convert_element_type3A_313 = arith.extui %gt3A_312 : vector<16xi1> to vector<16xi32>
        %eq3A_314 = vector.broadcast %squeeze3A_308 : f32 to vector<16xf32>
        %eq3A_315 = arith.cmpf oeq, %eq3A_314, %get3A_210 : vector<16xf32>
        %lt3A_316 = vector.broadcast %squeeze3A_310 : i32 to vector<16xi32>
        %lt3A_317 = arith.cmpi slt, %lt3A_316, %get3A_212 : vector<16xi32>
        %and3A_318 = arith.andi %eq3A_315, %lt3A_317 : vector<16xi1>
        %convert_element_type3A_319 = arith.extui %and3A_318 : vector<16xi1> to vector<16xi32>
        %add3A_320 = arith.addi %add3A_306, %convert_element_type3A_313 : vector<16xi32>
        %add3A_321 = arith.addi %add3A_320, %convert_element_type3A_319 : vector<16xi32>
        %slice3A_322 = vector.extract_strided_slice %get3A_290 {offsets = [2], sizes = [1], strides = [1]} : vector<16xf32> to vector<1xf32>
        %squeeze3A_323 = vector.extract %slice3A_322[0] : f32 from vector<1xf32>
        %slice3A_324 = vector.extract_strided_slice %get3A_294 {offsets = [2], sizes = [1], strides = [1]} : vector<16xi32> to vector<1xi32>
        %squeeze3A_325 = vector.extract %slice3A_324[0] : i32 from vector<1xi32>
        %gt3A_326 = vector.broadcast %squeeze3A_323 : f32 to vector<16xf32>
        %gt3A_327 = arith.cmpf ogt, %gt3A_326, %get3A_210 : vector<16xf32>
        %convert_element_type3A_328 = arith.extui %gt3A_327 : vector<16xi1> to vector<16xi32>
        %eq3A_329 = vector.broadcast %squeeze3A_323 : f32 to vector<16xf32>
        %eq3A_330 = arith.cmpf oeq, %eq3A_329, %get3A_210 : vector<16xf32>
        %lt3A_331 = vector.broadcast %squeeze3A_325 : i32 to vector<16xi32>
        %lt3A_332 = arith.cmpi slt, %lt3A_331, %get3A_212 : vector<16xi32>
        %and3A_333 = arith.andi %eq3A_330, %lt3A_332 : vector<16xi1>
        %convert_element_type3A_334 = arith.extui %and3A_333 : vector<16xi1> to vector<16xi32>
        %add3A_335 = arith.addi %add3A_321, %convert_element_type3A_328 : vector<16xi32>
        %add3A_336 = arith.addi %add3A_335, %convert_element_type3A_334 : vector<16xi32>
        %slice3A_337 = vector.extract_strided_slice %get3A_290 {offsets = [3], sizes = [1], strides = [1]} : vector<16xf32> to vector<1xf32>
        %squeeze3A_338 = vector.extract %slice3A_337[0] : f32 from vector<1xf32>
        %slice3A_339 = vector.extract_strided_slice %get3A_294 {offsets = [3], sizes = [1], strides = [1]} : vector<16xi32> to vector<1xi32>
        %squeeze3A_340 = vector.extract %slice3A_339[0] : i32 from vector<1xi32>
        %gt3A_341 = vector.broadcast %squeeze3A_338 : f32 to vector<16xf32>
        %gt3A_342 = arith.cmpf ogt, %gt3A_341, %get3A_210 : vector<16xf32>
        %convert_element_type3A_343 = arith.extui %gt3A_342 : vector<16xi1> to vector<16xi32>
        %eq3A_344 = vector.broadcast %squeeze3A_338 : f32 to vector<16xf32>
        %eq3A_345 = arith.cmpf oeq, %eq3A_344, %get3A_210 : vector<16xf32>
        %lt3A_346 = vector.broadcast %squeeze3A_340 : i32 to vector<16xi32>
        %lt3A_347 = arith.cmpi slt, %lt3A_346, %get3A_212 : vector<16xi32>
        %and3A_348 = arith.andi %eq3A_345, %lt3A_347 : vector<16xi1>
        %convert_element_type3A_349 = arith.extui %and3A_348 : vector<16xi1> to vector<16xi32>
        %add3A_350 = arith.addi %add3A_336, %convert_element_type3A_343 : vector<16xi32>
        %add3A_351 = arith.addi %add3A_350, %convert_element_type3A_349 : vector<16xi32>
        %slice3A_352 = vector.extract_strided_slice %get3A_290 {offsets = [4], sizes = [1], strides = [1]} : vector<16xf32> to vector<1xf32>
        %squeeze3A_353 = vector.extract %slice3A_352[0] : f32 from vector<1xf32>
        %slice3A_354 = vector.extract_strided_slice %get3A_294 {offsets = [4], sizes = [1], strides = [1]} : vector<16xi32> to vector<1xi32>
        %squeeze3A_355 = vector.extract %slice3A_354[0] : i32 from vector<1xi32>
        %gt3A_356 = vector.broadcast %squeeze3A_353 : f32 to vector<16xf32>
        %gt3A_357 = arith.cmpf ogt, %gt3A_356, %get3A_210 : vector<16xf32>
        %convert_element_type3A_358 = arith.extui %gt3A_357 : vector<16xi1> to vector<16xi32>
        %eq3A_359 = vector.broadcast %squeeze3A_353 : f32 to vector<16xf32>
        %eq3A_360 = arith.cmpf oeq, %eq3A_359, %get3A_210 : vector<16xf32>
        %lt3A_361 = vector.broadcast %squeeze3A_355 : i32 to vector<16xi32>
        %lt3A_362 = arith.cmpi slt, %lt3A_361, %get3A_212 : vector<16xi32>
        %and3A_363 = arith.andi %eq3A_360, %lt3A_362 : vector<16xi1>
        %convert_element_type3A_364 = arith.extui %and3A_363 : vector<16xi1> to vector<16xi32>
        %add3A_365 = arith.addi %add3A_351, %convert_element_type3A_358 : vector<16xi32>
        %add3A_366 = arith.addi %add3A_365, %convert_element_type3A_364 : vector<16xi32>
        %slice3A_367 = vector.extract_strided_slice %get3A_290 {offsets = [5], sizes = [1], strides = [1]} : vector<16xf32> to vector<1xf32>
        %squeeze3A_368 = vector.extract %slice3A_367[0] : f32 from vector<1xf32>
        %slice3A_369 = vector.extract_strided_slice %get3A_294 {offsets = [5], sizes = [1], strides = [1]} : vector<16xi32> to vector<1xi32>
        %squeeze3A_370 = vector.extract %slice3A_369[0] : i32 from vector<1xi32>
        %gt3A_371 = vector.broadcast %squeeze3A_368 : f32 to vector<16xf32>
        %gt3A_372 = arith.cmpf ogt, %gt3A_371, %get3A_210 : vector<16xf32>
        %convert_element_type3A_373 = arith.extui %gt3A_372 : vector<16xi1> to vector<16xi32>
        %eq3A_374 = vector.broadcast %squeeze3A_368 : f32 to vector<16xf32>
        %eq3A_375 = arith.cmpf oeq, %eq3A_374, %get3A_210 : vector<16xf32>
        %lt3A_376 = vector.broadcast %squeeze3A_370 : i32 to vector<16xi32>
        %lt3A_377 = arith.cmpi slt, %lt3A_376, %get3A_212 : vector<16xi32>
        %and3A_378 = arith.andi %eq3A_375, %lt3A_377 : vector<16xi1>
        %convert_element_type3A_379 = arith.extui %and3A_378 : vector<16xi1> to vector<16xi32>
        %add3A_380 = arith.addi %add3A_366, %convert_element_type3A_373 : vector<16xi32>
        %add3A_381 = arith.addi %add3A_380, %convert_element_type3A_379 : vector<16xi32>
        %slice3A_382 = vector.extract_strided_slice %get3A_290 {offsets = [6], sizes = [1], strides = [1]} : vector<16xf32> to vector<1xf32>
        %squeeze3A_383 = vector.extract %slice3A_382[0] : f32 from vector<1xf32>
        %slice3A_384 = vector.extract_strided_slice %get3A_294 {offsets = [6], sizes = [1], strides = [1]} : vector<16xi32> to vector<1xi32>
        %squeeze3A_385 = vector.extract %slice3A_384[0] : i32 from vector<1xi32>
        %gt3A_386 = vector.broadcast %squeeze3A_383 : f32 to vector<16xf32>
        %gt3A_387 = arith.cmpf ogt, %gt3A_386, %get3A_210 : vector<16xf32>
        %convert_element_type3A_388 = arith.extui %gt3A_387 : vector<16xi1> to vector<16xi32>
        %eq3A_389 = vector.broadcast %squeeze3A_383 : f32 to vector<16xf32>
        %eq3A_390 = arith.cmpf oeq, %eq3A_389, %get3A_210 : vector<16xf32>
        %lt3A_391 = vector.broadcast %squeeze3A_385 : i32 to vector<16xi32>
        %lt3A_392 = arith.cmpi slt, %lt3A_391, %get3A_212 : vector<16xi32>
        %and3A_393 = arith.andi %eq3A_390, %lt3A_392 : vector<16xi1>
        %convert_element_type3A_394 = arith.extui %and3A_393 : vector<16xi1> to vector<16xi32>
        %add3A_395 = arith.addi %add3A_381, %convert_element_type3A_388 : vector<16xi32>
        %add3A_396 = arith.addi %add3A_395, %convert_element_type3A_394 : vector<16xi32>
        %slice3A_397 = vector.extract_strided_slice %get3A_290 {offsets = [7], sizes = [1], strides = [1]} : vector<16xf32> to vector<1xf32>
        %squeeze3A_398 = vector.extract %slice3A_397[0] : f32 from vector<1xf32>
        %slice3A_399 = vector.extract_strided_slice %get3A_294 {offsets = [7], sizes = [1], strides = [1]} : vector<16xi32> to vector<1xi32>
        %squeeze3A_400 = vector.extract %slice3A_399[0] : i32 from vector<1xi32>
        %gt3A_401 = vector.broadcast %squeeze3A_398 : f32 to vector<16xf32>
        %gt3A_402 = arith.cmpf ogt, %gt3A_401, %get3A_210 : vector<16xf32>
        %convert_element_type3A_403 = arith.extui %gt3A_402 : vector<16xi1> to vector<16xi32>
        %eq3A_404 = vector.broadcast %squeeze3A_398 : f32 to vector<16xf32>
        %eq3A_405 = arith.cmpf oeq, %eq3A_404, %get3A_210 : vector<16xf32>
        %lt3A_406 = vector.broadcast %squeeze3A_400 : i32 to vector<16xi32>
        %lt3A_407 = arith.cmpi slt, %lt3A_406, %get3A_212 : vector<16xi32>
        %and3A_408 = arith.andi %eq3A_405, %lt3A_407 : vector<16xi1>
        %convert_element_type3A_409 = arith.extui %and3A_408 : vector<16xi1> to vector<16xi32>
        %add3A_410 = arith.addi %add3A_396, %convert_element_type3A_403 : vector<16xi32>
        %add3A_411 = arith.addi %add3A_410, %convert_element_type3A_409 : vector<16xi32>
        %slice3A_412 = vector.extract_strided_slice %get3A_290 {offsets = [8], sizes = [1], strides = [1]} : vector<16xf32> to vector<1xf32>
        %squeeze3A_413 = vector.extract %slice3A_412[0] : f32 from vector<1xf32>
        %slice3A_414 = vector.extract_strided_slice %get3A_294 {offsets = [8], sizes = [1], strides = [1]} : vector<16xi32> to vector<1xi32>
        %squeeze3A_415 = vector.extract %slice3A_414[0] : i32 from vector<1xi32>
        %gt3A_416 = vector.broadcast %squeeze3A_413 : f32 to vector<16xf32>
        %gt3A_417 = arith.cmpf ogt, %gt3A_416, %get3A_210 : vector<16xf32>
        %convert_element_type3A_418 = arith.extui %gt3A_417 : vector<16xi1> to vector<16xi32>
        %eq3A_419 = vector.broadcast %squeeze3A_413 : f32 to vector<16xf32>
        %eq3A_420 = arith.cmpf oeq, %eq3A_419, %get3A_210 : vector<16xf32>
        %lt3A_421 = vector.broadcast %squeeze3A_415 : i32 to vector<16xi32>
        %lt3A_422 = arith.cmpi slt, %lt3A_421, %get3A_212 : vector<16xi32>
        %and3A_423 = arith.andi %eq3A_420, %lt3A_422 : vector<16xi1>
        %convert_element_type3A_424 = arith.extui %and3A_423 : vector<16xi1> to vector<16xi32>
        %add3A_425 = arith.addi %add3A_411, %convert_element_type3A_418 : vector<16xi32>
        %add3A_426 = arith.addi %add3A_425, %convert_element_type3A_424 : vector<16xi32>
        %slice3A_427 = vector.extract_strided_slice %get3A_290 {offsets = [9], sizes = [1], strides = [1]} : vector<16xf32> to vector<1xf32>
        %squeeze3A_428 = vector.extract %slice3A_427[0] : f32 from vector<1xf32>
        %slice3A_429 = vector.extract_strided_slice %get3A_294 {offsets = [9], sizes = [1], strides = [1]} : vector<16xi32> to vector<1xi32>
        %squeeze3A_430 = vector.extract %slice3A_429[0] : i32 from vector<1xi32>
        %gt3A_431 = vector.broadcast %squeeze3A_428 : f32 to vector<16xf32>
        %gt3A_432 = arith.cmpf ogt, %gt3A_431, %get3A_210 : vector<16xf32>
        %convert_element_type3A_433 = arith.extui %gt3A_432 : vector<16xi1> to vector<16xi32>
        %eq3A_434 = vector.broadcast %squeeze3A_428 : f32 to vector<16xf32>
        %eq3A_435 = arith.cmpf oeq, %eq3A_434, %get3A_210 : vector<16xf32>
        %lt3A_436 = vector.broadcast %squeeze3A_430 : i32 to vector<16xi32>
        %lt3A_437 = arith.cmpi slt, %lt3A_436, %get3A_212 : vector<16xi32>
        %and3A_438 = arith.andi %eq3A_435, %lt3A_437 : vector<16xi1>
        %convert_element_type3A_439 = arith.extui %and3A_438 : vector<16xi1> to vector<16xi32>
        %add3A_440 = arith.addi %add3A_426, %convert_element_type3A_433 : vector<16xi32>
        %add3A_441 = arith.addi %add3A_440, %convert_element_type3A_439 : vector<16xi32>
        %slice3A_442 = vector.extract_strided_slice %get3A_290 {offsets = [10], sizes = [1], strides = [1]} : vector<16xf32> to vector<1xf32>
        %squeeze3A_443 = vector.extract %slice3A_442[0] : f32 from vector<1xf32>
        %slice3A_444 = vector.extract_strided_slice %get3A_294 {offsets = [10], sizes = [1], strides = [1]} : vector<16xi32> to vector<1xi32>
        %squeeze3A_445 = vector.extract %slice3A_444[0] : i32 from vector<1xi32>
        %gt3A_446 = vector.broadcast %squeeze3A_443 : f32 to vector<16xf32>
        %gt3A_447 = arith.cmpf ogt, %gt3A_446, %get3A_210 : vector<16xf32>
        %convert_element_type3A_448 = arith.extui %gt3A_447 : vector<16xi1> to vector<16xi32>
        %eq3A_449 = vector.broadcast %squeeze3A_443 : f32 to vector<16xf32>
        %eq3A_450 = arith.cmpf oeq, %eq3A_449, %get3A_210 : vector<16xf32>
        %lt3A_451 = vector.broadcast %squeeze3A_445 : i32 to vector<16xi32>
        %lt3A_452 = arith.cmpi slt, %lt3A_451, %get3A_212 : vector<16xi32>
        %and3A_453 = arith.andi %eq3A_450, %lt3A_452 : vector<16xi1>
        %convert_element_type3A_454 = arith.extui %and3A_453 : vector<16xi1> to vector<16xi32>
        %add3A_455 = arith.addi %add3A_441, %convert_element_type3A_448 : vector<16xi32>
        %add3A_456 = arith.addi %add3A_455, %convert_element_type3A_454 : vector<16xi32>
        %slice3A_457 = vector.extract_strided_slice %get3A_290 {offsets = [11], sizes = [1], strides = [1]} : vector<16xf32> to vector<1xf32>
        %squeeze3A_458 = vector.extract %slice3A_457[0] : f32 from vector<1xf32>
        %slice3A_459 = vector.extract_strided_slice %get3A_294 {offsets = [11], sizes = [1], strides = [1]} : vector<16xi32> to vector<1xi32>
        %squeeze3A_460 = vector.extract %slice3A_459[0] : i32 from vector<1xi32>
        %gt3A_461 = vector.broadcast %squeeze3A_458 : f32 to vector<16xf32>
        %gt3A_462 = arith.cmpf ogt, %gt3A_461, %get3A_210 : vector<16xf32>
        %convert_element_type3A_463 = arith.extui %gt3A_462 : vector<16xi1> to vector<16xi32>
        %eq3A_464 = vector.broadcast %squeeze3A_458 : f32 to vector<16xf32>
        %eq3A_465 = arith.cmpf oeq, %eq3A_464, %get3A_210 : vector<16xf32>
        %lt3A_466 = vector.broadcast %squeeze3A_460 : i32 to vector<16xi32>
        %lt3A_467 = arith.cmpi slt, %lt3A_466, %get3A_212 : vector<16xi32>
        %and3A_468 = arith.andi %eq3A_465, %lt3A_467 : vector<16xi1>
        %convert_element_type3A_469 = arith.extui %and3A_468 : vector<16xi1> to vector<16xi32>
        %add3A_470 = arith.addi %add3A_456, %convert_element_type3A_463 : vector<16xi32>
        %add3A_471 = arith.addi %add3A_470, %convert_element_type3A_469 : vector<16xi32>
        %slice3A_472 = vector.extract_strided_slice %get3A_290 {offsets = [12], sizes = [1], strides = [1]} : vector<16xf32> to vector<1xf32>
        %squeeze3A_473 = vector.extract %slice3A_472[0] : f32 from vector<1xf32>
        %slice3A_474 = vector.extract_strided_slice %get3A_294 {offsets = [12], sizes = [1], strides = [1]} : vector<16xi32> to vector<1xi32>
        %squeeze3A_475 = vector.extract %slice3A_474[0] : i32 from vector<1xi32>
        %gt3A_476 = vector.broadcast %squeeze3A_473 : f32 to vector<16xf32>
        %gt3A_477 = arith.cmpf ogt, %gt3A_476, %get3A_210 : vector<16xf32>
        %convert_element_type3A_478 = arith.extui %gt3A_477 : vector<16xi1> to vector<16xi32>
        %eq3A_479 = vector.broadcast %squeeze3A_473 : f32 to vector<16xf32>
        %eq3A_480 = arith.cmpf oeq, %eq3A_479, %get3A_210 : vector<16xf32>
        %lt3A_481 = vector.broadcast %squeeze3A_475 : i32 to vector<16xi32>
        %lt3A_482 = arith.cmpi slt, %lt3A_481, %get3A_212 : vector<16xi32>
        %and3A_483 = arith.andi %eq3A_480, %lt3A_482 : vector<16xi1>
        %convert_element_type3A_484 = arith.extui %and3A_483 : vector<16xi1> to vector<16xi32>
        %add3A_485 = arith.addi %add3A_471, %convert_element_type3A_478 : vector<16xi32>
        %add3A_486 = arith.addi %add3A_485, %convert_element_type3A_484 : vector<16xi32>
        %slice3A_487 = vector.extract_strided_slice %get3A_290 {offsets = [13], sizes = [1], strides = [1]} : vector<16xf32> to vector<1xf32>
        %squeeze3A_488 = vector.extract %slice3A_487[0] : f32 from vector<1xf32>
        %slice3A_489 = vector.extract_strided_slice %get3A_294 {offsets = [13], sizes = [1], strides = [1]} : vector<16xi32> to vector<1xi32>
        %squeeze3A_490 = vector.extract %slice3A_489[0] : i32 from vector<1xi32>
        %gt3A_491 = vector.broadcast %squeeze3A_488 : f32 to vector<16xf32>
        %gt3A_492 = arith.cmpf ogt, %gt3A_491, %get3A_210 : vector<16xf32>
        %convert_element_type3A_493 = arith.extui %gt3A_492 : vector<16xi1> to vector<16xi32>
        %eq3A_494 = vector.broadcast %squeeze3A_488 : f32 to vector<16xf32>
        %eq3A_495 = arith.cmpf oeq, %eq3A_494, %get3A_210 : vector<16xf32>
        %lt3A_496 = vector.broadcast %squeeze3A_490 : i32 to vector<16xi32>
        %lt3A_497 = arith.cmpi slt, %lt3A_496, %get3A_212 : vector<16xi32>
        %and3A_498 = arith.andi %eq3A_495, %lt3A_497 : vector<16xi1>
        %convert_element_type3A_499 = arith.extui %and3A_498 : vector<16xi1> to vector<16xi32>
        %add3A_500 = arith.addi %add3A_486, %convert_element_type3A_493 : vector<16xi32>
        %add3A_501 = arith.addi %add3A_500, %convert_element_type3A_499 : vector<16xi32>
        %slice3A_502 = vector.extract_strided_slice %get3A_290 {offsets = [14], sizes = [1], strides = [1]} : vector<16xf32> to vector<1xf32>
        %squeeze3A_503 = vector.extract %slice3A_502[0] : f32 from vector<1xf32>
        %slice3A_504 = vector.extract_strided_slice %get3A_294 {offsets = [14], sizes = [1], strides = [1]} : vector<16xi32> to vector<1xi32>
        %squeeze3A_505 = vector.extract %slice3A_504[0] : i32 from vector<1xi32>
        %gt3A_506 = vector.broadcast %squeeze3A_503 : f32 to vector<16xf32>
        %gt3A_507 = arith.cmpf ogt, %gt3A_506, %get3A_210 : vector<16xf32>
        %convert_element_type3A_508 = arith.extui %gt3A_507 : vector<16xi1> to vector<16xi32>
        %eq3A_509 = vector.broadcast %squeeze3A_503 : f32 to vector<16xf32>
        %eq3A_510 = arith.cmpf oeq, %eq3A_509, %get3A_210 : vector<16xf32>
        %lt3A_511 = vector.broadcast %squeeze3A_505 : i32 to vector<16xi32>
        %lt3A_512 = arith.cmpi slt, %lt3A_511, %get3A_212 : vector<16xi32>
        %and3A_513 = arith.andi %eq3A_510, %lt3A_512 : vector<16xi1>
        %convert_element_type3A_514 = arith.extui %and3A_513 : vector<16xi1> to vector<16xi32>
        %add3A_515 = arith.addi %add3A_501, %convert_element_type3A_508 : vector<16xi32>
        %add3A_516 = arith.addi %add3A_515, %convert_element_type3A_514 : vector<16xi32>
        %slice3A_517 = vector.extract_strided_slice %get3A_290 {offsets = [15], sizes = [1], strides = [1]} : vector<16xf32> to vector<1xf32>
        %squeeze3A_518 = vector.extract %slice3A_517[0] : f32 from vector<1xf32>
        %slice3A_519 = vector.extract_strided_slice %get3A_294 {offsets = [15], sizes = [1], strides = [1]} : vector<16xi32> to vector<1xi32>
        %squeeze3A_520 = vector.extract %slice3A_519[0] : i32 from vector<1xi32>
        %gt3A_521 = vector.broadcast %squeeze3A_518 : f32 to vector<16xf32>
        %gt3A_522 = arith.cmpf ogt, %gt3A_521, %get3A_210 : vector<16xf32>
        %convert_element_type3A_523 = arith.extui %gt3A_522 : vector<16xi1> to vector<16xi32>
        %eq3A_524 = vector.broadcast %squeeze3A_518 : f32 to vector<16xf32>
        %eq3A_525 = arith.cmpf oeq, %eq3A_524, %get3A_210 : vector<16xf32>
        %lt3A_526 = vector.broadcast %squeeze3A_520 : i32 to vector<16xi32>
        %lt3A_527 = arith.cmpi slt, %lt3A_526, %get3A_212 : vector<16xi32>
        %and3A_528 = arith.andi %eq3A_525, %lt3A_527 : vector<16xi1>
        %convert_element_type3A_529 = arith.extui %and3A_528 : vector<16xi1> to vector<16xi32>
        %add3A_530 = arith.addi %add3A_516, %convert_element_type3A_523 : vector<16xi32>
        %add3A_531 = arith.addi %add3A_530, %convert_element_type3A_529 : vector<16xi32>
        scf.yield %add3A_531 : vector<16xi32>
      }
      %while3A_222 = arith.constant 1 : i32
      %while3A_223 = scf.for %while3A_285 = %while3A_219 to %while3A_215 step %while3A_222 iter_args(%while3A_286 = %while3A_221) -> (vector<16xi32>)  : i32 {
        %mul3A_287 = arith.constant 16 : i32
        %mul3A_288 = arith.muli %while3A_285, %mul3A_287 : i32
        %get3A_289 = arith.index_cast %mul3A_288 : i32 to index
        %get3A_290 = tpu.vector_load %arg12[%get3A_289] {strides = array<i32>} : memref<4096xf32, #tpu.memory_space<vmem>>, vector<16xf32>,
        %mul3A_291 = arith.constant 16 : i32
        %mul3A_292 = arith.muli %while3A_285, %mul3A_291 : i32
        %get3A_293 = arith.index_cast %mul3A_292 : i32 to index
        %get3A_294 = tpu.vector_load %arg11[%get3A_293] {strides = array<i32>} : memref<4096xi32, #tpu.memory_space<vmem>>, vector<16xi32>,
        %slice3A_295 = vector.extract_strided_slice %get3A_290 {offsets = [0], sizes = [1], strides = [1]} : vector<16xf32> to vector<1xf32>
        %squeeze3A_296 = vector.extract %slice3A_295[0] : f32 from vector<1xf32>
        %slice3A_297 = vector.extract_strided_slice %get3A_294 {offsets = [0], sizes = [1], strides = [1]} : vector<16xi32> to vector<1xi32>
        %squeeze3A_298 = vector.extract %slice3A_297[0] : i32 from vector<1xi32>
        %gt3A = vector.broadcast %squeeze3A_296 : f32 to vector<16xf32>
        %gt3A_299 = arith.cmpf ogt, %gt3A, %get3A_210 : vector<16xf32>
        %convert_element_type3A = arith.extui %gt3A_299 : vector<16xi1> to vector<16xi32>
        %eq3A = vector.broadcast %squeeze3A_296 : f32 to vector<16xf32>
        %eq3A_300 = arith.cmpf oeq, %eq3A, %get3A_210 : vector<16xf32>
        %lt3A_301 = vector.broadcast %squeeze3A_298 : i32 to vector<16xi32>
        %lt3A_302 = arith.cmpi slt, %lt3A_301, %get3A_212 : vector<16xi32>
        %and3A_303 = arith.andi %eq3A_300, %lt3A_302 : vector<16xi1>
        %convert_element_type3A_304 = arith.extui %and3A_303 : vector<16xi1> to vector<16xi32>
        %add3A_305 = arith.addi %while3A_286, %convert_element_type3A : vector<16xi32>
        %add3A_306 = arith.addi %add3A_305, %convert_element_type3A_304 : vector<16xi32>
        %slice3A_307 = vector.extract_strided_slice %get3A_290 {offsets = [1], sizes = [1], strides = [1]} : vector<16xf32> to vector<1xf32>
        %squeeze3A_308 = vector.extract %slice3A_307[0] : f32 from vector<1xf32>
        %slice3A_309 = vector.extract_strided_slice %get3A_294 {offsets = [1], sizes = [1], strides = [1]} : vector<16xi32> to vector<1xi32>
        %squeeze3A_310 = vector.extract %slice3A_309[0] : i32 from vector<1xi32>
        %gt3A_311 = vector.broadcast %squeeze3A_308 : f32 to vector<16xf32>
        %gt3A_312 = arith.cmpf ogt, %gt3A_311, %get3A_210 : vector<16xf32>
        %convert_element_type3A_313 = arith.extui %gt3A_312 : vector<16xi1> to vector<16xi32>
        %eq3A_314 = vector.broadcast %squeeze3A_308 : f32 to vector<16xf32>
        %eq3A_315 = arith.cmpf oeq, %eq3A_314, %get3A_210 : vector<16xf32>
        %lt3A_316 = vector.broadcast %squeeze3A_310 : i32 to vector<16xi32>
        %lt3A_317 = arith.cmpi slt, %lt3A_316, %get3A_212 : vector<16xi32>
        %and3A_318 = arith.andi %eq3A_315, %lt3A_317 : vector<16xi1>
        %convert_element_type3A_319 = arith.extui %and3A_318 : vector<16xi1> to vector<16xi32>
        %add3A_320 = arith.addi %add3A_306, %convert_element_type3A_313 : vector<16xi32>
        %add3A_321 = arith.addi %add3A_320, %convert_element_type3A_319 : vector<16xi32>
        %slice3A_322 = vector.extract_strided_slice %get3A_290 {offsets = [2], sizes = [1], strides = [1]} : vector<16xf32> to vector<1xf32>
        %squeeze3A_323 = vector.extract %slice3A_322[0] : f32 from vector<1xf32>
        %slice3A_324 = vector.extract_strided_slice %get3A_294 {offsets = [2], sizes = [1], strides = [1]} : vector<16xi32> to vector<1xi32>
        %squeeze3A_325 = vector.extract %slice3A_324[0] : i32 from vector<1xi32>
        %gt3A_326 = vector.broadcast %squeeze3A_323 : f32 to vector<16xf32>
        %gt3A_327 = arith.cmpf ogt, %gt3A_326, %get3A_210 : vector<16xf32>
        %convert_element_type3A_328 = arith.extui %gt3A_327 : vector<16xi1> to vector<16xi32>
        %eq3A_329 = vector.broadcast %squeeze3A_323 : f32 to vector<16xf32>
        %eq3A_330 = arith.cmpf oeq, %eq3A_329, %get3A_210 : vector<16xf32>
        %lt3A_331 = vector.broadcast %squeeze3A_325 : i32 to vector<16xi32>
        %lt3A_332 = arith.cmpi slt, %lt3A_331, %get3A_212 : vector<16xi32>
        %and3A_333 = arith.andi %eq3A_330, %lt3A_332 : vector<16xi1>
        %convert_element_type3A_334 = arith.extui %and3A_333 : vector<16xi1> to vector<16xi32>
        %add3A_335 = arith.addi %add3A_321, %convert_element_type3A_328 : vector<16xi32>
        %add3A_336 = arith.addi %add3A_335, %convert_element_type3A_334 : vector<16xi32>
        %slice3A_337 = vector.extract_strided_slice %get3A_290 {offsets = [3], sizes = [1], strides = [1]} : vector<16xf32> to vector<1xf32>
        %squeeze3A_338 = vector.extract %slice3A_337[0] : f32 from vector<1xf32>
        %slice3A_339 = vector.extract_strided_slice %get3A_294 {offsets = [3], sizes = [1], strides = [1]} : vector<16xi32> to vector<1xi32>
        %squeeze3A_340 = vector.extract %slice3A_339[0] : i32 from vector<1xi32>
        %gt3A_341 = vector.broadcast %squeeze3A_338 : f32 to vector<16xf32>
        %gt3A_342 = arith.cmpf ogt, %gt3A_341, %get3A_210 : vector<16xf32>
        %convert_element_type3A_343 = arith.extui %gt3A_342 : vector<16xi1> to vector<16xi32>
        %eq3A_344 = vector.broadcast %squeeze3A_338 : f32 to vector<16xf32>
        %eq3A_345 = arith.cmpf oeq, %eq3A_344, %get3A_210 : vector<16xf32>
        %lt3A_346 = vector.broadcast %squeeze3A_340 : i32 to vector<16xi32>
        %lt3A_347 = arith.cmpi slt, %lt3A_346, %get3A_212 : vector<16xi32>
        %and3A_348 = arith.andi %eq3A_345, %lt3A_347 : vector<16xi1>
        %convert_element_type3A_349 = arith.extui %and3A_348 : vector<16xi1> to vector<16xi32>
        %add3A_350 = arith.addi %add3A_336, %convert_element_type3A_343 : vector<16xi32>
        %add3A_351 = arith.addi %add3A_350, %convert_element_type3A_349 : vector<16xi32>
        %slice3A_352 = vector.extract_strided_slice %get3A_290 {offsets = [4], sizes = [1], strides = [1]} : vector<16xf32> to vector<1xf32>
        %squeeze3A_353 = vector.extract %slice3A_352[0] : f32 from vector<1xf32>
        %slice3A_354 = vector.extract_strided_slice %get3A_294 {offsets = [4], sizes = [1], strides = [1]} : vector<16xi32> to vector<1xi32>
        %squeeze3A_355 = vector.extract %slice3A_354[0] : i32 from vector<1xi32>
        %gt3A_356 = vector.broadcast %squeeze3A_353 : f32 to vector<16xf32>
        %gt3A_357 = arith.cmpf ogt, %gt3A_356, %get3A_210 : vector<16xf32>
        %convert_element_type3A_358 = arith.extui %gt3A_357 : vector<16xi1> to vector<16xi32>
        %eq3A_359 = vector.broadcast %squeeze3A_353 : f32 to vector<16xf32>
        %eq3A_360 = arith.cmpf oeq, %eq3A_359, %get3A_210 : vector<16xf32>
        %lt3A_361 = vector.broadcast %squeeze3A_355 : i32 to vector<16xi32>
        %lt3A_362 = arith.cmpi slt, %lt3A_361, %get3A_212 : vector<16xi32>
        %and3A_363 = arith.andi %eq3A_360, %lt3A_362 : vector<16xi1>
        %convert_element_type3A_364 = arith.extui %and3A_363 : vector<16xi1> to vector<16xi32>
        %add3A_365 = arith.addi %add3A_351, %convert_element_type3A_358 : vector<16xi32>
        %add3A_366 = arith.addi %add3A_365, %convert_element_type3A_364 : vector<16xi32>
        %slice3A_367 = vector.extract_strided_slice %get3A_290 {offsets = [5], sizes = [1], strides = [1]} : vector<16xf32> to vector<1xf32>
        %squeeze3A_368 = vector.extract %slice3A_367[0] : f32 from vector<1xf32>
        %slice3A_369 = vector.extract_strided_slice %get3A_294 {offsets = [5], sizes = [1], strides = [1]} : vector<16xi32> to vector<1xi32>
        %squeeze3A_370 = vector.extract %slice3A_369[0] : i32 from vector<1xi32>
        %gt3A_371 = vector.broadcast %squeeze3A_368 : f32 to vector<16xf32>
        %gt3A_372 = arith.cmpf ogt, %gt3A_371, %get3A_210 : vector<16xf32>
        %convert_element_type3A_373 = arith.extui %gt3A_372 : vector<16xi1> to vector<16xi32>
        %eq3A_374 = vector.broadcast %squeeze3A_368 : f32 to vector<16xf32>
        %eq3A_375 = arith.cmpf oeq, %eq3A_374, %get3A_210 : vector<16xf32>
        %lt3A_376 = vector.broadcast %squeeze3A_370 : i32 to vector<16xi32>
        %lt3A_377 = arith.cmpi slt, %lt3A_376, %get3A_212 : vector<16xi32>
        %and3A_378 = arith.andi %eq3A_375, %lt3A_377 : vector<16xi1>
        %convert_element_type3A_379 = arith.extui %and3A_378 : vector<16xi1> to vector<16xi32>
        %add3A_380 = arith.addi %add3A_366, %convert_element_type3A_373 : vector<16xi32>
        %add3A_381 = arith.addi %add3A_380, %convert_element_type3A_379 : vector<16xi32>
        %slice3A_382 = vector.extract_strided_slice %get3A_290 {offsets = [6], sizes = [1], strides = [1]} : vector<16xf32> to vector<1xf32>
        %squeeze3A_383 = vector.extract %slice3A_382[0] : f32 from vector<1xf32>
        %slice3A_384 = vector.extract_strided_slice %get3A_294 {offsets = [6], sizes = [1], strides = [1]} : vector<16xi32> to vector<1xi32>
        %squeeze3A_385 = vector.extract %slice3A_384[0] : i32 from vector<1xi32>
        %gt3A_386 = vector.broadcast %squeeze3A_383 : f32 to vector<16xf32>
        %gt3A_387 = arith.cmpf ogt, %gt3A_386, %get3A_210 : vector<16xf32>
        %convert_element_type3A_388 = arith.extui %gt3A_387 : vector<16xi1> to vector<16xi32>
        %eq3A_389 = vector.broadcast %squeeze3A_383 : f32 to vector<16xf32>
        %eq3A_390 = arith.cmpf oeq, %eq3A_389, %get3A_210 : vector<16xf32>
        %lt3A_391 = vector.broadcast %squeeze3A_385 : i32 to vector<16xi32>
        %lt3A_392 = arith.cmpi slt, %lt3A_391, %get3A_212 : vector<16xi32>
        %and3A_393 = arith.andi %eq3A_390, %lt3A_392 : vector<16xi1>
        %convert_element_type3A_394 = arith.extui %and3A_393 : vector<16xi1> to vector<16xi32>
        %add3A_395 = arith.addi %add3A_381, %convert_element_type3A_388 : vector<16xi32>
        %add3A_396 = arith.addi %add3A_395, %convert_element_type3A_394 : vector<16xi32>
        %slice3A_397 = vector.extract_strided_slice %get3A_290 {offsets = [7], sizes = [1], strides = [1]} : vector<16xf32> to vector<1xf32>
        %squeeze3A_398 = vector.extract %slice3A_397[0] : f32 from vector<1xf32>
        %slice3A_399 = vector.extract_strided_slice %get3A_294 {offsets = [7], sizes = [1], strides = [1]} : vector<16xi32> to vector<1xi32>
        %squeeze3A_400 = vector.extract %slice3A_399[0] : i32 from vector<1xi32>
        %gt3A_401 = vector.broadcast %squeeze3A_398 : f32 to vector<16xf32>
        %gt3A_402 = arith.cmpf ogt, %gt3A_401, %get3A_210 : vector<16xf32>
        %convert_element_type3A_403 = arith.extui %gt3A_402 : vector<16xi1> to vector<16xi32>
        %eq3A_404 = vector.broadcast %squeeze3A_398 : f32 to vector<16xf32>
        %eq3A_405 = arith.cmpf oeq, %eq3A_404, %get3A_210 : vector<16xf32>
        %lt3A_406 = vector.broadcast %squeeze3A_400 : i32 to vector<16xi32>
        %lt3A_407 = arith.cmpi slt, %lt3A_406, %get3A_212 : vector<16xi32>
        %and3A_408 = arith.andi %eq3A_405, %lt3A_407 : vector<16xi1>
        %convert_element_type3A_409 = arith.extui %and3A_408 : vector<16xi1> to vector<16xi32>
        %add3A_410 = arith.addi %add3A_396, %convert_element_type3A_403 : vector<16xi32>
        %add3A_411 = arith.addi %add3A_410, %convert_element_type3A_409 : vector<16xi32>
        %slice3A_412 = vector.extract_strided_slice %get3A_290 {offsets = [8], sizes = [1], strides = [1]} : vector<16xf32> to vector<1xf32>
        %squeeze3A_413 = vector.extract %slice3A_412[0] : f32 from vector<1xf32>
        %slice3A_414 = vector.extract_strided_slice %get3A_294 {offsets = [8], sizes = [1], strides = [1]} : vector<16xi32> to vector<1xi32>
        %squeeze3A_415 = vector.extract %slice3A_414[0] : i32 from vector<1xi32>
        %gt3A_416 = vector.broadcast %squeeze3A_413 : f32 to vector<16xf32>
        %gt3A_417 = arith.cmpf ogt, %gt3A_416, %get3A_210 : vector<16xf32>
        %convert_element_type3A_418 = arith.extui %gt3A_417 : vector<16xi1> to vector<16xi32>
        %eq3A_419 = vector.broadcast %squeeze3A_413 : f32 to vector<16xf32>
        %eq3A_420 = arith.cmpf oeq, %eq3A_419, %get3A_210 : vector<16xf32>
        %lt3A_421 = vector.broadcast %squeeze3A_415 : i32 to vector<16xi32>
        %lt3A_422 = arith.cmpi slt, %lt3A_421, %get3A_212 : vector<16xi32>
        %and3A_423 = arith.andi %eq3A_420, %lt3A_422 : vector<16xi1>
        %convert_element_type3A_424 = arith.extui %and3A_423 : vector<16xi1> to vector<16xi32>
        %add3A_425 = arith.addi %add3A_411, %convert_element_type3A_418 : vector<16xi32>
        %add3A_426 = arith.addi %add3A_425, %convert_element_type3A_424 : vector<16xi32>
        %slice3A_427 = vector.extract_strided_slice %get3A_290 {offsets = [9], sizes = [1], strides = [1]} : vector<16xf32> to vector<1xf32>
        %squeeze3A_428 = vector.extract %slice3A_427[0] : f32 from vector<1xf32>
        %slice3A_429 = vector.extract_strided_slice %get3A_294 {offsets = [9], sizes = [1], strides = [1]} : vector<16xi32> to vector<1xi32>
        %squeeze3A_430 = vector.extract %slice3A_429[0] : i32 from vector<1xi32>
        %gt3A_431 = vector.broadcast %squeeze3A_428 : f32 to vector<16xf32>
        %gt3A_432 = arith.cmpf ogt, %gt3A_431, %get3A_210 : vector<16xf32>
        %convert_element_type3A_433 = arith.extui %gt3A_432 : vector<16xi1> to vector<16xi32>
        %eq3A_434 = vector.broadcast %squeeze3A_428 : f32 to vector<16xf32>
        %eq3A_435 = arith.cmpf oeq, %eq3A_434, %get3A_210 : vector<16xf32>
        %lt3A_436 = vector.broadcast %squeeze3A_430 : i32 to vector<16xi32>
        %lt3A_437 = arith.cmpi slt, %lt3A_436, %get3A_212 : vector<16xi32>
        %and3A_438 = arith.andi %eq3A_435, %lt3A_437 : vector<16xi1>
        %convert_element_type3A_439 = arith.extui %and3A_438 : vector<16xi1> to vector<16xi32>
        %add3A_440 = arith.addi %add3A_426, %convert_element_type3A_433 : vector<16xi32>
        %add3A_441 = arith.addi %add3A_440, %convert_element_type3A_439 : vector<16xi32>
        %slice3A_442 = vector.extract_strided_slice %get3A_290 {offsets = [10], sizes = [1], strides = [1]} : vector<16xf32> to vector<1xf32>
        %squeeze3A_443 = vector.extract %slice3A_442[0] : f32 from vector<1xf32>
        %slice3A_444 = vector.extract_strided_slice %get3A_294 {offsets = [10], sizes = [1], strides = [1]} : vector<16xi32> to vector<1xi32>
        %squeeze3A_445 = vector.extract %slice3A_444[0] : i32 from vector<1xi32>
        %gt3A_446 = vector.broadcast %squeeze3A_443 : f32 to vector<16xf32>
        %gt3A_447 = arith.cmpf ogt, %gt3A_446, %get3A_210 : vector<16xf32>
        %convert_element_type3A_448 = arith.extui %gt3A_447 : vector<16xi1> to vector<16xi32>
        %eq3A_449 = vector.broadcast %squeeze3A_443 : f32 to vector<16xf32>
        %eq3A_450 = arith.cmpf oeq, %eq3A_449, %get3A_210 : vector<16xf32>
        %lt3A_451 = vector.broadcast %squeeze3A_445 : i32 to vector<16xi32>
        %lt3A_452 = arith.cmpi slt, %lt3A_451, %get3A_212 : vector<16xi32>
        %and3A_453 = arith.andi %eq3A_450, %lt3A_452 : vector<16xi1>
        %convert_element_type3A_454 = arith.extui %and3A_453 : vector<16xi1> to vector<16xi32>
        %add3A_455 = arith.addi %add3A_441, %convert_element_type3A_448 : vector<16xi32>
        %add3A_456 = arith.addi %add3A_455, %convert_element_type3A_454 : vector<16xi32>
        %slice3A_457 = vector.extract_strided_slice %get3A_290 {offsets = [11], sizes = [1], strides = [1]} : vector<16xf32> to vector<1xf32>
        %squeeze3A_458 = vector.extract %slice3A_457[0] : f32 from vector<1xf32>
        %slice3A_459 = vector.extract_strided_slice %get3A_294 {offsets = [11], sizes = [1], strides = [1]} : vector<16xi32> to vector<1xi32>
        %squeeze3A_460 = vector.extract %slice3A_459[0] : i32 from vector<1xi32>
        %gt3A_461 = vector.broadcast %squeeze3A_458 : f32 to vector<16xf32>
        %gt3A_462 = arith.cmpf ogt, %gt3A_461, %get3A_210 : vector<16xf32>
        %convert_element_type3A_463 = arith.extui %gt3A_462 : vector<16xi1> to vector<16xi32>
        %eq3A_464 = vector.broadcast %squeeze3A_458 : f32 to vector<16xf32>
        %eq3A_465 = arith.cmpf oeq, %eq3A_464, %get3A_210 : vector<16xf32>
        %lt3A_466 = vector.broadcast %squeeze3A_460 : i32 to vector<16xi32>
        %lt3A_467 = arith.cmpi slt, %lt3A_466, %get3A_212 : vector<16xi32>
        %and3A_468 = arith.andi %eq3A_465, %lt3A_467 : vector<16xi1>
        %convert_element_type3A_469 = arith.extui %and3A_468 : vector<16xi1> to vector<16xi32>
        %add3A_470 = arith.addi %add3A_456, %convert_element_type3A_463 : vector<16xi32>
        %add3A_471 = arith.addi %add3A_470, %convert_element_type3A_469 : vector<16xi32>
        %slice3A_472 = vector.extract_strided_slice %get3A_290 {offsets = [12], sizes = [1], strides = [1]} : vector<16xf32> to vector<1xf32>
        %squeeze3A_473 = vector.extract %slice3A_472[0] : f32 from vector<1xf32>
        %slice3A_474 = vector.extract_strided_slice %get3A_294 {offsets = [12], sizes = [1], strides = [1]} : vector<16xi32> to vector<1xi32>
        %squeeze3A_475 = vector.extract %slice3A_474[0] : i32 from vector<1xi32>
        %gt3A_476 = vector.broadcast %squeeze3A_473 : f32 to vector<16xf32>
        %gt3A_477 = arith.cmpf ogt, %gt3A_476, %get3A_210 : vector<16xf32>
        %convert_element_type3A_478 = arith.extui %gt3A_477 : vector<16xi1> to vector<16xi32>
        %eq3A_479 = vector.broadcast %squeeze3A_473 : f32 to vector<16xf32>
        %eq3A_480 = arith.cmpf oeq, %eq3A_479, %get3A_210 : vector<16xf32>
        %lt3A_481 = vector.broadcast %squeeze3A_475 : i32 to vector<16xi32>
        %lt3A_482 = arith.cmpi slt, %lt3A_481, %get3A_212 : vector<16xi32>
        %and3A_483 = arith.andi %eq3A_480, %lt3A_482 : vector<16xi1>
        %convert_element_type3A_484 = arith.extui %and3A_483 : vector<16xi1> to vector<16xi32>
        %add3A_485 = arith.addi %add3A_471, %convert_element_type3A_478 : vector<16xi32>
        %add3A_486 = arith.addi %add3A_485, %convert_element_type3A_484 : vector<16xi32>
        %slice3A_487 = vector.extract_strided_slice %get3A_290 {offsets = [13], sizes = [1], strides = [1]} : vector<16xf32> to vector<1xf32>
        %squeeze3A_488 = vector.extract %slice3A_487[0] : f32 from vector<1xf32>
        %slice3A_489 = vector.extract_strided_slice %get3A_294 {offsets = [13], sizes = [1], strides = [1]} : vector<16xi32> to vector<1xi32>
        %squeeze3A_490 = vector.extract %slice3A_489[0] : i32 from vector<1xi32>
        %gt3A_491 = vector.broadcast %squeeze3A_488 : f32 to vector<16xf32>
        %gt3A_492 = arith.cmpf ogt, %gt3A_491, %get3A_210 : vector<16xf32>
        %convert_element_type3A_493 = arith.extui %gt3A_492 : vector<16xi1> to vector<16xi32>
        %eq3A_494 = vector.broadcast %squeeze3A_488 : f32 to vector<16xf32>
        %eq3A_495 = arith.cmpf oeq, %eq3A_494, %get3A_210 : vector<16xf32>
        %lt3A_496 = vector.broadcast %squeeze3A_490 : i32 to vector<16xi32>
        %lt3A_497 = arith.cmpi slt, %lt3A_496, %get3A_212 : vector<16xi32>
        %and3A_498 = arith.andi %eq3A_495, %lt3A_497 : vector<16xi1>
        %convert_element_type3A_499 = arith.extui %and3A_498 : vector<16xi1> to vector<16xi32>
        %add3A_500 = arith.addi %add3A_486, %convert_element_type3A_493 : vector<16xi32>
        %add3A_501 = arith.addi %add3A_500, %convert_element_type3A_499 : vector<16xi32>
        %slice3A_502 = vector.extract_strided_slice %get3A_290 {offsets = [14], sizes = [1], strides = [1]} : vector<16xf32> to vector<1xf32>
        %squeeze3A_503 = vector.extract %slice3A_502[0] : f32 from vector<1xf32>
        %slice3A_504 = vector.extract_strided_slice %get3A_294 {offsets = [14], sizes = [1], strides = [1]} : vector<16xi32> to vector<1xi32>
        %squeeze3A_505 = vector.extract %slice3A_504[0] : i32 from vector<1xi32>
        %gt3A_506 = vector.broadcast %squeeze3A_503 : f32 to vector<16xf32>
        %gt3A_507 = arith.cmpf ogt, %gt3A_506, %get3A_210 : vector<16xf32>
        %convert_element_type3A_508 = arith.extui %gt3A_507 : vector<16xi1> to vector<16xi32>
        %eq3A_509 = vector.broadcast %squeeze3A_503 : f32 to vector<16xf32>
        %eq3A_510 = arith.cmpf oeq, %eq3A_509, %get3A_210 : vector<16xf32>
        %lt3A_511 = vector.broadcast %squeeze3A_505 : i32 to vector<16xi32>
        %lt3A_512 = arith.cmpi slt, %lt3A_511, %get3A_212 : vector<16xi32>
        %and3A_513 = arith.andi %eq3A_510, %lt3A_512 : vector<16xi1>
        %convert_element_type3A_514 = arith.extui %and3A_513 : vector<16xi1> to vector<16xi32>
        %add3A_515 = arith.addi %add3A_501, %convert_element_type3A_508 : vector<16xi32>
        %add3A_516 = arith.addi %add3A_515, %convert_element_type3A_514 : vector<16xi32>
        %slice3A_517 = vector.extract_strided_slice %get3A_290 {offsets = [15], sizes = [1], strides = [1]} : vector<16xf32> to vector<1xf32>
        %squeeze3A_518 = vector.extract %slice3A_517[0] : f32 from vector<1xf32>
        %slice3A_519 = vector.extract_strided_slice %get3A_294 {offsets = [15], sizes = [1], strides = [1]} : vector<16xi32> to vector<1xi32>
        %squeeze3A_520 = vector.extract %slice3A_519[0] : i32 from vector<1xi32>
        %gt3A_521 = vector.broadcast %squeeze3A_518 : f32 to vector<16xf32>
        %gt3A_522 = arith.cmpf ogt, %gt3A_521, %get3A_210 : vector<16xf32>
        %convert_element_type3A_523 = arith.extui %gt3A_522 : vector<16xi1> to vector<16xi32>
        %eq3A_524 = vector.broadcast %squeeze3A_518 : f32 to vector<16xf32>
        %eq3A_525 = arith.cmpf oeq, %eq3A_524, %get3A_210 : vector<16xf32>
        %lt3A_526 = vector.broadcast %squeeze3A_520 : i32 to vector<16xi32>
        %lt3A_527 = arith.cmpi slt, %lt3A_526, %get3A_212 : vector<16xi32>
        %and3A_528 = arith.andi %eq3A_525, %lt3A_527 : vector<16xi1>
        %convert_element_type3A_529 = arith.extui %and3A_528 : vector<16xi1> to vector<16xi32>
        %add3A_530 = arith.addi %add3A_516, %convert_element_type3A_523 : vector<16xi32>
        %add3A_531 = arith.addi %add3A_530, %convert_element_type3A_529 : vector<16xi32>
        scf.yield %add3A_531 : vector<16xi32>
      }
      %lt3A_224 = arith.constant 300 : i32
      %lt3A_225 = vector.broadcast %lt3A_224 : i32 to vector<16xi32>
      %lt3A_226 = arith.cmpi slt, %while3A_223, %lt3A_225 : vector<16xi32>
      tpu.vector_store_idx %arg15[%while3A_223], %get3A_210 masked %lt3A_226 : memref<304xf32, #tpu.memory_space<vmem>>[vector<16xi32>], vector<16xf32>, vector<16xi1>
      %rem3A_227 = arith.constant 91 : i32
      %rem3A_228 = vector.broadcast %rem3A_227 : i32 to vector<16xi32>
      %rem3A_229 = arith.remsi %get3A_212, %rem3A_228 : vector<16xi32>
      tpu.vector_store_idx %arg16[%while3A_223], %rem3A_229 masked %lt3A_226 : memref<304xi32, #tpu.memory_space<vmem>>[vector<16xi32>], vector<16xi32>, vector<16xi1>
      %div3A_230 = arith.constant 91 : i32
      %div3A_231 = vector.broadcast %div3A_230 : i32 to vector<16xi32>
      %div3A_232 = arith.divsi %get3A_212, %div3A_231 : vector<16xi32>
      %mul3A_233 = arith.constant 4 : i32
      %mul3A_234 = vector.broadcast %mul3A_233 : i32 to vector<16xi32>
      %mul3A_235 = arith.muli %div3A_232, %mul3A_234 : vector<16xi32>
      %gather3A = tpu.vector_load_idx %arg13[%mul3A_235] masked %lt3A_226 : memref<20000xf32, #tpu.memory_space<vmem>>[vector<16xi32>], vector<16xf32>, vector<16xi1>
      %add3A_236 = arith.constant 1 : i32
      %add3A_237 = vector.broadcast %add3A_236 : i32 to vector<16xi32>
      %add3A_238 = arith.addi %mul3A_235, %add3A_237 : vector<16xi32>
      %gather3A_239 = tpu.vector_load_idx %arg13[%add3A_238] masked %lt3A_226 : memref<20000xf32, #tpu.memory_space<vmem>>[vector<16xi32>], vector<16xf32>, vector<16xi1>
      %add3A_240 = arith.constant 2 : i32
      %add3A_241 = vector.broadcast %add3A_240 : i32 to vector<16xi32>
      %add3A_242 = arith.addi %mul3A_235, %add3A_241 : vector<16xi32>
      %gather3A_243 = tpu.vector_load_idx %arg13[%add3A_242] masked %lt3A_226 : memref<20000xf32, #tpu.memory_space<vmem>>[vector<16xi32>], vector<16xf32>, vector<16xi1>
      %add3A_244 = arith.constant 3 : i32
      %add3A_245 = vector.broadcast %add3A_244 : i32 to vector<16xi32>
      %add3A_246 = arith.addi %mul3A_235, %add3A_245 : vector<16xi32>
      %gather3A_247 = tpu.vector_load_idx %arg13[%add3A_246] masked %lt3A_226 : memref<20000xf32, #tpu.memory_space<vmem>>[vector<16xi32>], vector<16xf32>, vector<16xi1>
      %mul3A_248 = arith.constant 4 : i32
      %mul3A_249 = vector.broadcast %mul3A_248 : i32 to vector<16xi32>
      %mul3A_250 = arith.muli %while3A_223, %mul3A_249 : vector<16xi32>
      %mul3A_251 = arith.constant 5.000000e-01 : f32
      %mul3A_252 = vector.broadcast %mul3A_251 : f32 to vector<16xf32>
      %mul3A_253 = arith.mulf %mul3A_252, %gather3A_243 : vector<16xf32>
      %sub3A_254 = arith.subf %gather3A, %mul3A_253 : vector<16xf32>
      %mul3A_255 = vector.broadcast %squeeze3A_186 : f32 to vector<16xf32>
      %mul3A_256 = arith.mulf %sub3A_254, %mul3A_255 : vector<16xf32>
      tpu.vector_store_idx %arg17[%mul3A_250], %mul3A_256 masked %lt3A_226 : memref<1216xf32, #tpu.memory_space<vmem>>[vector<16xi32>], vector<16xf32>, vector<16xi1>
      %add3A_257 = arith.constant 1 : i32
      %add3A_258 = vector.broadcast %add3A_257 : i32 to vector<16xi32>
      %add3A_259 = arith.addi %mul3A_250, %add3A_258 : vector<16xi32>
      %mul3A_260 = arith.constant 5.000000e-01 : f32
      %mul3A_261 = vector.broadcast %mul3A_260 : f32 to vector<16xf32>
      %mul3A_262 = arith.mulf %mul3A_261, %gather3A_247 : vector<16xf32>
      %sub3A_263 = arith.subf %gather3A_239, %mul3A_262 : vector<16xf32>
      %mul3A_264 = vector.broadcast %squeeze3A_184 : f32 to vector<16xf32>
      %mul3A_265 = arith.mulf %sub3A_263, %mul3A_264 : vector<16xf32>
      tpu.vector_store_idx %arg17[%add3A_259], %mul3A_265 masked %lt3A_226 : memref<1216xf32, #tpu.memory_space<vmem>>[vector<16xi32>], vector<16xf32>, vector<16xi1>
      %add3A_266 = arith.constant 2 : i32
      %add3A_267 = vector.broadcast %add3A_266 : i32 to vector<16xi32>
      %add3A_268 = arith.addi %mul3A_250, %add3A_267 : vector<16xi32>
      %mul3A_269 = arith.constant 5.000000e-01 : f32
      %mul3A_270 = vector.broadcast %mul3A_269 : f32 to vector<16xf32>
      %mul3A_271 = arith.mulf %mul3A_270, %gather3A_243 : vector<16xf32>
      %add3A_272 = arith.addf %gather3A, %mul3A_271 : vector<16xf32>
      %mul3A_273 = vector.broadcast %squeeze3A_186 : f32 to vector<16xf32>
      %mul3A_274 = arith.mulf %add3A_272, %mul3A_273 : vector<16xf32>
      tpu.vector_store_idx %arg17[%add3A_268], %mul3A_274 masked %lt3A_226 : memref<1216xf32, #tpu.memory_space<vmem>>[vector<16xi32>], vector<16xf32>, vector<16xi1>
      %add3A_275 = arith.constant 3 : i32
      %add3A_276 = vector.broadcast %add3A_275 : i32 to vector<16xi32>
      %add3A_277 = arith.addi %mul3A_250, %add3A_276 : vector<16xi32>
      %mul3A_278 = arith.constant 5.000000e-01 : f32
      %mul3A_279 = vector.broadcast %mul3A_278 : f32 to vector<16xf32>
      %mul3A_280 = arith.mulf %mul3A_279, %gather3A_247 : vector<16xf32>
      %add3A_281 = arith.addf %gather3A_239, %mul3A_280 : vector<16xf32>
      %mul3A_282 = vector.broadcast %squeeze3A_184 : f32 to vector<16xf32>
      %mul3A_283 = arith.mulf %add3A_281, %mul3A_282 : vector<16xf32>
      tpu.vector_store_idx %arg17[%add3A_277], %mul3A_283 masked %lt3A_226 : memref<1216xf32, #tpu.memory_space<vmem>>[vector<16xi32>], vector<16xf32>, vector<16xi1>
      %while3A_284 = arith.constant 0 : i32
      scf.yield %while3A_284 : i32
    }
    %mul3A_199 = arith.constant 304 : i32
    %mul3A_200 = arith.muli %add3A, %mul3A_199 : i32
    "tpu.region"() ({
      %run_scoped3A = tpu.sem_alloc : memref<!tpu.dma_semaphore, #tpu.memory_space<semaphore_mem>>
      %dma_start3A = tpu.memref_slice %arg5[%mul3A_200] : memref<4864xf32, #tpu.memory_space<hbm>> -> memref<304xf32, #tpu.memory_space<hbm>>
      %dma_start3A_205 = tpu.memref_slice %arg5[%mul3A_200] : memref<4864xf32, #tpu.memory_space<hbm>> -> memref<304xf32, #tpu.memory_space<hbm>>
      tpu.enqueue_dma source(%arg15 : memref<304xf32, #tpu.memory_space<vmem>>) target(%dma_start3A_205 : memref<304xf32, #tpu.memory_space<hbm>>) target_semaphore(%run_scoped3A : memref<!tpu.dma_semaphore, #tpu.memory_space<semaphore_mem>>)
      %dma_wait3A = tpu.memref_slice %arg5[%mul3A_200] : memref<4864xf32, #tpu.memory_space<hbm>> -> memref<304xf32, #tpu.memory_space<hbm>>
      %dma_wait3A_206 = tpu.memref_slice %arg5[%mul3A_200] : memref<4864xf32, #tpu.memory_space<hbm>> -> memref<304xf32, #tpu.memory_space<hbm>>
      tpu.wait_dma2 semaphore(%run_scoped3A : memref<!tpu.dma_semaphore, #tpu.memory_space<semaphore_mem>>) src(%arg15 : memref<304xf32, #tpu.memory_space<vmem>>) dst(%dma_wait3A_206 : memref<304xf32, #tpu.memory_space<hbm>>)
      tpu.yield
    }) : () -> ()
    %mul3A_201 = arith.constant 304 : i32
    %mul3A_202 = arith.muli %add3A, %mul3A_201 : i32
    "tpu.region"() ({
      %run_scoped3A = tpu.sem_alloc : memref<!tpu.dma_semaphore, #tpu.memory_space<semaphore_mem>>
      %dma_start3A = tpu.memref_slice %arg6[%mul3A_202] : memref<4864xi32, #tpu.memory_space<hbm>> -> memref<304xi32, #tpu.memory_space<hbm>>
      %dma_start3A_205 = tpu.memref_slice %arg6[%mul3A_202] : memref<4864xi32, #tpu.memory_space<hbm>> -> memref<304xi32, #tpu.memory_space<hbm>>
      tpu.enqueue_dma source(%arg16 : memref<304xi32, #tpu.memory_space<vmem>>) target(%dma_start3A_205 : memref<304xi32, #tpu.memory_space<hbm>>) target_semaphore(%run_scoped3A : memref<!tpu.dma_semaphore, #tpu.memory_space<semaphore_mem>>)
      %dma_wait3A = tpu.memref_slice %arg6[%mul3A_202] : memref<4864xi32, #tpu.memory_space<hbm>> -> memref<304xi32, #tpu.memory_space<hbm>>
      %dma_wait3A_206 = tpu.memref_slice %arg6[%mul3A_202] : memref<4864xi32, #tpu.memory_space<hbm>> -> memref<304xi32, #tpu.memory_space<hbm>>
      tpu.wait_dma2 semaphore(%run_scoped3A : memref<!tpu.dma_semaphore, #tpu.memory_space<semaphore_mem>>) src(%arg16 : memref<304xi32, #tpu.memory_space<vmem>>) dst(%dma_wait3A_206 : memref<304xi32, #tpu.memory_space<hbm>>)
      tpu.yield
    }) : () -> ()
    %mul3A_203 = arith.constant 1216 : i32
    %mul3A_204 = arith.muli %add3A, %mul3A_203 : i32
    "tpu.region"() ({
      %run_scoped3A = tpu.sem_alloc : memref<!tpu.dma_semaphore, #tpu.memory_space<semaphore_mem>>
      %dma_start3A = tpu.memref_slice %arg7[%mul3A_204] : memref<19456xf32, #tpu.memory_space<hbm>> -> memref<1216xf32, #tpu.memory_space<hbm>>
      %dma_start3A_205 = tpu.memref_slice %arg7[%mul3A_204] : memref<19456xf32, #tpu.memory_space<hbm>> -> memref<1216xf32, #tpu.memory_space<hbm>>
      tpu.enqueue_dma source(%arg17 : memref<1216xf32, #tpu.memory_space<vmem>>) target(%dma_start3A_205 : memref<1216xf32, #tpu.memory_space<hbm>>) target_semaphore(%run_scoped3A : memref<!tpu.dma_semaphore, #tpu.memory_space<semaphore_mem>>)
      %dma_wait3A = tpu.memref_slice %arg7[%mul3A_204] : memref<19456xf32, #tpu.memory_space<hbm>> -> memref<1216xf32, #tpu.memory_space<hbm>>
      %dma_wait3A_206 = tpu.memref_slice %arg7[%mul3A_204] : memref<19456xf32, #tpu.memory_space<hbm>> -> memref<1216xf32, #tpu.memory_space<hbm>>
      tpu.wait_dma2 semaphore(%run_scoped3A : memref<!tpu.dma_semaphore, #tpu.memory_space<semaphore_mem>>) src(%arg17 : memref<1216xf32, #tpu.memory_space<vmem>>) dst(%dma_wait3A_206 : memref<1216xf32, #tpu.memory_space<hbm>>)
      tpu.yield
    }) : () -> ()
    return
  }
}

</mosaic_0001>

<sc_bundles>
// kernel: kernel.3.cloned.1.call-start
scs
__scs_entry_jumppad:
0x0: {  	(pc) =	sbr.rel $0x88, $3  }
0x1: {  	(tag) =	ssettag $0x0;
	lr =	simm.s32 $0x1  }
0x2: {  	[smem:$0x3F9E] =	sst lr;
	_ =	strace $0xD0000000  }
0x3: {  	_ = 	snop  }
0x4: {  	_ = 	snop  }
0x5: {  	_ = 	snop  }
0x6: {  	_ = 	snop  }
0x7: {  	_ = 	snop  }
__scs_overlays_trampoline_lowered:
0x8: {  	[smem:$0x3FAD] =	sst s0  }
0x9: {  	[smem:$0x3FAE] =	sst s1  }
0xa: {  	[smem:$0x3FAF] =	sst s2  }
0xb: {  	[smem:$0x3FB0] =	sst s3  }
0xc: {  	[smem:$0x3FB1] =	sst s4  }
0xd: {  	[smem:$0x3FB2] =	sst s5  }
0xe: {  	[smem:$0x3FB3] =	sst s6  }
0xf: {  	[smem:$0x3FB4] =	sst s7  }
0x10: {  	[smem:$0x3FB5] =	sst s8  }
0x11: {  	[smem:$0x3FB6] =	sst s9;
	s0 =	simm.s32 @!p0 $0x0  }
0x12: {  	s1 =	sld [smem:$0x3F9C];
	s0 =	simm.s32 @p0 $0x1  }
0x13: {  	[smem:$0x3FB7] =	sst s0;
	s0 =	simm.s32 @!p1 $0x0  }
0x14: {  	s2 =	sld [smem:$0x3F9B];
	s0 =	simm.s32 @p1 $0x1  }
0x15: {  	[smem:$0x3FB8] =	sst s0;
	s0 =	simm.s32 @!p2 $0x0  }
0x16: {  	s3 =	sld [smem:$0x3FDB];
	s0 =	simm.s32 @p2 $0x1  }
0x17: {  	s4 =	simm.s32 $0x1BF5;
	[smem:$0x3FBA] =	sst s0  }
0x18: {  	s0 =	sld [smem:$0x3F9D];
	_ =	swait.ge [sflag:s4], $0x0  }
0x19: {  	s7 =	sld [smem:$0x3F9E]  }
0x1a: {  	s8 =	sadd.s32 $0xFFFFE003, lr  }
0x1b: {  	s9 =	sadd.s32 $0xFFFFFEF7, lr;
	s5 =	simm.s32 $0xFFFFFFFF;
	p2 =	slt.u32 s8, $0xFFFFF086  }
0x1c: {  	p1 =	slt.u32 s9, $0xF7A;
	s5 =	simm.s32 @!p2 $0x0  }
0x1d: {  	s5 =	simm.s32 @p1 $0x1;
	p0 =	seq.s32 s7, s2  }
0x1e: {  	s7 =	smul.u32 @!p0 $0xF7A, s2;
	p2 =	seq.s32 @!p0 s5, $0x0  }
0x1f: {  	s9 =	smul.u32 $0xF7A, s1;
	s8 =	simm.s32 @!p0 $0x1BF5;
	p2 =	por !p2, p0  }
0x20: {  	[sflag:s8] =	ssyncset.s32 @!p0 $0xFFFFF086;
	s6 =	sadd.s32 @!p0 s3, s7;
	s7 =	simm.s32 @!p0 $0x108  }
0x21: {  	s3 =	sadd.s32 s3, s9;
	s6 =	sadd.s32 @!p0 $0x88, s6;
	s7 =	simm.s32 @p2 $0x1082  }
0x22: {  	[simem:s7], [sflag:s8] =	dma.local @!p0 [hbm:s6], $0xF7A  }
0x23: {  	s9 =	sor.u32 $0xD0000000, s2;
	s6 =	simm.s32 $0x108;
	_ =	swait.ge @!p0 [sflag:s8], $0x0  }
0x24: {  	s3 =	sadd.s32 $0x88, s3;
	s6 =	simm.s32 @!p1 $0x1082;
	[sflag:s4] =	ssyncset.s32 $0xFFFFF086  }
0x25: {  	[simem:s6], [sflag:s4] =	dma.local [hbm:s3], $0xF7A  }
0x26: {  	[smem:$0x3F9E] =	sst s1;
	(tag) =	ssettag s2;
	_ =	strace s9  }
0x27: {  	s1 =	sld [smem:$0x3FAE]  }
0x28: {  	s2 =	sld [smem:$0x3FAF]  }
0x29: {  	s4 =	sld [smem:$0x3FB1]  }
0x2a: {  	p0 =	seq.s32 s5, $0x0;
	s5 =	sld [smem:$0x3FB2]  }
0x2b: {  	s6 =	sld [smem:$0x3FB3]  }
0x2c: {  	s7 =	sld [smem:$0x3FB4]  }
0x2d: {  	s3 =	simm.s32 $0x108;
	s8 =	sld [smem:$0x3FB5]  }
0x2e: {  	s3 =	simm.s32 @!p0 $0x1082;
	s9 =	sld [smem:$0x3FB6]  }
0x2f: {  	lr =	sadd.s32 s0, s3;
	s0 =	sld [smem:$0x3FAD]  }
0x30: {  	s3 =	sld [smem:$0x3FB0]  }
0x31: {  	[smem:$0x3FB9] =	sst s10  }
0x32: {  	s10 =	sld [smem:$0x3FB7];
	_ =	sdelay $0x3  }
0x33: {  	p0 =	seq.s32 s10, $0x1;
	s10 =	sld [smem:$0x3FB9];
	_ =	sdelay $0x3  }
0x34: {  	[smem:$0x3FB9] =	sst s10  }
0x35: {  	s10 =	sld [smem:$0x3FB8];
	_ =	sdelay $0x3  }
0x36: {  	p1 =	seq.s32 s10, $0x1;
	s10 =	sld [smem:$0x3FB9];
	_ =	sdelay $0x3  }
0x37: {  	[smem:$0x3FB9] =	sst s10  }
0x38: {  	s10 =	sld [smem:$0x3FBA]  }
0x39: {  	_ = 	snop;
	(pc) =	sbr.ind lr, $3  }
0x3a: {  	_ = 	snop  }
0x3b: {  	_ = 	snop  }
0x3c: {  	p2 =	seq.s32 s10, $0x1;
	s10 =	sld [smem:$0x3FB9]  }
0x3d: {  	_ =	shalt  }
0x3e: {  	_ =	shalt  }
0x3f: {  	_ =	shalt  }
0x40: {  	_ =	shalt  }
0x41: {  	_ =	shalt  }
0x42: {  	_ =	shalt  }
0x43: {  	_ =	shalt  }
0x44: {  	_ =	shalt  }
0x45: {  	_ =	shalt  }
0x46: {  	_ =	shalt  }
0x47: {  	_ =	shalt  }
0x48: {  	_ =	shalt  }
0x49: {  	_ =	shalt  }
0x4a: {  	_ =	shalt  }
0x4b: {  	_ =	shalt  }
0x4c: {  	_ =	shalt  }
0x4d: {  	_ =	shalt  }
0x4e: {  	_ =	shalt  }
0x4f: {  	_ =	shalt  }
0x50: {  	_ =	shalt  }
0x51: {  	_ =	shalt  }
0x52: {  	_ =	shalt  }
0x53: {  	_ =	shalt  }
0x54: {  	_ =	shalt  }
0x55: {  	_ =	shalt  }
0x56: {  	_ =	shalt  }
0x57: {  	_ =	shalt  }
0x58: {  	_ =	shalt  }
0x59: {  	_ =	shalt  }
0x5a: {  	_ =	shalt  }
0x5b: {  	_ =	shalt  }
0x5c: {  	_ =	shalt  }
0x5d: {  	_ =	shalt  }
0x5e: {  	_ =	shalt  }
0x5f: {  	_ =	shalt  }
0x60: {  	_ =	shalt  }
0x61: {  	_ =	shalt  }
0x62: {  	_ =	shalt  }
0x63: {  	_ =	shalt  }
0x64: {  	_ =	shalt  }
0x65: {  	_ =	shalt  }
0x66: {  	_ =	shalt  }
0x67: {  	_ =	shalt  }
0x68: {  	_ =	shalt  }
0x69: {  	_ =	shalt  }
0x6a: {  	_ =	shalt  }
0x6b: {  	_ =	shalt  }
0x6c: {  	_ =	shalt  }
0x6d: {  	_ =	shalt  }
0x6e: {  	_ =	shalt  }
0x6f: {  	_ =	shalt  }
0x70: {  	_ =	shalt  }
0x71: {  	_ =	shalt  }
0x72: {  	_ =	shalt  }
0x73: {  	_ =	shalt  }
0x74: {  	_ =	shalt  }
0x75: {  	_ =	shalt  }
0x76: {  	_ =	shalt  }
0x77: {  	_ =	shalt  }
0x78: {  	_ =	shalt  }
0x79: {  	_ =	shalt  }
0x7a: {  	_ =	shalt  }
0x7b: {  	_ =	shalt  }
0x7c: {  	_ =	shalt  }
0x7d: {  	_ =	shalt  }
0x7e: {  	_ =	shalt  }
0x7f: {  	_ =	shalt  }
0x80: {  	_ =	shalt  }
0x81: {  	_ =	shalt  }
0x82: {  	_ =	shalt  }
0x83: {  	_ =	shalt  }
0x84: {  	_ =	shalt  }
0x85: {  	_ =	shalt  }
0x86: {  	_ =	shalt  }
0x87: {  	_ =	shalt  }
.Lfunc_end0:
.L_simem_size_0:
called_computation_lowered:
.L_overlay_start_0:
0x88: {  	s2 =	sld [smem:$0x3FD9]  }
0x89: {  	s3 =	sld [smem:$0x3FFE];
	_ =	sdelay $0x1  }
0x8a: {  	s1 =	srdreg.scid  }
0x8b: {  	s0 =	sand.u32 $0x1, s1  }
0x8c: {  	s14 =	sshll.u32 s0, $0xA;
	s2 =	sadd.s32 s3, s2  }
0x8d: {  	s2 =	sadd.s32 s2, s14  }
0x8e: {  	[smem:$0x3FC5] =	sst s2  }
0x8f: {  	_ = 	snop  }
0x90: {  	s2 =	sld [smem:$0x3FD0];
	_ =	sdelay $0x2  }
0x91: {  	s15 =	simm.s32 $0xA;
	s4 =	simm.s32 $0x10  }
0x92: {  	[smem:s4], [sflag:s15] =	dma.local [hbm:s2], $0x1  }
0x93: {  	_ =	swait.eq [sflag:s15], $0x1  }
0x94: {  	s16 =	sld [smem:$0x10];
	[sflag:s15] =	ssyncset.done $0x0  }
0x95: {  	s17 =	sld [smem:$0x11];
	[sflag:s15] =	ssyncadd.s32 $0xFFFFFFFF  }
0x96: {  	s18 =	sld [smem:$0x12];
	(tm) =	ssettm $0x1  }
0x97: {  	s5 =	sld [smem:$0x3FFB];
	_ =	sdelay $0x3  }
0x98: {  	_ =	strace s5  }
0x99: {  	s5 =	sld [smem:$0x3FFC];
	_ =	sdelay $0x3  }
0x9a: {  	_ =	strace s5  }
0x9b: {  	s5 =	sld [smem:$0x3FFD];
	_ =	sdelay $0x3  }
0x9c: {  	_ =	strace s5  }
0x9d: {  	_ =	strace $0x8FFFFFFF  }
0x9e: {  	s19 =	sld [smem:$0x3FDB];
	_ =	sdelay $0x1  }
0x9f: {  	s6 =	simm.s32 $_scs_section_size  }
0xa0: {  	s7 =	simm.s32 $_size__tile_overlayer_lowered;
	s8 =	simm.s32 $_tile_overlayer_lowered  }
0xa1: {  	s22 =	simm.s32 $0x1BFF;
	s21 =	sshll.u32 s8, $0x1;
	s5 =	sadd.s32 s6, s19  }
0xa2: {  	s9 =	simm.s32 $0x0;
	s20 =	sshll.u32 s7, $0x1;
	s7 =	sadd.s32 s21, s5  }
0xa3: {  	[timem:s9], [sflag:s22] =	dma.local [hbm:s7], s20  }
0xa4: {  	_ =	swait.ge [sflag:s22], s20  }
0xa5: {  	s6 =	ssub.s32 $0x0, s20;
	[sflag:s22] =	ssyncset.done $0x0  }
0xa6: {  	[sflag:s22] =	ssyncadd.s32 s6;
	_ =	sdelay $0x1  }
0xa7: {  	s23 =	simm.s32 $0x1B8B  }
0xa8: {  	_ =	swait.ge [sflag:s23], $0x1  }
0xa9: {  	[sflag:s23] =	ssyncset.done $0x0  }
0xaa: {  	s25 =	simm.s32 $0x1B8E;
	s24 =	sld [smem:$0x3FFE];
	[sflag:s23] =	ssyncadd.s32 $0xFFFFFFFF  }
0xab: {  	s26 =	simm.s32 $execute0_lowered;
	[smem:$0x3FD2] =	sst s25  }
0xac: {  	s7 =	sshll.u32 s26, $0x1;
	_ =	strace $0x80000046;
	[dreg:$0x1] =	wrdreg $0xFFFFFFFF  }
0xad: {  	s28 =	simm.s32 $_size_execute0_lowered;
	s5 =	sadd.s32 s5, s7;
	[dreg:$0x0] =	wrdreg $0x0  }
0xae: {  	s7 =	sshll.u32 s28, $0x1;
	[dreg:$0x2] =	wrdreg s5  }
0xaf: {  	[dreg:$0x3] =	wrdreg s7  }
0xb0: {  	[dreg:$0x4] =	wrdreg $0xC0  }
0xb1: {  	_ =	task [dreg:s9], $0x5FFFF  }
0xb2: {  	[dreg:$0x1] =	wrdreg $0xFFFFFFFF  }
0xb3: {  	[dreg:$0x0] =	wrdreg $0x60  }
0xb4: {  	[dreg:$0x2] =	wrdreg s24  }
0xb5: {  	[dreg:$0x3] =	wrdreg s16  }
0xb6: {  	[dreg:$0x4] =	wrdreg s17  }
0xb7: {  	[dreg:$0x5] =	wrdreg s18  }
0xb8: {  	[dreg:$0x6] =	wrdreg $0x9  }
0xb9: {  	_ =	task.clear_ibuf [dreg:s9], $0x7FFFF;
	_ =	strace $0x90000046  }
0xba: {  	s29 =	simm.s32 $0x9;
	_ =	strace $0x80000048  }
0xbb: {  	_ =	swait.ge [sflag:s29], $0x1  }
0xbc: {  	[sflag:s29] =	ssyncadd.s32 $0xFFFFFFFF  }
0xbd: {  	_ =	strace $0x90000048  }
0xbe: {  	_ =	sfence  }
0xbf: {  	s30 =	sld [smem:$0x0];
	_ =	sdelay $0x2  }
0xc0: {  	s31 =	sshll.u32 s1, $0xD;
	s1 =	sshrl.u32 s1, $0x2  }
0xc1: {  	s3 =	sand.u32 $0x4000, s31;
	s1 =	sadd.s32 s1, s30  }
0xc2: {  	s0 =	sor.u32 s3, s0;
	s1 =	sshll.u32 s1, $0x11  }
0xc3: {  	s0 =	sor.u32 s1, s0  }
0xc4: {  	s0 =	sadd.s32 $0x8F2B, s0  }
0xc5: {  	[sflag:s0] =	ssyncadd.remote.s32 $0x1  }
0xc6: {  	_ =	sfence.sel $0xFFFF  }
0xc7: {  	[dreg:$0x0] =	wrdreg $0xFFFFFFFF;
	(pc) =	sbr.abs _section_cstart, $3  }
0xc8: {  	[dreg:$0x1] =	wrdreg $0xFFFFFFFF  }
0xc9: {  	_ =	task.clear_ibuf [dreg:s9], $0x2FFFF;
	_ =	strace $0x9FFFFFFF  }
0xca: {  	(tm) =	ssettm $0x7FFFFFFF  }
0xcb: {  	_ =	shalt  }
tec
execute0_lowered:
.L_overlay_start_1:
0x0: {  	(tag) =	ssettag $0x1  }
0x1: {  	s6 =	rddreg [dreg:$0x0];
	s2 =	srdreg.scid  }
0x2: {  	s9 =	rddreg [dreg:$0x2];
	s0 =	stileid.u32  }
0x3: {  	s10 =	rddreg [dreg:$0x3];
	s3 =	simm.s32 $0x0;
	s7 =	sand.u32 $0x1, s2  }
0x4: {  	s15 =	simm.s32 $0xC000;
	s5 =	sand.u32 $0x7, s0;
	s4 =	sshll.u32 s7, $0x3  }
0x5: {  	s17 =	simm.s32 $0x17F00;
	s18 =	simm.s32 $0x18080;
	s8 =	sor.u32 s5, s4  }
0x6: {  	s19 =	simm.s32 $0x18200;
	s20 =	simm.s32 $0x0;
	s11 =	smul.u32 $0x9C4, s8  }
0x7: {  	[smem:$0x7FF] =	sst s3;
	s7 =	ssub.s32 $0x2, s7;
	s12 =	smul.u32 $0x26, s8  }
0x8: {  	_ =	strace $0x80000047;
	s14 =	sshrl.u32 s7, $0x1;
	s5 =	smul.u32 $0x6F158, s8  }
0x9: {  	s4 =	sadd.s32 $0x139400, s6;
	s14 =	ssub.s32 s7, s14;
	s25 =	smul.u32 $0x98, s8  }
0xa: {  	s16 =	sshll.u32 s8, $0x3;
	s30 =	smax.u32 s14, $0x1;
	s14 =	simm.s32 $0x13000  }
0xb: {  	v0 =	vlaneseq.u32;
	v1 =	vimm.s32 $0x0;
	v2 =	vimm.f32 $0.0e+00;
	s31 =	sshrl.u32 s16, $0x2;
	s11 =	sadd.s32 s11, s6;
	[dreg:$0x9] =	wrdreg s30  }
.Ltmp0:
0xc: {  	v3 =	vimm.s32 $0x1;
	v7 =	vimm.s32 $0xECA86420;
	vm0 =	vmmov $0xff;
	s28 =	sadd.s32 s9, s12;
	[dreg:$0xa] =	wrdreg s31;
	(pc) =	sbr.rel .LBB2_1-.Ltmp0, $4  }
0xd: {  	v6 =	vimm.s32 $0x0;
	vm3 =	vcmask $0x1B18;
	v4 =	vmul.u32 $0xFFFFFFFF, v0;
	s13 =	sadd.s32 s12, s6;
	s29 =	sadd.s32 s10, s25;
	[dreg:$0x7] =	wrdreg s28  }
0xe: {  	v5 =	vor.u32 $0x6F140, v0;
	v6 =	vsel vm0, $0xFFFFFFFF, v6;
	v9 =	vunpack.c.l.s4.s8 v7;
	s23 =	sshrl.u32 s5, $0x3;
	s22 =	sadd.s32 $0x217800, s11;
	[dreg:$0x8] =	wrdreg s29  }
0xf: {  	v7 =	vimm.f32 $-1.000000020e+30;
	v8 =	vor.u32 $0x3FFFFF00, v0;
	v10 =	vmul.u32 $0x2, v0;
	s24 =	sadd.s32 s4, s23;
	s26 =	sadd.s32 $0xC00, s13;
	[dreg:$0x5] =	wrdreg s22  }
0x10: {  	[tilespmem:$0x1FFF0] =	vst v6;
	v6 =	vor.u32 $0x6F150, v0;
	v4 =	vadd.s32 $0xF, v4;
	v9 =	vunpack.c.0.s8.s32 v9;
	s13 =	simm.s32 $0x1;
	s7 =	sadd.s32 $0xD800, s24;
	[dreg:$0x6] =	wrdreg s26  }
.LBB2_27:
0x11: {  	s0 =	rddreg [dreg:$0x7]  }
0x12: {  	[hbm4b:s0+s3] =	stream.linear.scatter [tilespmem:s17], [sflag:$0x1], $0x130, $0x38;
	[tilespmem:$0x18700] =	vst v63  }
0x13: {  	_ =	swait.ge [sflag:s13], $0x130  }
0x14: {  	[sflag:s13] =	ssyncset.done $0x0  }
0x15: {  	s29 =	rddreg [dreg:$0x6];
	[sflag:s13] =	ssyncadd.s32 $0xFFFFFED0  }
0x16: {  	[hbm4b:s29+s3] =	stream.linear.scatter [tilespmem:s18], [sflag:$0x1], $0x130, $0x38;
	[tilespmem:$0x18700] =	vst v63  }
0x17: {  	_ =	swait.ge [sflag:s13], $0x130  }
0x18: {  	[sflag:s13] =	ssyncset.done $0x0  }
0x19: {  	s30 =	rddreg [dreg:$0x8];
	[sflag:s13] =	ssyncadd.s32 $0xFFFFFED0  }
0x1a: {  	[hbm4b:s30+s3] =	stream.linear.scatter [tilespmem:s19], [sflag:$0x1], $0x4C0, $0x38;
	[tilespmem:$0x18700] =	vst v63  }
0x1b: {  	_ =	swait.ge [sflag:s13], $0x4C0  }
0x1c: {  	s20 =	sadd.s32 $0x1, s20;
	s31 =	rddreg [dreg:$0x9]  }
0x1d: {  	p0 =	sne.s32 s20, s31  }
.Ltmp1:
0x1e: {  	_ = 	snop;
	(pc) =	sbr.rel @!p0 .LBB2_28-.Ltmp1, $3  }
0x1f: {  	_ =	sdelay $0x1  }
0x20: {  	[sflag:s13] =	ssyncset.done $0x0  }
0x21: {  	[sflag:s13] =	ssyncadd.s32 $0xFFFFFB40  }
.LBB2_1:
0x22: {  	s21 =	simm.s32 $0x40;
	s22 =	simm.s32 $0x0  }
.LBB2_2:
0x23: {  	p0 =	sne.s32 s21, $0xFFC0;
	[tilespmem:s22+$0xC000] =	vst v1;
	s22 =	smov.u32 s21;
	s21 =	sadd.s32 $0x40, s21  }
.Ltmp2:
0x24: {  	(pc) =	sbr.rel @p0 .LBB2_2-.Ltmp2, $2  }
0x25: {  	_ =	sdelay $0x2  }
0x26: {  	s22 =	sshra.s32 s22, $0x2  }
0x27: {  	[tilespmem:s22+$0xC000] =	vst v1  }
0x28: {  	[tilespmem:$0x18020] =	vst v2  }
0x29: {  	[tilespmem:$0x181A0] =	vst v1  }
0x2a: {  	s21 =	simm.s32 $0x0;
	s0 =	rddreg [dreg:$0x1];
	s1 =	simm.s32 $0x17E80;
	[tilespmem:$0x186B0] =	vst v2  }
0x2b: {  	[tilespmem:s1], [sflag:$0x1] =	stream.linear.gather [hbm4b:s0+s21], $0x20, $0x38;
	[tilespmem:$0x18700] =	vst v63  }
0x2c: {  	_ =	swait.ge [sflag:s13], $0x20  }
0x2d: {  	[sflag:s13] =	ssyncset.done $0x0  }
0x2e: {  	s31 =	rddreg [dreg:$0x5];
	[sflag:s13] =	ssyncadd.s32 $0xFFFFFFE0  }
0x2f: {  	[tilespmem:s14], [sflag:$0x1] =	stream.linear.gather [hbm4b:s31+s21], $0x4E20, $0x38;
	[tilespmem:$0x18700] =	vst v63  }
0x30: {  	_ =	swait.ge [sflag:s13], $0x4E20  }
0x31: {  	[sflag:s13] =	ssyncset.done $0x0  }
0x32: {  	s22 =	simm.s32 $0x0;
	[sflag:s13] =	ssyncadd.s32 $0xFFFFB1E0  }
.LBB2_4:
0x33: {  	s23 =	smul.u32 $0xC000, s22;
	_ =	sdelay $0x1  }
0x34: {  	s23 =	sadd.s32 s5, s23  }
0x35: {  	s23 =	sshrl.u32 s23, $0x3  }
0x36: {  	s23 =	sadd.s32 s4, s23  }
0x37: {  	[tilespmem:s21], [sflag:$0x1] =	stream.linear.gather [hbm4b:s23+s21], $0xC000, $0x38;
	[tilespmem:$0x18700] =	vst v63  }
0x38: {  	_ =	swait.ge [sflag:s13], $0xC000  }
0x39: {  	[sflag:s13] =	ssyncset.done $0x0  }
0x3a: {  	s23 =	simm.s32 $0x0;
	[sflag:s13] =	ssyncadd.s32 $0xFFFF4000  }
.LBB2_5:
0x3b: {  	s24 =	sshra.s32 s23, $0x2  }
0x3c: {  	v11 =	vld [tilespmem:s24+$0x0];
	_ =	sdelay $0x4  }
0x3d: {  	vm4 =	vlt.s32 v11, $0x0;
	v12 =	vxor.u32 $0xFFFFFFFF, v11;
	v11 =	vor.u32 $0x80000000, v11  }
0x3e: {  	v11 =	vsel vm4, v12, v11  }
0x3f: {  	v11 =	vshrl.u32 v11, $0x12;
	_ =	sdelay $0x4  }
0x40: {  	[tilespmem:v11+s15+$0x0] =	vst.idx.add.s32.msk $0xffff, v3  }
0x41: {  	v11 =	vld [tilespmem:s24+$0x10];
	_ =	sdelay $0x4  }
0x42: {  	vm4 =	vlt.s32 v11, $0x0;
	v61 =	vxor.u32 $0xFFFFFFFF, v11;
	v11 =	vor.u32 $0x80000000, v11  }
0x43: {  	v11 =	vsel vm4, v61, v11  }
0x44: {  	v11 =	vshrl.u32 v11, $0x12;
	_ =	sdelay $0x4  }
0x45: {  	[tilespmem:v11+s15+$0x0] =	vst.idx.add.s32.msk $0xffff, v3  }
0x46: {  	v11 =	vld [tilespmem:s24+$0x20];
	_ =	sdelay $0x4  }
0x47: {  	vm4 =	vlt.s32 v11, $0x0;
	v62 =	vxor.u32 $0xFFFFFFFF, v11;
	v11 =	vor.u32 $0x80000000, v11  }
0x48: {  	v11 =	vsel vm4, v62, v11  }
0x49: {  	v11 =	vshrl.u32 v11, $0x12;
	_ =	sdelay $0x4  }
0x4a: {  	[tilespmem:v11+s15+$0x0] =	vst.idx.add.s32.msk $0xffff, v3  }
0x4b: {  	v11 =	vld [tilespmem:s24+$0x30];
	_ =	sdelay $0x4  }
0x4c: {  	vm4 =	vlt.s32 v11, $0x0;
	v63 =	vxor.u32 $0xFFFFFFFF, v11;
	v11 =	vor.u32 $0x80000000, v11  }
0x4d: {  	v11 =	vsel vm4, v63, v11  }
0x4e: {  	p0 =	sne.s32 s23, $0x2FF00;
	v11 =	vshrl.u32 v11, $0x12  }
.Ltmp3:
0x4f: {  	_ = 	snop;
	(pc) =	sbr.rel @p0 .LBB2_5-.Ltmp3, $2  }
0x50: {  	_ =	sdelay $0x2  }
0x51: {  	s23 =	sadd.s32 $0x100, s23;
	[tilespmem:v11+s15+$0x0] =	vst.idx.add.s32.msk $0xffff, v3  }
0x52: {  	s22 =	sadd.s32 $0x1, s22  }
0x53: {  	p0 =	sne.s32 s22, $0x9  }
.Ltmp4:
0x54: {  	_ = 	snop;
	(pc) =	sbr.rel @p0 .LBB2_4-.Ltmp4, $1  }
0x55: {  	_ =	sdelay $0x3  }
0x56: {  	s21 =	simm.s32 $0x0  }
0x57: {  	[tilespmem:s21], [sflag:$0x1] =	stream.linear.gather [hbm4b:s7+s21], $0x3158, $0x38;
	[tilespmem:$0x18700] =	vst v63  }
0x58: {  	_ =	swait.ge [sflag:s13], $0x3158  }
0x59: {  	[sflag:s13] =	ssyncset.done $0x0  }
0x5a: {  	[sflag:s13] =	ssyncadd.s32 $0xFFFFCEA8  }
.LBB2_8:
0x5b: {  	s22 =	sshra.s32 s21, $0x2  }
0x5c: {  	v11 =	vld [tilespmem:s22+$0x0];
	_ =	sdelay $0x4  }
0x5d: {  	vm4 =	vlt.s32 v11, $0x0;
	v12 =	vxor.u32 $0xFFFFFFFF, v11;
	v11 =	vor.u32 $0x80000000, v11  }
0x5e: {  	v11 =	vsel vm4, v12, v11  }
0x5f: {  	v11 =	vshrl.u32 v11, $0x12;
	_ =	sdelay $0x4  }
0x60: {  	[tilespmem:v11+s15+$0x0] =	vst.idx.add.s32.msk $0xffff, v3  }
0x61: {  	v11 =	vld [tilespmem:s22+$0x10];
	_ =	sdelay $0x4  }
0x62: {  	vm4 =	vlt.s32 v11, $0x0;
	v61 =	vxor.u32 $0xFFFFFFFF, v11;
	v11 =	vor.u32 $0x80000000, v11  }
0x63: {  	v11 =	vsel vm4, v61, v11  }
0x64: {  	v11 =	vshrl.u32 v11, $0x12;
	_ =	sdelay $0x4  }
0x65: {  	[tilespmem:v11+s15+$0x0] =	vst.idx.add.s32.msk $0xffff, v3  }
0x66: {  	v11 =	vld [tilespmem:s22+$0x20];
	_ =	sdelay $0x4  }
0x67: {  	vm4 =	vlt.s32 v11, $0x0;
	v62 =	vxor.u32 $0xFFFFFFFF, v11;
	v11 =	vor.u32 $0x80000000, v11  }
0x68: {  	v11 =	vsel vm4, v62, v11  }
0x69: {  	v11 =	vshrl.u32 v11, $0x12;
	_ =	sdelay $0x4  }
0x6a: {  	[tilespmem:v11+s15+$0x0] =	vst.idx.add.s32.msk $0xffff, v3  }
0x6b: {  	v11 =	vld [tilespmem:s22+$0x30];
	_ =	sdelay $0x4  }
0x6c: {  	vm4 =	vlt.s32 v11, $0x0;
	v63 =	vxor.u32 $0xFFFFFFFF, v11;
	v11 =	vor.u32 $0x80000000, v11  }
0x6d: {  	v11 =	vsel vm4, v63, v11  }
0x6e: {  	p0 =	sne.s32 s21, $0xC400;
	v11 =	vshrl.u32 v11, $0x12  }
.Ltmp5:
0x6f: {  	_ = 	snop;
	(pc) =	sbr.rel @p0 .LBB2_8-.Ltmp5, $2  }
0x70: {  	_ =	sdelay $0x2  }
0x71: {  	s21 =	sadd.s32 $0x100, s21;
	[tilespmem:v11+s15+$0x0] =	vst.idx.add.s32.msk $0xffff, v3  }
0x72: {  	v11 =	vld [tilespmem:$0x3140];
	_ =	sdelay $0x4  }
0x73: {  	vm4 =	vlt.s32 v11, $0x0;
	v12 =	vxor.u32 $0xFFFFFFFF, v11;
	v11 =	vor.u32 $0x80000000, v11  }
0x74: {  	v11 =	vsel vm4, v12, v11  }
0x75: {  	v11 =	vshrl.u32 v11, $0x12;
	_ =	sdelay $0x4  }
0x76: {  	[tilespmem:v11+s15+$0x0] =	vst.idx.add.s32.msk $0xffff, v3  }
0x77: {  	v11 =	vld [tilespmem:$0x3150];
	_ =	sdelay $0x4  }
0x78: {  	vm4 =	vlt.s32 v11, $0x0;
	v63 =	vxor.u32 $0xFFFFFFFF, v11;
	v11 =	vor.u32 $0x80000000, v11  }
0x79: {  	v11 =	vsel vm4, v63, v11  }
0x7a: {  	v11 =	vshrl.u32 v11, $0x12;
	_ =	sdelay $0x3  }
0x7b: {  	s24 =	simm.s32 $0x0;
	s21 =	simm.s32 $0xFFFFFFFF  }
0x7c: {  	s22 =	simm.s32 $0x4000;
	s23 =	simm.s32 $0xFFF0;
	s25 =	simm.s32 $0x0;
	[tilespmem:v11+s15+$0x0] =	vst.idx.add.s32.msk $0xff, v3  }
.LBB2_10:
0x7d: {  	v11 =	vld [tilespmem:s23+$0x0];
	_ =	sdelay $0x4  }
0x7e: {  	v11 =	vperm.xlane v11, v4;
	_ =	sdelay $0x1  }
0x7f: {  	(xrf0) =	vadd.scan.msk.s32 $0xffff, v11;
	_ =	sdelay $0x5  }
0x80: {  	v11, _, _ =	vpop (xrf0)  }
0x81: {  	v12 =	vadd.s32 s25, v11  }
0x82: {  	vm4 =	vgt.s32 v12, $0x12B  }
0x83: {  	v12 =	vmctz.xlane vm4;
	_ =	sdelay $0x1  }
0x84: {  	v12 =	vxor.u32 $0x80000000, v12  }
0x85: {  	v63 =	vsel vm4, $0x3F800000, v2;
	(xrf0) =	vmax.scan.msk.u32 $0xffff, v12  }
0x86: {  	(xrf0) =	vmax.scan.msk.f32 $0xffff, v63;
	_ =	sdelay $0x1  }
0x87: {  	v11 =	vxor.u32 $0x80000000, v11;
	_ =	sdelay $0x2  }
0x88: {  	(xrf0) =	vmax.scan.msk.u32 $0xffff, v11;
	v11, _, _ =	vpop (xrf0)  }
0x89: {  	v12, _, _ =	vpop (xrf0);
	(v2sf) =	vpush v11, $0xF  }
0x8a: {  	(v2sf) =	vpush v12, $0xF;
	_ =	sdelay $0x6  }
0x8b: {  	v11, _, _ =	vpop (xrf0)  }
0x8c: {  	(v2sf) =	vpush v11, $0xF;
	_ =	sdelay $0x5  }
0x8d: {  	s26 =	spop (v2sf)  }
0x8e: {  	s28 =	spop (v2sf)  }
0x8f: {  	s26 =	sxor.u32 $0x7FFFFFFF, s26;
	p0 =	sgt.f32 s28, $0.0e+00  }
0x90: {  	s26 =	sadd.s32 s26, s22  }
0x91: {  	s21 =	smov.u32 @p0 s26;
	p0 =	sgt.u32 s24, $0x3FE  }
0x92: {  	p1 =	slt.s32 @!p0 s21, $0x0  }
0x93: {  	p0 =	por p0, !p1  }
.Ltmp6:
0x94: {  	_ = 	snop;
	(pc) =	sbr.rel @!p0 .LBB2_10-.Ltmp6, $4  }
0x95: {  	_ = 	snop  }
0x96: {  	s30 =	spop (v2sf)  }
0x97: {  	s23 =	sadd.s32 $0xFFFFFFF0, s23;
	s31 =	sadd.s32 s30, s25  }
0x98: {  	s22 =	sadd.s32 $0xFFFFFFF0, s22;
	s24 =	sadd.s32 $0x1, s24;
	s25 =	sadd.s32 $0x80000000, s31  }
0x99: {  	s21 =	sadd.s32 $0xFFFFFFFF, s21  }
0x9a: {  	p0 =	sgt.s32 s21, $0x0  }
0x9b: {  	s21 =	simm.s32 @!p0 $0x0  }
0x9c: {  	s24 =	simm.s32 $0x0;
	s22 =	sshll.u32 s21, $0x12  }
0x9d: {  	s23 =	simm.s32 $0x0;
	s21 =	simm.s32 $0x0;
	v11 =	vmov s22;
	s22 =	simm.s32 $0x0  }
.LBB2_12:
0x9e: {  	s25 =	smul.u32 $0xC000, s23;
	_ =	sdelay $0x1  }
0x9f: {  	s25 =	sadd.s32 s5, s25  }
0xa0: {  	s25 =	sshrl.u32 s25, $0x3  }
0xa1: {  	s25 =	sadd.s32 s4, s25  }
0xa2: {  	[tilespmem:s21], [sflag:$0x1] =	stream.linear.gather [hbm4b:s25+s21], $0xC000, $0x38;
	[tilespmem:$0x18700] =	vst v63  }
0xa3: {  	_ =	swait.ge [sflag:s13], $0xC000  }
0xa4: {  	[sflag:s13] =	ssyncset.done $0x0  }
0xa5: {  	s9 =	simm.s32 $0x20;
	[sflag:s13] =	ssyncadd.s32 $0xFFFF4000  }
0xa6: {  	v12 =	vld [tilespmem:s9+$0xFFFFFFE0];
	_ =	sdelay $0x4  }
0xa7: {  	v13 =	vand.u32 $0x7FFFFFFF, v12  }
0xa8: {  	vm4 =	vlt.s32 v12, $0x0;
	v14 =	vxor.u32 $0xFFFFFFFF, v12;
	v13 =	vxor.u32 $0x80000000, v13  }
0xa9: {  	v13 =	vsel vm4, v14, v13  }
0xaa: {  	s26 =	sadd.s32 $0x0, s22;
	vm4 =	vge.u32 v13, v11  }
0xab: {  	v13 =	vor.u32 s26, v0;
	[tilespmem:s24+$0x10000] =	vst.msk vm4, v12;
	v12 =	vmpcnt.ones.xlane vm4  }
0xac: {  	[tilespmem:s24+$0x11000] =	vst.msk vm4, v13  }
0xad: {  	v13 =	vld [tilespmem:s9+$0xFFFFFFF0];
	(v2sf) =	vpush v12, $0x0;
	_ =	sdelay $0x4  }
0xae: {  	v12 =	vand.u32 $0x7FFFFFFF, v13  }
0xaf: {  	vm4 =	vlt.s32 v13, $0x0;
	v14 =	vxor.u32 $0xFFFFFFFF, v13;
	v12 =	vxor.u32 $0x80000000, v12  }
0xb0: {  	v12 =	vsel vm4, v14, v12  }
0xb1: {  	vm4 =	vge.u32 v12, v11  }
0xb2: {  	v12 =	vmpcnt.ones.xlane vm4;
	_ =	sdelay $0x1  }
0xb3: {  	(v2sf) =	vpush v12, $0x0;
	_ =	sdelay $0x3  }
0xb4: {  	s28 =	spop (v2sf)  }
0xb5: {  	s24 =	sadd.s32 s24, s28  }
0xb6: {  	p0 =	slt.s32 s24, $0xFF0  }
0xb7: {  	s10 =	sadd.s32 $0x10, s26;
	s24 =	simm.s32 @!p0 $0xFF0  }
0xb8: {  	v12 =	vor.u32 s10, v0;
	[tilespmem:s24+$0x10000] =	vst.msk vm4, v13  }
0xb9: {  	[tilespmem:s24+$0x11000] =	vst.msk vm4, v12  }
0xba: {  	v12 =	vld [tilespmem:s9+$0x0];
	_ =	sdelay $0x4  }
0xbb: {  	v13 =	vand.u32 $0x7FFFFFFF, v12;
	s11 =	spop (v2sf)  }
0xbc: {  	vm4 =	vlt.s32 v12, $0x0;
	v14 =	vxor.u32 $0xFFFFFFFF, v12;
	s24 =	sadd.s32 s24, s11;
	v13 =	vxor.u32 $0x80000000, v13  }
0xbd: {  	p0 =	slt.s32 s24, $0xFF0;
	v13 =	vsel vm4, v14, v13  }
0xbe: {  	s12 =	sadd.s32 $0x20, s26;
	s24 =	simm.s32 @!p0 $0xFF0;
	vm4 =	vge.u32 v13, v11  }
0xbf: {  	v13 =	vor.u32 s12, v0;
	[tilespmem:s24+$0x10000] =	vst.msk vm4, v12;
	v12 =	vmpcnt.ones.xlane vm4  }
0xc0: {  	[tilespmem:s24+$0x11000] =	vst.msk vm4, v13  }
0xc1: {  	v13 =	vld [tilespmem:s9+$0x10];
	(v2sf) =	vpush v12, $0x0;
	_ =	sdelay $0x4  }
0xc2: {  	v12 =	vand.u32 $0x7FFFFFFF, v13  }
0xc3: {  	vm4 =	vlt.s32 v13, $0x0;
	v14 =	vxor.u32 $0xFFFFFFFF, v13;
	v12 =	vxor.u32 $0x80000000, v12  }
0xc4: {  	v12 =	vsel vm4, v14, v12  }
0xc5: {  	vm4 =	vge.u32 v12, v11  }
0xc6: {  	v12 =	vmpcnt.ones.xlane vm4;
	_ =	sdelay $0x1  }
0xc7: {  	(v2sf) =	vpush v12, $0x0;
	_ =	sdelay $0x3  }
0xc8: {  	s16 =	spop (v2sf)  }
0xc9: {  	s25 =	sadd.s32 s24, s16  }
0xca: {  	p0 =	slt.s32 s25, $0xFF0  }
0xcb: {  	s28 =	sadd.s32 $0x30, s26;
	s25 =	simm.s32 @!p0 $0xFF0  }
0xcc: {  	v12 =	vor.u32 s28, v0;
	[tilespmem:s25+$0x10000] =	vst.msk vm4, v13  }
0xcd: {  	s24 =	simm.s32 $0x60;
	[tilespmem:s25+$0x11000] =	vst.msk vm4, v12  }
0xce: {  	v12 =	vld [tilespmem:s24+$0xFFFFFFE0];
	_ =	sdelay $0x4  }
0xcf: {  	v13 =	vand.u32 $0x7FFFFFFF, v12;
	s30 =	spop (v2sf)  }
0xd0: {  	vm4 =	vlt.s32 v12, $0x0;
	v14 =	vxor.u32 $0xFFFFFFFF, v12;
	v13 =	vxor.u32 $0x80000000, v13;
	s29 =	sadd.s32 s25, s30  }
0xd1: {  	s31 =	simm.s32 $0x80;
	s25 =	simm.s32 $0x40;
	v13 =	vsel vm4, v14, v13;
	p1 =	slt.s32 s29, $0xFF0  }
.LBB2_13:
0xd2: {  	s28 =	sadd.s32 s25, s22  }
0xd3: {  	vm4 =	vge.u32 v13, v11;
	s29 =	simm.s32 @!p1 $0xFF0;
	s25 =	smov.u32 s31;
	s26 =	sadd.s32 $0x40, s31  }
0xd4: {  	v13 =	vor.u32 s28, v0;
	[tilespmem:s29+$0x10000] =	vst.msk vm4, v12;
	v12 =	vmpcnt.ones.xlane vm4;
	s2 =	sadd.s32 $0x10, s28;
	s30 =	sadd.s32 $0x20, s28;
	s28 =	sadd.s32 $0x30, s28  }
0xd5: {  	p0 =	sne.s32 s31, $0xBFC0;
	[tilespmem:s29+$0x11000] =	vst.msk vm4, v13  }
0xd6: {  	v13 =	vld [tilespmem:s24+$0xFFFFFFF0];
	(v2sf) =	vpush v12, $0x0;
	_ =	sdelay $0x4  }
0xd7: {  	v12 =	vand.u32 $0x7FFFFFFF, v13  }
0xd8: {  	vm4 =	vlt.s32 v13, $0x0;
	v14 =	vxor.u32 $0xFFFFFFFF, v13;
	v12 =	vxor.u32 $0x80000000, v12  }
0xd9: {  	v12 =	vsel vm4, v14, v12  }
0xda: {  	vm4 =	vge.u32 v12, v11  }
0xdb: {  	v12 =	vmpcnt.ones.xlane vm4;
	_ =	sdelay $0x1  }
0xdc: {  	(v2sf) =	vpush v12, $0x0;
	_ =	sdelay $0x3  }
0xdd: {  	s31 =	spop (v2sf)  }
0xde: {  	s29 =	sadd.s32 s29, s31  }
0xdf: {  	p1 =	slt.s32 s29, $0xFF0  }
0xe0: {  	s29 =	simm.s32 @!p1 $0xFF0  }
0xe1: {  	v12 =	vor.u32 s2, v0;
	[tilespmem:s29+$0x10000] =	vst.msk vm4, v13  }
0xe2: {  	[tilespmem:s29+$0x11000] =	vst.msk vm4, v12  }
0xe3: {  	v12 =	vld [tilespmem:s24+$0x0];
	_ =	sdelay $0x4  }
0xe4: {  	v13 =	vand.u32 $0x7FFFFFFF, v12;
	s2 =	spop (v2sf)  }
0xe5: {  	vm4 =	vlt.s32 v12, $0x0;
	v14 =	vxor.u32 $0xFFFFFFFF, v12;
	s2 =	sadd.s32 s29, s2;
	v13 =	vxor.u32 $0x80000000, v13  }
0xe6: {  	p1 =	slt.s32 s2, $0xFF0;
	v13 =	vsel vm4, v14, v13  }
0xe7: {  	s2 =	simm.s32 @!p1 $0xFF0;
	vm4 =	vge.u32 v13, v11  }
0xe8: {  	v13 =	vor.u32 s30, v0;
	[tilespmem:s2+$0x10000] =	vst.msk vm4, v12;
	v12 =	vmpcnt.ones.xlane vm4  }
0xe9: {  	[tilespmem:s2+$0x11000] =	vst.msk vm4, v13  }
0xea: {  	v13 =	vld [tilespmem:s24+$0x10];
	(v2sf) =	vpush v12, $0x0;
	_ =	sdelay $0x4  }
0xeb: {  	v12 =	vand.u32 $0x7FFFFFFF, v13  }
0xec: {  	vm4 =	vlt.s32 v13, $0x0;
	v14 =	vxor.u32 $0xFFFFFFFF, v13;
	v12 =	vxor.u32 $0x80000000, v12  }
0xed: {  	v12 =	vsel vm4, v14, v12  }
0xee: {  	vm4 =	vge.u32 v12, v11  }
0xef: {  	v12 =	vmpcnt.ones.xlane vm4;
	_ =	sdelay $0x1  }
0xf0: {  	(v2sf) =	vpush v12, $0x0;
	_ =	sdelay $0x3  }
0xf1: {  	s29 =	spop (v2sf)  }
0xf2: {  	s2 =	sadd.s32 s2, s29  }
0xf3: {  	p1 =	slt.s32 s2, $0xFF0  }
0xf4: {  	s2 =	simm.s32 @!p1 $0xFF0  }
0xf5: {  	v12 =	vor.u32 s28, v0;
	[tilespmem:s2+$0x10000] =	vst.msk vm4, v13  }
0xf6: {  	s24 =	sadd.s32 $0x40, s24;
	[tilespmem:s2+$0x11000] =	vst.msk vm4, v12  }
0xf7: {  	v12 =	vld [tilespmem:s24+$0xFFFFFFE0];
	_ =	sdelay $0x2  }
.Ltmp7:
0xf8: {  	(pc) =	sbr.rel @p0 .LBB2_13-.Ltmp7, $4  }
0xf9: {  	_ = 	snop  }
0xfa: {  	v13 =	vand.u32 $0x7FFFFFFF, v12;
	s28 =	spop (v2sf)  }
0xfb: {  	vm4 =	vlt.s32 v12, $0x0;
	v14 =	vxor.u32 $0xFFFFFFFF, v12;
	v13 =	vxor.u32 $0x80000000, v13;
	s29 =	sadd.s32 s2, s28  }
0xfc: {  	s31 =	smov.u32 s26;
	v13 =	vsel vm4, v14, v13;
	p1 =	slt.s32 s29, $0xFF0  }
0xfd: {  	s2 =	sadd.s32 s25, s22;
	vm4 =	vge.u32 v13, v11;
	s29 =	simm.s32 @!p1 $0xFF0  }
0xfe: {  	v53 =	vor.u32 s2, v0;
	[tilespmem:s29+$0x10000] =	vst.msk vm4, v12;
	v54 =	vmpcnt.ones.xlane vm4  }
0xff: {  	[tilespmem:s29+$0x11000] =	vst.msk vm4, v53  }
0x100: {  	v13 =	vld [tilespmem:s24+$0xFFFFFFF0];
	(v2sf) =	vpush v54, $0x0;
	_ =	sdelay $0x4  }
0x101: {  	v55 =	vand.u32 $0x7FFFFFFF, v13  }
0x102: {  	vm4 =	vlt.s32 v13, $0x0;
	v14 =	vxor.u32 $0xFFFFFFFF, v13;
	v12 =	vxor.u32 $0x80000000, v55  }
0x103: {  	v12 =	vsel vm4, v14, v12  }
0x104: {  	vm4 =	vge.u32 v12, v11  }
0x105: {  	v12 =	vmpcnt.ones.xlane vm4;
	_ =	sdelay $0x1  }
0x106: {  	(v2sf) =	vpush v12, $0x0;
	_ =	sdelay $0x3  }
0x107: {  	s26 =	spop (v2sf)  }
0x108: {  	s25 =	sadd.s32 s29, s26  }
0x109: {  	p0 =	slt.s32 s25, $0xFF0  }
0x10a: {  	s26 =	sadd.s32 $0x10, s2;
	s25 =	simm.s32 @!p0 $0xFF0  }
0x10b: {  	v56 =	vor.u32 s26, v0;
	[tilespmem:s25+$0x10000] =	vst.msk vm4, v13  }
0x10c: {  	[tilespmem:s25+$0x11000] =	vst.msk vm4, v56  }
0x10d: {  	v12 =	vld [tilespmem:s24+$0x0];
	_ =	sdelay $0x4  }
0x10e: {  	v57 =	vand.u32 $0x7FFFFFFF, v12;
	s28 =	spop (v2sf)  }
0x10f: {  	vm4 =	vlt.s32 v12, $0x0;
	v58 =	vxor.u32 $0xFFFFFFFF, v12;
	s25 =	sadd.s32 s25, s28;
	v13 =	vxor.u32 $0x80000000, v57  }
0x110: {  	p0 =	slt.s32 s25, $0xFF0;
	v13 =	vsel vm4, v58, v13  }
0x111: {  	s29 =	sadd.s32 $0x20, s2;
	s25 =	simm.s32 @!p0 $0xFF0;
	vm4 =	vge.u32 v13, v11  }
0x112: {  	v59 =	vor.u32 s29, v0;
	[tilespmem:s25+$0x10000] =	vst.msk vm4, v12  }
0x113: {  	[tilespmem:s25+$0x11000] =	vst.msk vm4, v59  }
0x114: {  	v12 =	vld [tilespmem:s24+$0x10];
	_ =	sdelay $0x4  }
0x115: {  	v60 =	vmpcnt.ones.xlane vm4;
	v61 =	vand.u32 $0x7FFFFFFF, v12  }
0x116: {  	vm4 =	vlt.s32 v12, $0x0;
	v15 =	vxor.u32 $0xFFFFFFFF, v12;
	v14 =	vxor.u32 $0x80000000, v61  }
0x117: {  	v14 =	vsel vm4, v15, v14  }
0x118: {  	(v2sf) =	vpush v60, $0x0;
	vm4 =	vge.u32 v14, v11  }
0x119: {  	v62 =	vmpcnt.ones.xlane vm4;
	_ =	sdelay $0x1  }
0x11a: {  	(v2sf) =	vpush v62, $0x0;
	_ =	sdelay $0xb  }
0x11b: {  	s23 =	sadd.s32 $0x1, s23;
	s30 =	spop (v2sf)  }
0x11c: {  	p1 =	sne.s32 s23, $0x9;
	s25 =	sadd.s32 s25, s30  }
.Ltmp8:
0x11d: {  	p0 =	slt.s32 s25, $0xFF0;
	(pc) =	sbr.rel @p1 .LBB2_12-.Ltmp8, $4  }
0x11e: {  	s25 =	simm.s32 @!p0 $0xFF0;
	s31 =	spop (v2sf)  }
0x11f: {  	s2 =	sadd.s32 $0x30, s2;
	s24 =	sadd.s32 s25, s31  }
0x120: {  	v63 =	vor.u32 s2, v0;
	[tilespmem:s25+$0x10000] =	vst.msk vm4, v12;
	p0 =	slt.s32 s24, $0xFF0  }
0x121: {  	s22 =	sadd.s32 $0xC000, s22;
	[tilespmem:s25+$0x11000] =	vst.msk vm4, v63;
	s24 =	simm.s32 @!p0 $0xFF0  }
0x122: {  	[tilespmem:s3], [sflag:$0x1] =	stream.linear.gather [hbm4b:s7+s3], $0x3158, $0x38;
	[tilespmem:$0x18700] =	vst v63  }
0x123: {  	_ =	swait.ge [sflag:s13], $0x3158  }
0x124: {  	[sflag:s13] =	ssyncset.done $0x0  }
0x125: {  	s2 =	simm.s32 $0x20;
	[sflag:s13] =	ssyncadd.s32 $0xFFFFCEA8  }
0x126: {  	v12 =	vld [tilespmem:s2+$0xFFFFFFE0];
	_ =	sdelay $0x4  }
0x127: {  	v13 =	vand.u32 $0x7FFFFFFF, v12  }
0x128: {  	vm4 =	vlt.s32 v12, $0x0;
	v14 =	vxor.u32 $0xFFFFFFFF, v12;
	v13 =	vxor.u32 $0x80000000, v13  }
0x129: {  	v13 =	vsel vm4, v14, v13  }
0x12a: {  	s21 =	simm.s32 $0x6C000;
	vm4 =	vge.u32 v13, v11  }
0x12b: {  	v13 =	vor.u32 s21, v0;
	[tilespmem:s24+$0x10000] =	vst.msk vm4, v12;
	v12 =	vmpcnt.ones.xlane vm4  }
0x12c: {  	[tilespmem:s24+$0x11000] =	vst.msk vm4, v13  }
0x12d: {  	v13 =	vld [tilespmem:s2+$0xFFFFFFF0];
	(v2sf) =	vpush v12, $0x0;
	_ =	sdelay $0x4  }
0x12e: {  	v12 =	vand.u32 $0x7FFFFFFF, v13  }
0x12f: {  	vm4 =	vlt.s32 v13, $0x0;
	v14 =	vxor.u32 $0xFFFFFFFF, v13;
	v12 =	vxor.u32 $0x80000000, v12  }
0x130: {  	v12 =	vsel vm4, v14, v12  }
0x131: {  	vm4 =	vge.u32 v12, v11  }
0x132: {  	v12 =	vmpcnt.ones.xlane vm4;
	_ =	sdelay $0x1  }
0x133: {  	(v2sf) =	vpush v12, $0x0;
	_ =	sdelay $0x3  }
0x134: {  	s25 =	spop (v2sf)  }
0x135: {  	s21 =	sadd.s32 s24, s25  }
0x136: {  	p0 =	slt.s32 s21, $0xFF0  }
0x137: {  	s22 =	simm.s32 $0x6C010;
	s21 =	simm.s32 @!p0 $0xFF0  }
0x138: {  	v12 =	vor.u32 s22, v0;
	[tilespmem:s21+$0x10000] =	vst.msk vm4, v13  }
0x139: {  	[tilespmem:s21+$0x11000] =	vst.msk vm4, v12  }
0x13a: {  	v12 =	vld [tilespmem:s2+$0x0];
	_ =	sdelay $0x4  }
0x13b: {  	v13 =	vand.u32 $0x7FFFFFFF, v12;
	s26 =	spop (v2sf)  }
0x13c: {  	vm4 =	vlt.s32 v12, $0x0;
	v14 =	vxor.u32 $0xFFFFFFFF, v12;
	s21 =	sadd.s32 s21, s26;
	v13 =	vxor.u32 $0x80000000, v13  }
0x13d: {  	p0 =	slt.s32 s21, $0xFF0;
	v13 =	vsel vm4, v14, v13  }
0x13e: {  	s28 =	simm.s32 $0x6C020;
	s21 =	simm.s32 @!p0 $0xFF0;
	vm4 =	vge.u32 v13, v11  }
0x13f: {  	v13 =	vor.u32 s28, v0;
	[tilespmem:s21+$0x10000] =	vst.msk vm4, v12;
	v12 =	vmpcnt.ones.xlane vm4  }
0x140: {  	[tilespmem:s21+$0x11000] =	vst.msk vm4, v13  }
0x141: {  	v13 =	vld [tilespmem:s2+$0x10];
	(v2sf) =	vpush v12, $0x0;
	_ =	sdelay $0x4  }
0x142: {  	v12 =	vand.u32 $0x7FFFFFFF, v13  }
0x143: {  	vm4 =	vlt.s32 v13, $0x0;
	v14 =	vxor.u32 $0xFFFFFFFF, v13;
	v12 =	vxor.u32 $0x80000000, v12  }
0x144: {  	v12 =	vsel vm4, v14, v12  }
0x145: {  	vm4 =	vge.u32 v12, v11  }
0x146: {  	v12 =	vmpcnt.ones.xlane vm4;
	_ =	sdelay $0x1  }
0x147: {  	(v2sf) =	vpush v12, $0x0;
	_ =	sdelay $0x3  }
0x148: {  	s29 =	spop (v2sf)  }
0x149: {  	s2 =	sadd.s32 s21, s29  }
0x14a: {  	p0 =	slt.s32 s2, $0xFF0  }
0x14b: {  	s30 =	simm.s32 $0x6C030;
	s2 =	simm.s32 @!p0 $0xFF0  }
0x14c: {  	v12 =	vor.u32 s30, v0;
	[tilespmem:s2+$0x10000] =	vst.msk vm4, v13  }
0x14d: {  	s22 =	simm.s32 $0x60;
	[tilespmem:s2+$0x11000] =	vst.msk vm4, v12  }
0x14e: {  	v12 =	vld [tilespmem:s22+$0xFFFFFFE0];
	_ =	sdelay $0x4  }
0x14f: {  	v13 =	vand.u32 $0x7FFFFFFF, v12;
	s31 =	spop (v2sf)  }
0x150: {  	vm4 =	vlt.s32 v12, $0x0;
	v14 =	vxor.u32 $0xFFFFFFFF, v12;
	v13 =	vxor.u32 $0x80000000, v13;
	s25 =	sadd.s32 s2, s31  }
0x151: {  	s23 =	simm.s32 $0x6C080;
	s21 =	simm.s32 $0x6C040;
	v13 =	vsel vm4, v14, v13;
	p1 =	slt.s32 s25, $0xFF0  }
.LBB2_16:
0x152: {  	p0 =	sne.s32 s23, $0x6F100  }
0x153: {  	vm4 =	vge.u32 v13, v11;
	s25 =	simm.s32 @!p1 $0xFF0;
	s24 =	smov.u32 s23;
	s23 =	sadd.s32 $0x40, s23  }
0x154: {  	v13 =	vor.u32 s21, v0;
	[tilespmem:s25+$0x10000] =	vst.msk vm4, v12;
	v12 =	vmpcnt.ones.xlane vm4  }
0x155: {  	[tilespmem:s25+$0x11000] =	vst.msk vm4, v13  }
0x156: {  	v13 =	vld [tilespmem:s22+$0xFFFFFFF0];
	(v2sf) =	vpush v12, $0x0;
	_ =	sdelay $0x4  }
0x157: {  	v12 =	vand.u32 $0x7FFFFFFF, v13  }
0x158: {  	vm4 =	vlt.s32 v13, $0x0;
	v14 =	vxor.u32 $0xFFFFFFFF, v13;
	v12 =	vxor.u32 $0x80000000, v12  }
0x159: {  	v12 =	vsel vm4, v14, v12  }
0x15a: {  	vm4 =	vge.u32 v12, v11  }
0x15b: {  	v12 =	vmpcnt.ones.xlane vm4;
	_ =	sdelay $0x1  }
0x15c: {  	(v2sf) =	vpush v12, $0x0;
	_ =	sdelay $0x3  }
0x15d: {  	s2 =	spop (v2sf)  }
0x15e: {  	s2 =	sadd.s32 s25, s2  }
0x15f: {  	p1 =	slt.s32 s2, $0xFF0  }
0x160: {  	s25 =	sadd.s32 $0x10, s21;
	s2 =	simm.s32 @!p1 $0xFF0  }
0x161: {  	v12 =	vor.u32 s25, v0;
	[tilespmem:s2+$0x10000] =	vst.msk vm4, v13  }
0x162: {  	[tilespmem:s2+$0x11000] =	vst.msk vm4, v12  }
0x163: {  	v12 =	vld [tilespmem:s22+$0x0];
	_ =	sdelay $0x4  }
0x164: {  	v13 =	vand.u32 $0x7FFFFFFF, v12;
	s25 =	spop (v2sf)  }
0x165: {  	vm4 =	vlt.s32 v12, $0x0;
	v14 =	vxor.u32 $0xFFFFFFFF, v12;
	s2 =	sadd.s32 s2, s25;
	v13 =	vxor.u32 $0x80000000, v13  }
0x166: {  	p1 =	slt.s32 s2, $0xFF0;
	v13 =	vsel vm4, v14, v13  }
0x167: {  	s25 =	sadd.s32 $0x20, s21;
	s2 =	simm.s32 @!p1 $0xFF0;
	vm4 =	vge.u32 v13, v11  }
0x168: {  	v13 =	vor.u32 s25, v0;
	[tilespmem:s2+$0x10000] =	vst.msk vm4, v12;
	v12 =	vmpcnt.ones.xlane vm4  }
0x169: {  	[tilespmem:s2+$0x11000] =	vst.msk vm4, v13  }
0x16a: {  	v13 =	vld [tilespmem:s22+$0x10];
	(v2sf) =	vpush v12, $0x0;
	_ =	sdelay $0x4  }
0x16b: {  	v12 =	vand.u32 $0x7FFFFFFF, v13  }
0x16c: {  	vm4 =	vlt.s32 v13, $0x0;
	v14 =	vxor.u32 $0xFFFFFFFF, v13;
	v12 =	vxor.u32 $0x80000000, v12  }
0x16d: {  	v12 =	vsel vm4, v14, v12  }
0x16e: {  	vm4 =	vge.u32 v12, v11  }
0x16f: {  	v12 =	vmpcnt.ones.xlane vm4;
	_ =	sdelay $0x1  }
0x170: {  	(v2sf) =	vpush v12, $0x0;
	_ =	sdelay $0x3  }
0x171: {  	s25 =	spop (v2sf)  }
0x172: {  	s2 =	sadd.s32 s2, s25  }
0x173: {  	p1 =	slt.s32 s2, $0xFF0  }
0x174: {  	s25 =	sadd.s32 $0x30, s21;
	s21 =	smov.u32 s24;
	s2 =	simm.s32 @!p1 $0xFF0  }
0x175: {  	v12 =	vor.u32 s25, v0;
	[tilespmem:s2+$0x10000] =	vst.msk vm4, v13  }
0x176: {  	s22 =	sadd.s32 $0x40, s22;
	[tilespmem:s2+$0x11000] =	vst.msk vm4, v12  }
0x177: {  	v12 =	vld [tilespmem:s22+$0xFFFFFFE0];
	_ =	sdelay $0x2  }
.Ltmp9:
0x178: {  	(pc) =	sbr.rel @p0 .LBB2_16-.Ltmp9, $4  }
0x179: {  	_ = 	snop  }
0x17a: {  	v13 =	vand.u32 $0x7FFFFFFF, v12;
	s24 =	spop (v2sf)  }
0x17b: {  	vm4 =	vlt.s32 v12, $0x0;
	v14 =	vxor.u32 $0xFFFFFFFF, v12;
	v13 =	vxor.u32 $0x80000000, v13;
	s25 =	sadd.s32 s2, s24  }
0x17c: {  	v13 =	vsel vm4, v14, v13;
	p1 =	slt.s32 s25, $0xFF0  }
0x17d: {  	vm4 =	vge.u32 v13, v11;
	s25 =	simm.s32 @!p1 $0xFF0  }
0x17e: {  	v48 =	vor.u32 s21, v0;
	[tilespmem:s25+$0x10000] =	vst.msk vm4, v12;
	v49 =	vmpcnt.ones.xlane vm4  }
0x17f: {  	[tilespmem:s25+$0x11000] =	vst.msk vm4, v48  }
0x180: {  	v13 =	vld [tilespmem:s22+$0xFFFFFFF0];
	(v2sf) =	vpush v49, $0x0;
	_ =	sdelay $0x4  }
0x181: {  	v50 =	vand.u32 $0x7FFFFFFF, v13  }
0x182: {  	vm4 =	vlt.s32 v13, $0x0;
	v14 =	vxor.u32 $0xFFFFFFFF, v13;
	v12 =	vxor.u32 $0x80000000, v50  }
0x183: {  	v12 =	vsel vm4, v14, v12  }
0x184: {  	vm4 =	vge.u32 v12, v11  }
0x185: {  	v12 =	vmpcnt.ones.xlane vm4;
	_ =	sdelay $0x1  }
0x186: {  	(v2sf) =	vpush v12, $0x0;
	_ =	sdelay $0x3  }
0x187: {  	s2 =	spop (v2sf)  }
0x188: {  	s2 =	sadd.s32 s25, s2  }
0x189: {  	p0 =	slt.s32 s2, $0xFF0  }
0x18a: {  	s23 =	sadd.s32 $0x10, s21;
	s2 =	simm.s32 @!p0 $0xFF0  }
0x18b: {  	v51 =	vor.u32 s23, v0;
	[tilespmem:s2+$0x10000] =	vst.msk vm4, v13  }
0x18c: {  	[tilespmem:s2+$0x11000] =	vst.msk vm4, v51  }
0x18d: {  	v12 =	vld [tilespmem:s22+$0x0];
	_ =	sdelay $0x4  }
0x18e: {  	v52 =	vand.u32 $0x7FFFFFFF, v12;
	s12 =	spop (v2sf)  }
0x18f: {  	vm4 =	vlt.s32 v12, $0x0;
	v53 =	vxor.u32 $0xFFFFFFFF, v12;
	s2 =	sadd.s32 s2, s12;
	v13 =	vxor.u32 $0x80000000, v52  }
0x190: {  	p0 =	slt.s32 s2, $0xFF0;
	v13 =	vsel vm4, v53, v13  }
0x191: {  	s16 =	sadd.s32 $0x20, s21;
	s2 =	simm.s32 @!p0 $0xFF0;
	vm4 =	vge.u32 v13, v11  }
0x192: {  	v54 =	vor.u32 s16, v0;
	[tilespmem:s2+$0x10000] =	vst.msk vm4, v12;
	v55 =	vmpcnt.ones.xlane vm4  }
0x193: {  	[tilespmem:s2+$0x11000] =	vst.msk vm4, v54  }
0x194: {  	v13 =	vld [tilespmem:s22+$0x10];
	(v2sf) =	vpush v55, $0x0;
	_ =	sdelay $0x4  }
0x195: {  	v56 =	vand.u32 $0x7FFFFFFF, v13  }
0x196: {  	vm4 =	vlt.s32 v13, $0x0;
	v57 =	vxor.u32 $0xFFFFFFFF, v13;
	v12 =	vxor.u32 $0x80000000, v56  }
0x197: {  	v12 =	vsel vm4, v57, v12  }
0x198: {  	vm4 =	vge.u32 v12, v11  }
0x199: {  	v12 =	vmpcnt.ones.xlane vm4;
	_ =	sdelay $0x1  }
0x19a: {  	(v2sf) =	vpush v12, $0x0;
	_ =	sdelay $0x3  }
0x19b: {  	s23 =	spop (v2sf)  }
0x19c: {  	s2 =	sadd.s32 s2, s23  }
0x19d: {  	p0 =	slt.s32 s2, $0xFF0  }
0x19e: {  	s24 =	sadd.s32 $0x30, s21;
	s2 =	simm.s32 @!p0 $0xFF0  }
0x19f: {  	v58 =	vor.u32 s24, v0;
	[tilespmem:s2+$0x10000] =	vst.msk vm4, v13  }
0x1a0: {  	[tilespmem:s2+$0x11000] =	vst.msk vm4, v58  }
0x1a1: {  	v12 =	vld [tilespmem:$0x3140];
	_ =	sdelay $0x4  }
0x1a2: {  	s25 =	spop (v2sf);
	v59 =	vand.u32 $0x7FFFFFFF, v12  }
0x1a3: {  	vm4 =	vlt.s32 v12, $0x0;
	v60 =	vxor.u32 $0xFFFFFFFF, v12;
	s2 =	sadd.s32 s2, s25;
	v13 =	vxor.u32 $0x80000000, v59  }
0x1a4: {  	p0 =	slt.s32 s2, $0xFF0;
	v13 =	vsel vm4, v60, v13  }
0x1a5: {  	s2 =	simm.s32 @!p0 $0xFF0;
	vm4 =	vge.u32 v13, v11  }
0x1a6: {  	[tilespmem:s2+$0x10000] =	vst.msk vm4, v12  }
0x1a7: {  	[tilespmem:s2+$0x11000] =	vst.msk vm4, v5  }
0x1a8: {  	v12 =	vld [tilespmem:$0x3150];
	_ =	sdelay $0x4  }
0x1a9: {  	v61 =	vand.u32 $0x7FFFFFFF, v12  }
0x1aa: {  	vm5 =	vlt.s32 v12, $0x0;
	v62 =	vxor.u32 $0xFFFFFFFF, v12;
	v13 =	vxor.u32 $0x80000000, v61  }
0x1ab: {  	v13 =	vsel vm5, v62, v13  }
0x1ac: {  	v63 =	vmpcnt.ones.xlane vm4;
	vm4 =	vge.u32 v13, v11;
	v11 =	vld [tilespmem:$0x1FFF0];
	_ =	sdelay $0x4  }
0x1ad: {  	vm0 =	vnez.u8 v11  }
0x1ae: {  	(v2sf) =	vpush v63, $0x0;
	vm4 =	vmand vm4, vm0  }
0x1af: {  	v11 =	vmpcnt.ones.xlane vm4;
	_ =	sdelay $0x1  }
0x1b0: {  	(v2sf) =	vpush v11, $0x0;
	_ =	sdelay $0xb  }
0x1b1: {  	s26 =	spop (v2sf)  }
0x1b2: {  	s2 =	sadd.s32 s2, s26  }
0x1b3: {  	p0 =	slt.s32 s2, $0xFF0  }
0x1b4: {  	s2 =	simm.s32 @!p0 $0xFF0;
	s28 =	spop (v2sf)  }
0x1b5: {  	s22 =	sadd.s32 s2, s28  }
0x1b6: {  	p0 =	slt.s32 s22, $0xFF0  }
0x1b7: {  	p5 =	slt.s32 s22, $0xFFFFFFF2;
	s22 =	simm.s32 @!p0 $0xFF0  }
0x1b8: {  	s29 =	sadd.s32 $0xF, s22  }
0x1b9: {  	s30 =	sand.u32 $0xF, s29  }
0x1ba: {  	s31 =	sshra.s32 s29, $0x1F;
	p6 =	sne.s32 s30, $0x0  }
0x1bb: {  	s23 =	sshrl.u32 s31, $0x1C;
	p0 =	por !p5, !p6  }
0x1bc: {  	s21 =	sadd.s32 s23, s29;
	s23 =	simm.s32 $0x1;
	p0 =	por !p0, !p0  }
0x1bd: {  	s21 =	sshra.s32 s21, $0x4;
	s23 =	simm.s32 @!p0 $0x0  }
0x1be: {  	s21 =	ssub.s32 s21, s23  }
0x1bf: {  	p0 =	slt.s32 s21, $0x1  }
.Ltmp10:
0x1c0: {  	_ = 	snop;
	(pc) =	sbr.rel @p0 .LBB2_27-.Ltmp10, $4  }
0x1c1: {  	[tilespmem:s2+$0x10000] =	vst.msk vm4, v12  }
0x1c2: {  	[tilespmem:s2+$0x11000] =	vst.msk vm4, v6  }
0x1c3: {  	[tilespmem:s22+$0x10000] =	vst v7  }
0x1c4: {  	[tilespmem:s22+$0x11000] =	vst v8  }
0x1c5: {  	p0 =	sne.s32 s21, $0x1  }
.Ltmp11:
0x1c6: {  	_ = 	snop;
	(pc) =	sbr.rel @!p0 .LBB2_19-.Ltmp11, $3  }
0x1c7: {  	_ =	sdelay $0x1  }
0x1c8: {  	s2 =	simm.s32 $0x10000  }
0x1c9: {  	s23 =	simm.s32 $0x12000;
	s22 =	sadd.s32 $0xFFFFFFFF, s21;
	p1 =	por $0x0, $0x0;
	v11 =	vld [tilespmem:s2+$0x0]  }
0x1ca: {  	_ =	sdelay $0x3  }
0x1cb: {  	v11 =	vsub.f32 $0.0e+00, v11;
	_ =	sdelay $0x1  }
0x1cc: {  	v11 =	vmul.f32 $1.442695020e+00, v11;
	_ =	sdelay $0x1  }
0x1cd: {  	(erf) = vpow2.f32 v11;
	_ =	sdelay $0x8  }
0x1ce: {  	v11 =	vpop (erf)  }
0x1cf: {  	v11 =	vadd.f32 $1.000000000e+00, v11;
	_ =	sdelay $0x1  }
0x1d0: {  	(erf) = vrcp.f32 v11;
	_ =	sdelay $0x5  }
0x1d1: {  	p2 =	sne.s32 s22, $0x1  }
.Ltmp12:
0x1d2: {  	_ = 	snop;
	(pc) =	sbr.rel @!p2 .LBB2_21-.Ltmp12, $4  }
0x1d3: {  	_ = 	snop  }
0x1d4: {  	v11 =	vpop (erf)  }
0x1d5: {  	s25 =	simm.s32 $0x10010;
	[tilespmem:s23+$0x0] =	vst v11  }
0x1d6: {  	s26 =	sadd.s32 $0xFFFFFFFF, s22;
	p1 =	por $0x1, $0x1;
	s24 =	simm.s32 $0x12000;
	v11 =	vld [tilespmem:s25+$0x0]  }
.LBB2_22:
0x1d7: {  	p2 =	sne.s32 s26, $0x1;
	_ =	sdelay $0x3  }
0x1d8: {  	v11 =	vsub.f32 $0.0e+00, v11;
	_ =	sdelay $0x1  }
0x1d9: {  	v11 =	vmul.f32 $1.442695020e+00, v11;
	_ =	sdelay $0x1  }
0x1da: {  	(erf) = vpow2.f32 v11;
	_ =	sdelay $0x8  }
0x1db: {  	v11 =	vpop (erf)  }
0x1dc: {  	v11 =	vadd.f32 $1.000000000e+00, v11;
	_ =	sdelay $0x1  }
0x1dd: {  	(erf) = vrcp.f32 v11;
	_ =	sdelay $0x6  }
.Ltmp13:
0x1de: {  	(pc) =	sbr.rel @p2 .LBB2_22-.Ltmp13, $4  }
0x1df: {  	_ = 	snop  }
0x1e0: {  	s24 =	sadd.s32 $0x10, s24;
	v11 =	vpop (erf)  }
0x1e1: {  	s25 =	sadd.s32 $0x10, s25;
	[tilespmem:s24+$0x0] =	vst v11  }
0x1e2: {  	s26 =	sadd.s32 $0xFFFFFFFF, s26;
	v11 =	vld [tilespmem:s25+$0x0]  }
.LBB2_23:
0x1e3: {  	_ =	sdelay $0x3  }
0x1e4: {  	v11 =	vsub.f32 $0.0e+00, v11;
	_ =	sdelay $0x1  }
0x1e5: {  	v11 =	vmul.f32 $1.442695020e+00, v11;
	_ =	sdelay $0x1  }
0x1e6: {  	(erf) = vpow2.f32 v11;
	_ =	sdelay $0x8  }
0x1e7: {  	v11 =	vpop (erf)  }
0x1e8: {  	v11 =	vadd.f32 $1.000000000e+00, v11;
	_ =	sdelay $0x1  }
0x1e9: {  	(erf) = vrcp.f32 v11;
	_ =	sdelay $0x7  }
0x1ea: {  	s2 =	sadd.s32 @p1 $0x10, s24  }
0x1eb: {  	s23 =	smov.u32 @p1 s2;
	v11 =	vpop (erf)  }
0x1ec: {  	s0 =	rddreg [dreg:$0xa];
	[tilespmem:s23+$0x0] =	vst v11  }
0x1ed: {  	v12 =	vld [tilespmem:s0+$0x17E80];
	_ =	sdelay $0x4  }
0x1ee: {  	s23 =	simm.s32 $0x0;
	v11 =	vbroadcast v12, $0x1;
	v12 =	vbroadcast v12, $0x0  }
.LBB2_24:
0x1ef: {  	s2 =	simm.s32 $0x12000  }
0x1f0: {  	v17 =	vld [tilespmem:s2+$0x0];
	_ =	sdelay $0x2  }
0x1f1: {  	s24 =	simm.s32 $0x11000  }
0x1f2: {  	v16 =	vld [tilespmem:s24+$0x0]  }
0x1f3: {  	v18 =	vbroadcast v17, $0x0;
	v15 =	vbroadcast v17, $0xE  }
0x1f4: {  	v19 =	vbroadcast v17, $0x3;
	v20 =	vbroadcast v17, $0xB  }
0x1f5: {  	v21 =	vbroadcast v17, $0x4;
	v22 =	vbroadcast v17, $0x6  }
0x1f6: {  	v24 =	vbroadcast v17, $0x9;
	v25 =	vbroadcast v17, $0x5  }
0x1f7: {  	v26 =	vbroadcast v17, $0x8;
	v27 =	vbroadcast v16, $0xB  }
0x1f8: {  	s31 =	sshll.u32 s23, $0x4;
	v28 =	vbroadcast v16, $0x0;
	v30 =	vbroadcast v16, $0x8  }
0x1f9: {  	v13 =	vld [tilespmem:s31+$0x12000];
	v31 =	vbroadcast v16, $0x2;
	v32 =	vbroadcast v17, $0x7  }
0x1fa: {  	v33 =	vbroadcast v17, $0xA;
	v35 =	vbroadcast v16, $0xA  }
0x1fb: {  	v36 =	vbroadcast v16, $0x6;
	v53 =	vbroadcast v16, $0x7  }
0x1fc: {  	v39 =	vbroadcast v17, $0xC;
	v40 =	vbroadcast v16, $0xC  }
0x1fd: {  	v14 =	vimm.s32 $0x0;
	v41 =	vbroadcast v17, $0xD;
	v42 =	vbroadcast v16, $0x1  }
0x1fe: {  	v43 =	vbroadcast v17, $0x2;
	v46 =	vbroadcast v16, $0x3;
	vm4 =	vgt.f32 v18, v13  }
0x1ff: {  	vm10 =	veq.f32 v20, v13;
	vm5 =	vgt.f32 v19, v13;
	vm6 =	vgt.f32 v25, v13  }
0x200: {  	vm11 =	veq.f32 v24, v13;
	vm13 =	veq.f32 v22, v13;
	vm8 =	vgt.f32 v15, v13  }
0x201: {  	vm9 =	vgt.f32 v33, v13;
	vm15 =	vgt.f32 v41, v13;
	vm0 =	veq.f32 v18, v13  }
0x202: {  	v18 =	vbroadcast v17, $0x1;
	vm2 =	vgt.f32 v43, v13;
	v17 =	vbroadcast v17, $0xF  }
0x203: {  	v23 =	vsel vm4, $0x1, v1;
	vm4 =	vgt.f32 v22, v13;
	v29 =	vsel vm5, $0x1, v1  }
0x204: {  	vm5 =	vgt.f32 v21, v13;
	v55 =	vsel vm9, $0x1, v1;
	v58 =	vsel vm2, $0x1, v1  }
0x205: {  	vm2 =	veq.f32 v43, v13;
	v59 =	vsel vm15, $0x1, v1;
	v23 =	vadd.s32 v23, v14;
	v14 =	vld [tilespmem:s31+$0x11000]  }
0x206: {  	v60 =	vsel vm6, $0x1, v1;
	v34 =	vsel vm4, $0x1, v1;
	vm4 =	vgt.f32 v32, v13  }
0x207: {  	v44 =	vsel vm8, $0x1, v1;
	v22 =	vsel vm4, $0x1, v1;
	vm4 =	vgt.f32 v26, v13  }
0x208: {  	vm15 =	veq.f32 v39, v13;
	v37 =	vsel vm4, $0x1, v1;
	vm4 =	vgt.f32 v24, v13  }
0x209: {  	v54 =	vsel vm4, $0x1, v1;
	vm4 =	vgt.f32 v20, v13;
	v20 =	vbroadcast v16, $0xD  }
0x20a: {  	vm8 =	veq.f32 v25, v13;
	v38 =	vsel vm5, $0x1, v1;
	vm7 =	vlt.s32 v28, v14  }
0x20b: {  	vm5 =	vlt.s32 v53, v14;
	vm9 =	vlt.s32 v20, v14;
	v20 =	vsel vm4, $0x1, v1  }
0x20c: {  	vm14 =	vlt.s32 v30, v14;
	vm4 =	vgt.f32 v39, v13;
	vm0 =	vmand vm0, vm7  }
0x20d: {  	vm12 =	vlt.s32 v40, v14;
	v56 =	vsel vm0, $0x1, v1;
	vm0 =	vgt.f32 v18, v13  }
0x20e: {  	vm1 =	vlt.s32 v31, v14;
	v57 =	vsel vm4, $0x1, v1;
	v45 =	vsel vm0, $0x1, v1  }
0x20f: {  	vm4 =	vmand vm2, vm1;
	vm1 =	veq.f32 v19, v13;
	v23 =	vadd.s32 v45, v23  }
0x210: {  	v19 =	vbroadcast v16, $0x4;
	vm0 =	veq.f32 v41, v13;
	v23 =	vadd.s32 v58, v23  }
0x211: {  	vm9 =	vmand vm0, vm9;
	vm0 =	vlt.s32 v46, v14;
	v23 =	vadd.s32 v29, v23  }
0x212: {  	vm2 =	veq.f32 v32, v13;
	vm0 =	vmand vm1, vm0;
	v23 =	vadd.s32 v38, v23  }
0x213: {  	v61 =	vsel vm0, $0x1, v1;
	vm0 =	vlt.s32 v19, v14;
	v19 =	vadd.s32 v60, v23  }
0x214: {  	vm7 =	vlt.s32 v42, v14;
	vm6 =	vmand vm2, vm5;
	v19 =	vadd.s32 v34, v19  }
0x215: {  	vm5 =	veq.f32 v17, v13;
	vm2 =	veq.f32 v18, v13;
	v19 =	vadd.s32 v22, v19  }
0x216: {  	vm2 =	vmand vm2, vm7;
	vm1 =	vgt.f32 v17, v13;
	v17 =	vadd.s32 v37, v19  }
0x217: {  	vm7 =	veq.f32 v21, v13;
	v63 =	vsel vm6, $0x1, v1;
	v17 =	vadd.s32 v54, v17  }
0x218: {  	v18 =	vsel vm2, $0x1, v1;
	v23 =	vbroadcast v16, $0x5;
	v17 =	vadd.s32 v55, v17  }
0x219: {  	v62 =	vsel vm1, $0x1, v1;
	vm0 =	vmand vm7, vm0;
	v17 =	vadd.s32 v20, v17  }
0x21a: {  	vm1 =	vlt.s32 v23, v14;
	v22 =	vsel vm4, $0x1, v1;
	v17 =	vadd.s32 v57, v17  }
0x21b: {  	v23 =	vbroadcast v16, $0x9;
	v19 =	vsel vm0, $0x1, v1;
	v17 =	vadd.s32 v59, v17  }
0x21c: {  	vm0 =	vmand vm8, vm1;
	vm1 =	veq.f32 v33, v13;
	v17 =	vadd.s32 v44, v17  }
0x21d: {  	v20 =	vsel vm0, $0x1, v1;
	vm0 =	vlt.s32 v36, v14;
	v17 =	vadd.s32 v62, v17  }
0x21e: {  	vm2 =	vlt.s32 v23, v14;
	vm0 =	vmand vm13, vm0;
	v17 =	vadd.s32 v56, v17  }
0x21f: {  	v21 =	vsel vm0, $0x1, v1;
	vm0 =	vlt.s32 v35, v14;
	v17 =	vadd.s32 v18, v17  }
0x220: {  	vm0 =	vmand vm1, vm0;
	vm1 =	veq.f32 v26, v13;
	v22 =	vadd.s32 v22, v17  }
0x221: {  	vm1 =	vmand vm1, vm14;
	v18 =	vbroadcast v16, $0xF;
	v22 =	vadd.s32 v61, v22  }
.Ltmp14:
0x222: {  	v23 =	vsel vm1, $0x1, v1;
	v17 =	vsel vm0, $0x1, v1;
	v22 =	vadd.s32 v19, v22;
	(pc) =	sbr.rel @!p0 .LBB2_26-.Ltmp14, $4  }
0x223: {  	vm0 =	vmand vm11, vm2;
	vm1 =	vlt.s32 v18, v14;
	v20 =	vadd.s32 v20, v22  }
0x224: {  	v19 =	vsel vm0, $0x1, v1;
	vm0 =	vlt.s32 v27, v14;
	v18 =	vadd.s32 v21, v20  }
0x225: {  	vm11 =	vmand vm15, vm12;
	vm0 =	vmand vm10, vm0;
	v20 =	vadd.s32 v63, v18  }
0x226: {  	s25 =	simm.s32 $0x12010;
	s26 =	smov.u32 s22;
	vm10 =	vmand vm5, vm1;
	v18 =	vsel vm0, $0x1, v1;
	v20 =	vadd.s32 v23, v20  }
.LBB2_25:
0x227: {  	v21 =	vld [tilespmem:s25+$0x0];
	p1 =	sne.s32 s26, $0x1;
	s26 =	sadd.s32 $0xFFFFFFFF, s26;
	v16 =	vbroadcast v16, $0xE;
	v19 =	vadd.s32 v19, v20;
	s24 =	sadd.s32 $0x10, s24  }
0x228: {  	vm0 =	veq.f32 v15, v13;
	v15 =	vadd.s32 v17, v19  }
0x229: {  	v17 =	vsel vm11, $0x1, v1;
	vm1 =	vlt.s32 v16, v14;
	v15 =	vadd.s32 v18, v15  }
0x22a: {  	v18 =	vsel vm9, $0x1, v1;
	vm0 =	vmand vm0, vm1;
	v15 =	vadd.s32 v17, v15  }
0x22b: {  	v19 =	vsel vm10, $0x1, v1;
	v16 =	vld [tilespmem:s24+$0x0];
	v17 =	vsel vm0, $0x1, v1;
	v18 =	vadd.s32 v18, v15  }
0x22c: {  	v20 =	vbroadcast v21, $0x0;
	v15 =	vbroadcast v21, $0xE;
	v17 =	vadd.s32 v17, v18  }
0x22d: {  	v22 =	vbroadcast v21, $0x3;
	v23 =	vbroadcast v21, $0xB;
	v17 =	vadd.s32 v19, v17  }
0x22e: {  	v24 =	vbroadcast v21, $0x6;
	v19 =	vbroadcast v21, $0x4;
	vm0 =	vgt.f32 v20, v13  }
0x22f: {  	v25 =	vbroadcast v21, $0x9;
	vm10 =	veq.f32 v23, v13;
	v18 =	vsel vm0, $0x1, v1  }
0x230: {  	v27 =	vbroadcast v21, $0x5;
	vm0 =	vgt.f32 v24, v13;
	v26 =	vadd.s32 v18, v17  }
0x231: {  	vm1 =	vgt.f32 v22, v13;
	v17 =	vbroadcast v21, $0x8;
	v18 =	vbroadcast v16, $0xB  }
0x232: {  	v29 =	vsel vm1, $0x1, v1;
	v28 =	vbroadcast v16, $0x0;
	v30 =	vbroadcast v16, $0x8  }
0x233: {  	v32 =	vbroadcast v21, $0x7;
	vm9 =	vgt.f32 v27, v13;
	v31 =	vbroadcast v16, $0x2  }
0x234: {  	v33 =	vbroadcast v21, $0xA;
	vm11 =	veq.f32 v25, v13;
	vm1 =	vgt.f32 v19, v13  }
0x235: {  	v34 =	vsel vm0, $0x1, v1;
	vm0 =	vgt.f32 v32, v13;
	v35 =	vbroadcast v16, $0xA  }
0x236: {  	vm13 =	veq.f32 v24, v13;
	v24 =	vsel vm0, $0x1, v1;
	vm0 =	vgt.f32 v17, v13  }
0x237: {  	v36 =	vbroadcast v16, $0x6;
	v37 =	vsel vm0, $0x1, v1;
	vm0 =	vgt.f32 v25, v13  }
0x238: {  	vm2 =	vlt.s32 v28, v14;
	v25 =	vbroadcast v16, $0x7;
	v28 =	vsel vm0, $0x1, v1  }
0x239: {  	vm6 =	vgt.f32 v15, v13;
	vm0 =	vgt.f32 v23, v13;
	v23 =	vbroadcast v16, $0xD  }
0x23a: {  	v38 =	vsel vm1, $0x1, v1;
	vm1 =	vgt.f32 v33, v13;
	vm5 =	vlt.s32 v25, v14  }
0x23b: {  	v39 =	vbroadcast v21, $0xC;
	v25 =	vsel vm1, $0x1, v1;
	vm8 =	vlt.s32 v23, v14  }
0x23c: {  	v41 =	vbroadcast v21, $0xD;
	v40 =	vbroadcast v16, $0xC;
	v23 =	vsel vm0, $0x1, v1  }
0x23d: {  	v43 =	vbroadcast v21, $0x2;
	v42 =	vbroadcast v16, $0x1;
	vm14 =	vlt.s32 v30, v14  }
0x23e: {  	vm12 =	vlt.s32 v40, v14;
	vm1 =	vgt.f32 v41, v13;
	vm0 =	vgt.f32 v39, v13  }
0x23f: {  	vm4 =	veq.f32 v20, v13;
	v20 =	vbroadcast v21, $0x1;
	vm15 =	vlt.s32 v31, v14  }
0x240: {  	vm7 =	vlt.s32 v42, v14;
	vm2 =	vmand vm4, vm2;
	vm4 =	vgt.f32 v43, v13  }
0x241: {  	v30 =	vsel vm2, $0x1, v1;
	vm2 =	vgt.f32 v20, v13;
	v31 =	vsel vm0, $0x1, v1  }
0x242: {  	v40 =	vsel vm4, $0x1, v1;
	v42 =	vsel vm1, $0x1, v1;
	vm0 =	veq.f32 v43, v13  }
0x243: {  	v44 =	vsel vm6, $0x1, v1;
	v43 =	vsel vm9, $0x1, v1;
	vm4 =	vmand vm0, vm15  }
0x244: {  	v46 =	vbroadcast v16, $0x3;
	v45 =	vsel vm2, $0x1, v1;
	vm0 =	veq.f32 v41, v13  }
0x245: {  	v26 =	vadd.s32 v45, v26;
	vm15 =	veq.f32 v39, v13;
	vm9 =	vmand vm0, vm8  }
0x246: {  	v21 =	vbroadcast v21, $0xF;
	v26 =	vadd.s32 v40, v26;
	vm0 =	vlt.s32 v46, v14  }
0x247: {  	vm1 =	veq.f32 v22, v13;
	v22 =	vbroadcast v16, $0x4;
	v26 =	vadd.s32 v29, v26  }
0x248: {  	v26 =	vadd.s32 v38, v26;
	vm0 =	vmand vm1, vm0;
	vm1 =	vgt.f32 v21, v13  }
0x249: {  	v29 =	vsel vm0, $0x1, v1;
	vm0 =	vlt.s32 v22, v14;
	v22 =	vadd.s32 v43, v26  }
0x24a: {  	vm2 =	veq.f32 v32, v13;
	v26 =	vbroadcast v16, $0x5;
	v22 =	vadd.s32 v34, v22  }
0x24b: {  	vm6 =	vmand vm2, vm5;
	v32 =	vsel vm1, $0x1, v1;
	v22 =	vadd.s32 v24, v22  }
0x24c: {  	vm5 =	veq.f32 v21, v13;
	vm1 =	vlt.s32 v26, v14;
	v21 =	vadd.s32 v37, v22  }
0x24d: {  	vm2 =	veq.f32 v20, v13;
	vm8 =	veq.f32 v27, v13;
	v20 =	vadd.s32 v28, v21  }
0x24e: {  	vm2 =	vmand vm2, vm7;
	vm7 =	veq.f32 v19, v13;
	v19 =	vadd.s32 v25, v20  }
0x24f: {  	vm0 =	vmand vm7, vm0;
	v20 =	vsel vm2, $0x1, v1;
	v19 =	vadd.s32 v23, v19  }
0x250: {  	v21 =	vsel vm0, $0x1, v1;
	vm0 =	vmand vm8, vm1;
	v19 =	vadd.s32 v31, v19  }
0x251: {  	v22 =	vsel vm0, $0x1, v1;
	vm0 =	vlt.s32 v36, v14;
	v19 =	vadd.s32 v42, v19  }
0x252: {  	vm1 =	veq.f32 v33, v13;
	vm0 =	vmand vm13, vm0;
	v19 =	vadd.s32 v44, v19  }
0x253: {  	v23 =	vsel vm0, $0x1, v1;
	vm0 =	vlt.s32 v35, v14;
	v19 =	vadd.s32 v32, v19  }
0x254: {  	v24 =	vsel vm4, $0x1, v1;
	vm0 =	vmand vm1, vm0;
	v19 =	vadd.s32 v30, v19  }
0x255: {  	vm1 =	veq.f32 v17, v13;
	v17 =	vbroadcast v16, $0x9;
	v19 =	vadd.s32 v20, v19  }
0x256: {  	vm1 =	vmand vm1, vm14;
	v20 =	vbroadcast v16, $0xF;
	v19 =	vadd.s32 v24, v19  }
0x257: {  	vm2 =	vlt.s32 v17, v14;
	v17 =	vsel vm0, $0x1, v1;
	v19 =	vadd.s32 v29, v19  }
.Ltmp15:
0x258: {  	vm0 =	vmand vm11, vm2;
	v24 =	vsel vm1, $0x1, v1;
	v21 =	vadd.s32 v21, v19;
	(pc) =	sbr.rel @p1 .LBB2_25-.Ltmp15, $4  }
0x259: {  	v25 =	vsel vm6, $0x1, v1;
	v19 =	vsel vm0, $0x1, v1;
	v21 =	vadd.s32 v22, v21  }
0x25a: {  	vm1 =	vlt.s32 v20, v14;
	vm0 =	vlt.s32 v18, v14;
	v18 =	vadd.s32 v23, v21  }
0x25b: {  	vm0 =	vmand vm10, vm0;
	vm10 =	vmand vm5, vm1;
	v20 =	vadd.s32 v25, v18  }
0x25c: {  	s25 =	sadd.s32 $0x10, s25;
	vm11 =	vmand vm15, vm12;
	v18 =	vsel vm0, $0x1, v1;
	v20 =	vadd.s32 v24, v20  }
.LBB2_26:
0x25d: {  	(v2sf) =	vpush v14, $0xD;
	_ =	sdelay $0x1  }
0x25e: {  	(v2sf) =	vpush v14, $0xC  }
0x25f: {  	(v2sf) =	vpush v14, $0xE  }
0x260: {  	(v2sf) =	vpush v14, $0xF;
	_ =	sdelay $0x1  }
0x261: {  	(v2sf) =	vpush v14, $0x9;
	_ =	sdelay $0x1  }
0x262: {  	(v2sf) =	vpush v14, $0x8;
	_ =	sdelay $0x1  }
0x263: {  	(v2sf) =	vpush v14, $0xA;
	_ =	sdelay $0x1  }
0x264: {  	(v2sf) =	vpush v14, $0xB;
	_ =	sdelay $0x1  }
0x265: {  	(v2sf) =	vpush v14, $0x1  }
0x266: {  	s2 =	spop (v2sf);
	(v2sf) =	vpush v14, $0x0  }
0x267: {  	s24 =	smulhi.u32 $0xB40B40B5, s2;
	s25 =	sshra.s32 s2, $0x1F  }
0x268: {  	s26 =	spop (v2sf);
	s25 =	smul.u32 $0xB40B40B5, s25  }
0x269: {  	s28 =	spop (v2sf);
	s29 =	smulhi.u32 $0xB40B40B5, s26;
	s30 =	sshra.s32 s26, $0x1F  }
0x26a: {  	s31 =	spop (v2sf);
	s30 =	smul.u32 $0xB40B40B5, s30  }
0x26b: {  	(v2sf) =	vpush v14, $0x2;
	s0 =	smulhi.u32 $0xB40B40B5, s28;
	s1 =	sshra.s32 s28, $0x1F;
	s2 =	ssub.s32 s24, s2  }
0x26c: {  	s12 =	spop (v2sf);
	s1 =	smul.u32 $0xB40B40B5, s1;
	s24 =	sadd.s32 s25, s2  }
0x26d: {  	(v2sf) =	vpush v14, $0x3;
	s11 =	smulhi.u32 $0xB40B40B5, s31;
	s8 =	sshra.s32 s31, $0x1F;
	s26 =	ssub.s32 s29, s26  }
0x26e: {  	s16 =	spop (v2sf);
	s0 =	ssub.s32 s0, s28;
	s28 =	smul.u32 $0xB40B40B5, s8  }
0x26f: {  	(v2sf) =	vpush v14, $0x4;
	s9 =	smulhi.u32 $0xB40B40B5, s12;
	s6 =	sshra.s32 s12, $0x1F;
	s26 =	sadd.s32 s30, s26  }
0x270: {  	s8 =	spop (v2sf);
	s25 =	sadd.s32 s1, s0;
	s0 =	smul.u32 $0xB40B40B5, s6  }
0x271: {  	(v2sf) =	vpush v14, $0x5;
	s1 =	smulhi.u32 $0xB40B40B5, s16;
	s10 =	sshra.s32 s16, $0x1F;
	s2 =	ssub.s32 s11, s31  }
0x272: {  	s30 =	spop (v2sf);
	s12 =	ssub.s32 s9, s12;
	s6 =	smul.u32 $0xB40B40B5, s10  }
0x273: {  	(v2sf) =	vpush v14, $0x6;
	s29 =	smulhi.u32 $0xB40B40B5, s8;
	s11 =	sshra.s32 s8, $0x1F;
	s2 =	sadd.s32 s28, s2  }
0x274: {  	s9 =	spop (v2sf);
	s0 =	sadd.s32 s0, s12;
	s12 =	smul.u32 $0xB40B40B5, s11  }
0x275: {  	s28 =	smulhi.u32 $0xB40B40B5, s30;
	s31 =	sshra.s32 s30, $0x1F;
	s10 =	spop (v2sf);
	(v2sf) =	vpush v14, $0x7  }
0x276: {  	s1 =	ssub.s32 s1, s16;
	s16 =	smul.u32 $0xB40B40B5, s31;
	s8 =	ssub.s32 s29, s8  }
0x277: {  	s29 =	smulhi.u32 $0xB40B40B5, s9;
	s31 =	sshra.s32 s9, $0x1F;
	s1 =	sadd.s32 s6, s1  }
0x278: {  	s6 =	sadd.s32 s12, s8;
	s8 =	smul.u32 $0xB40B40B5, s31;
	s12 =	ssub.s32 s28, s30  }
0x279: {  	s12 =	sadd.s32 s16, s12;
	s28 =	smulhi.u32 $0xB40B40B5, s10;
	s30 =	sshra.s32 s10, $0x1F  }
0x27a: {  	s9 =	ssub.s32 s29, s9;
	s11 =	spop (v2sf);
	s16 =	smul.u32 $0xB40B40B5, s30  }
0x27b: {  	s8 =	sadd.s32 s8, s9;
	s29 =	smulhi.u32 $0xB40B40B5, s11;
	s30 =	sshra.s32 s11, $0x1F  }
0x27c: {  	s31 =	spop (v2sf);
	s28 =	ssub.s32 s28, s10;
	s10 =	smul.u32 $0xB40B40B5, s30  }
0x27d: {  	s9 =	sadd.s32 s16, s28;
	s16 =	smulhi.u32 $0xB40B40B5, s31;
	s28 =	sshra.s32 s31, $0x1F  }
0x27e: {  	vm0 =	vcmask $0x300;
	s30 =	spop (v2sf);
	s11 =	ssub.s32 s29, s11;
	s28 =	smul.u32 $0xB40B40B5, s28  }
0x27f: {  	vm1 =	vcmask $0x1310;
	v19 =	vadd.s32 v19, v20;
	v16 =	vbroadcast v16, $0xE;
	s29 =	sshra.s32 s30, $0x1F;
	s10 =	sadd.s32 s10, s11;
	s11 =	smulhi.u32 $0xB40B40B5, s30  }
0x280: {  	vm2 =	vcmask $0x3330;
	v49 =	vsel vm9, $0x1, v1;
	v21 =	vmov s9;
	s29 =	smul.u32 $0xB40B40B5, s29;
	s31 =	ssub.s32 s16, s31;
	s16 =	spop (v2sf)  }
0x281: {  	v22 =	vmov s26;
	v21 =	vnsel vm0, $0x0, v21;
	vm0 =	vcmask $0xB08;
	s9 =	sadd.s32 s28, s31;
	s26 =	smulhi.u32 $0xB40B40B5, s16;
	s31 =	sshra.s32 s16, $0x1F  }
0x282: {  	v23 =	vmov s1;
	v22 =	vsel vm0, s24, v22;
	v21 =	vsel vm0, s8, v21;
	s24 =	ssub.s32 s11, s30;
	s8 =	spop (v2sf);
	s28 =	smul.u32 $0xB40B40B5, s31  }
0x283: {  	v17 =	vadd.s32 v17, v19;
	v23 =	vsel vm0, s0, v23;
	v21 =	vsel vm1, s10, v21;
	s29 =	sadd.s32 s29, s24;
	s30 =	smulhi.u32 $0xB40B40B5, s8;
	s31 =	sshra.s32 s8, $0x1F  }
0x284: {  	vm0 =	vcmask $0x2320;
	v22 =	vsel vm1, s25, v22;
	v21 =	vsel vm3, s9, v21;
	s9 =	ssub.s32 s26, s16;
	s16 =	smul.u32 $0xB40B40B5, s31;
	s24 =	spop (v2sf)  }
0x285: {  	v23 =	vsel vm1, s6, v23;
	vm1 =	vlt.s32 v16, v14;
	v22 =	vsel vm3, s2, v22;
	s25 =	sadd.s32 s28, s9;
	s26 =	smulhi.u32 $0xB40B40B5, s24;
	s28 =	sshra.s32 s24, $0x1F  }
0x286: {  	v53 =	vld [tilespmem:$0x1FFF0];
	v23 =	vsel vm3, s12, v23;
	v46 =	vsel vm0, s29, v21;
	vm0 =	vcmask $0x2B28;
	s29 =	ssub.s32 s30, s8;
	s30 =	smul.u32 $0xB40B40B5, s28  }
0x287: {  	v47 =	vcombine.low v23, v22;
	v20 =	vsel vm0, s25, v46;
	s0 =	sadd.s32 s16, s29;
	vm0 =	veq.f32 v15, v13;
	s2 =	ssub.s32 s26, s24  }
0x288: {  	v48 =	vsel vm2, s0, v20;
	vm0 =	vmand vm0, vm1;
	vm1 =	vcmask $0x3B38;
	s31 =	sadd.s32 s30, s2  }
0x289: {  	v17 =	vadd.s32 v18, v17;
	v15 =	vsel vm11, $0x1, v1;
	v18 =	vsel vm1, s31, v48  }
0x28a: {  	v15 =	vadd.s32 v15, v17;
	v16 =	vperm.xlane v47, v9;
	v50 =	vperm.xlane v18, v10  }
0x28b: {  	v51 =	vsel vm0, $0x1, v1;
	v15 =	vadd.s32 v49, v15;
	vm0 =	vnez.u8 v53  }
0x28c: {  	v52 =	vsel vm10, $0x1, v1;
	v15 =	vadd.s32 v51, v15;
	v16 =	vsel vm0, v50, v16  }
0x28d: {  	v15 =	vadd.s32 v52, v15;
	v16 =	vadd.s32 v14, v16  }
0x28e: {  	vm4 =	vlt.s32 v15, $0x12C;
	v54 =	vshrl.u32 v16, $0x1F;
	v16 =	vshra.s32 v16, $0x6  }
0x28f: {  	v16 =	vadd.s32 v54, v16  }
0x290: {  	v17 =	vshll.u32 v16, $0x2  }
0x291: {  	v55 =	vor.u32 $0x2, v17  }
0x292: {  	v16 =	vmul.u32 $0xFFFFFFA5, v16;
	v56 =	vor.u32 $0x3, v17;
	_ =	sdelay $0x1  }
0x293: {  	[tilespmem:v15+s17+$0x0] =	vst.idx.msk vm4, v13;
	v13 =	vadd.s32 v14, v16;
	v14 =	vor.u32 $0x1, v17  }
0x294: {  	[tilespmem:v15+s18+$0x0] =	vst.idx.msk vm4, v13  }
0x295: {  	v13 =	vld.idx.msk [tilespmem:v55+s14+$0x0], vm4  }
0x296: {  	v57 =	vld.idx.msk [tilespmem:v56+s14+$0x0], vm4  }
0x297: {  	v17 =	vld.idx.msk [tilespmem:v17+s14+$0x0], vm4  }
0x298: {  	v14 =	vld.idx.msk [tilespmem:v14+s14+$0x0], vm4;
	_ =	sdelay $0x1  }
0x299: {  	v13 =	vmul.f32 $5.000000000e-01, v13  }
0x29a: {  	v15 =	vshll.u32 v15, $0x2;
	v16 =	vmul.f32 $5.000000000e-01, v57  }
0x29b: {  	v59 =	vor.u32 $0x1, v15;
	v58 =	vsub.f32 v17, v13  }
0x29c: {  	s23 =	sadd.s32 $0x1, s23;
	v61 =	vor.u32 $0x2, v15;
	v60 =	vsub.f32 v14, v16  }
0x29d: {  	p1 =	sne.s32 s23, s21;
	v62 =	vor.u32 $0x3, v15;
	v13 =	vadd.f32 v13, v17;
	v18 =	vmul.f32 v58, v11  }
.Ltmp16:
0x29e: {  	v14 =	vadd.f32 v16, v14;
	v63 =	vmul.f32 v60, v12;
	(pc) =	sbr.rel @p1 .LBB2_24-.Ltmp16, $4  }
.Ltmp17:
0x29f: {  	v13 =	vmul.f32 v13, v11;
	[tilespmem:v15+s19+$0x0] =	vst.idx.msk vm4, v18;
	(pc) =	sbr.rel @!p1 .LBB2_27-.Ltmp17, $4  }
0x2a0: {  	v14 =	vmul.f32 v14, v12;
	[tilespmem:v59+s19+$0x0] =	vst.idx.msk vm4, v63  }
0x2a1: {  	[tilespmem:v61+s19+$0x0] =	vst.idx.msk vm4, v13  }
0x2a2: {  	[tilespmem:v62+s19+$0x0] =	vst.idx.msk vm4, v14  }
0x2a3: {  	_ = 	snop  }
.LBB2_19:
.Ltmp18:
0x2a4: {  	(pc) =	sbr.rel .LBB2_23-.Ltmp18, $2  }
0x2a5: {  	_ =	sdelay $0x2  }
0x2a6: {  	s24 =	simm.s32 $0x12000  }
.LBB2_21:
.Ltmp19:
0x2a7: {  	(pc) =	sbr.rel .LBB2_23-.Ltmp19, $2  }
0x2a8: {  	_ =	sdelay $0x2  }
0x2a9: {  	s24 =	simm.s32 $0x12000  }
.LBB2_28:
0x2aa: {  	_ =	sfence.sel $0x180000  }
0x2ab: {  	[bflag:$0x0] =	sbarrier.arrive $0xFFFF  }
0x2ac: {  	_ =	strace $0x90000047  }
0x2ad: {  	s0 =	stileid.u32;
	[bflag:$0x2] =	sbarrier.arrive $0xFFFF  }
0x2ae: {  	p0 =	sne.s32 s0, $0x0;
	s0 =	rddreg [dreg:$0x4]  }
0x2af: {  	s0 =	sadd.s32 @!p0 $0x100000, s0  }
0x2b0: {  	[sflag:s0] =	ssyncadd.tile.s32 @!p0 $0x1;
	_ =	shalt  }
.Lfunc_end2:
_tile_overlayer_lowered:
.L_overlay_start_2:
0x2b1: {  	(tag) =	ssettag $0x2  }
0x2b2: {  	s0 =	rddreg [dreg:$0x0];
	s2 =	stileid.u32  }
0x2b3: {  	s1 =	rddreg [dreg:$0x1];
	p0 =	sne.s32 s2, $0x0  }
0x2b4: {  	s3 =	rddreg [dreg:$0x2];
	[bflag:$0x3] =	sbarrier.arrive $0xFFFF;
	s2 =	simm.s32 @!p0 $0x1C01  }
0x2b5: {  	[timem:s3], [sflag:s2] =	dma.local @!p0 [hbm:s0], s1  }
0x2b6: {  	s0 =	simm.s32 @!p0 $0x1  }
0x2b7: {  	_ =	swait.ge @!p0 [sflag:s0], s1  }
0x2b8: {  	s1 =	ssub.s32 @!p0 $0x0, s1;
	[sflag:s0] =	ssyncset.done @!p0 $0x0  }
0x2b9: {  	[sflag:s0] =	ssyncadd.s32 @!p0 s1  }
0x2ba: {  	[bflag:$0x3] =	sbarrier.arrive $0xFFFF  }
0x2bb: {  	_ =	shalt  }

</sc_bundles>
